<compile_context>
chip_gen: v7x
topology: tpu7x:2x2x1
jax: 0.10.2.dev20260603
libtpu: 0.0.44.dev20260713+nightly
codegen_flags: <defaults>
</compile_context>

<pallas_src>
import functools

import jax
import jax.numpy as jnp
from jax import lax
from jax.experimental import pallas as pl
from jax.experimental.pallas import tpu as pltpu
from jax.experimental.pallas import tpu_sc as plsc

LANES = 16


@functools.lru_cache(maxsize=None)
def _build_sc_gather(N, D, V, C):
    info = plsc.get_sparse_core_info()
    NC, NS = info.num_cores, info.num_subcores
    NW = NC * NS
    assert N % (8 * NW) == 0
    rows_w = N // NW
    GR = 128
    CH = 256
    assert rows_w % CH == 0
    nch = rows_w // CH
    L = C // 3

    mesh = plsc.VectorSubcoreMesh(core_axis_name="c", subcore_axis_name="s")

    @functools.partial(
        pl.kernel,
        mesh=mesh,
        compiler_params=pltpu.CompilerParams(use_tc_tiling_on_sc=False),
        out_type=jax.ShapeDtypeStruct((N, D), jnp.float32),
        scratch_types=[
            pltpu.VMEM((rows_w,), jnp.int32),
            pltpu.VMEM((rows_w,), jnp.int32),
            pltpu.VMEM((2, CH, D), jnp.float32),
            pltpu.VMEM((2, CH, D), jnp.float32),
            pltpu.VMEM((2, CH, D), jnp.float32),
            pltpu.SemaphoreType.DMA,
            pltpu.SemaphoreType.DMA,
            pltpu.SemaphoreType.DMA,
            pltpu.SemaphoreType.DMA,
        ],
    )
    def k(seq_hbm, seg_hbm, table_hbm, combo_hbm, out_hbm,
          tokidx_v, cidx_v, tok_v, add_v, out_v, gsa, gsb, wsa, wsb):
        wid = lax.axis_index("s") * NC + lax.axis_index("c")
        base = wid * rows_w
        pltpu.sync_copy(seq_hbm.at[pl.ds(base, rows_w)], tokidx_v)
        pltpu.sync_copy(seg_hbm.at[pl.ds(base, rows_w)], cidx_v)

        def idx_body(i, _):
            for u in range(4):
                off = (i * 4 + u) * LANES
                nvec = lax.iota(jnp.int32, LANES) + (base + off)
                lvec = lax.rem(nvec, L)
                cidx_v[pl.ds(off, LANES)] = lvec * 3 + cidx_v[pl.ds(off, LANES)]
            return 0

        lax.fori_loop(0, rows_w // (4 * LANES), idx_body, 0)

        gsem = (gsa, gsb)
        wsem = (wsa, wsb)

        def fire_gathers(c, p):
            for h in range(CH // GR):
                off = c * CH + h * GR
                pltpu.async_copy(table_hbm.at[tokidx_v.at[pl.ds(off, GR)]],
                                 tok_v.at[p, pl.ds(h * GR, GR)], gsem[p])
                pltpu.async_copy(combo_hbm.at[cidx_v.at[pl.ds(off, GR)]],
                                 add_v.at[p, pl.ds(h * GR, GR)], gsem[p])

        def wait_gathers(c, p):
            for h in range(CH // GR):
                off = c * CH + h * GR
                pltpu.make_async_copy(table_hbm.at[tokidx_v.at[pl.ds(off, GR)]],
                                      tok_v.at[p, pl.ds(h * GR, GR)], gsem[p]).wait()
                pltpu.make_async_copy(combo_hbm.at[cidx_v.at[pl.ds(off, GR)]],
                                      add_v.at[p, pl.ds(h * GR, GR)], gsem[p]).wait()

        def fire_wb(c, p):
            pltpu.async_copy(out_v.at[p], out_hbm.at[pl.ds(base + c * CH, CH)],
                             wsem[p])

        def wait_wb(c, p):
            pltpu.make_async_copy(out_v.at[p], out_hbm.at[pl.ds(base + c * CH, CH)],
                                  wsem[p]).wait()

        def do_add(p):
            def add_body(r4, _):
                for dr in range(4):
                    r = r4 * 4 + dr
                    for cc in range(D // LANES):
                        sl = pl.ds(cc * LANES, LANES)
                        out_v[p, r, sl] = tok_v[p, r, sl] + add_v[p, r, sl]
                return 0

            lax.fori_loop(0, CH // 4, add_body, 0)

        fire_gathers(0, 0)
        fire_gathers(1, 1)

        def pipe_body(i, _):
            for p in range(2):
                c = i * 2 + p
                wait_gathers(c, p)

                @pl.when(i > 0)
                def _():
                    wait_wb(c - 2, p)

                do_add(p)
                fire_wb(c, p)

                @pl.when(c + 2 < nch)
                def _():
                    fire_gathers(c + 2, p)

            return 0

        lax.fori_loop(0, nch // 2, pipe_body, 0)
        if nch % 2:
            c = nch - 1
            wait_gathers(c, 0)
            wait_wb(c - 2, 0)
            do_add(0)
            fire_wb(c, 0)
        wait_wb(nch - 2, (nch - 2) % 2)
        wait_wb(nch - 1, (nch - 1) % 2)

    return k


def kernel(sequence, segment_label, token_table, seg_table, pe):
    B, L = sequence.shape
    V, D = token_table.shape
    N = B * L
    combo = (pe[0, :L, :][:, None, :] + seg_table[None, :, :]).reshape(L * 3, D)
    seq_flat = sequence.reshape(N).astype(jnp.int32)
    seg_flat = segment_label.reshape(N).astype(jnp.int32)
    k = _build_sc_gather(N, D, V, L * 3)
    out = k(seq_flat, seg_flat, token_table, combo)
    return out.reshape(B, L, D)

# --- scband reference (transcript-rebuilt; emitter-appended) ---
"""Pipeline reference for scband-bertembedding-3573412790682 (READ-ONLY COPY).

The authoritative reference and input builder live on the scoring server;
editing this copy changes nothing except your own understanding.
"""

import math
import jax, jax.numpy as jnp
import numpy as np

VOCAB = 1000000
D = 64
MAX_LEN = 256
B = 1024
L = 200


def _make_pe(max_len, d_model):
    pe = np.zeros((max_len, d_model), dtype=np.float32)
    position = np.arange(0, max_len, dtype=np.float32)[:, None]
    div_term = np.exp(np.arange(0, d_model, 2, dtype=np.float32) * -(math.log(10000.0) / d_model))
    odd_len = d_model - div_term.shape[-1]
    pe[:, 0::2] = np.sin(position * div_term)
    pe[:, 1::2] = np.cos(position * div_term[:odd_len])
    return jnp.asarray(pe[None, :, :])  # [1, max_len, d_model]


def setup_inputs(seed: int = 0) -> dict:
    key = jax.random.key(seed)
    k1, k2, k3, k4 = jax.random.split(key, 4)
    sequence = jax.random.randint(k1, (B, L), 0, VOCAB, dtype=jnp.int64 if jax.config.jax_enable_x64 else jnp.int32)
    segment_label = jax.random.randint(k2, (B, L), 0, 3, dtype=jnp.int64 if jax.config.jax_enable_x64 else jnp.int32)
    token_table = jax.random.normal(k3, (VOCAB, D), dtype=jnp.float32) * 0.02
    token_table = token_table.at[0].set(0.0)  # padding_idx=0
    seg_table = jax.random.normal(k4, (3, D), dtype=jnp.float32) * 0.02
    seg_table = seg_table.at[0].set(0.0)  # padding_idx=0
    pe = _make_pe(MAX_LEN, D)
    return {
        'sequence': sequence,
        'segment_label': segment_label,
        'token_table': token_table,
        'seg_table': seg_table,
        'pe': pe,
    }


def reference(sequence, segment_label, token_table, seg_table, pe):
    # token embedding (gather) + sinusoidal positional slice + segment embedding (gather)
    seq_len = sequence.shape[1]
    tok = jnp.take(token_table, sequence, axis=0)          # [B, L, D]
    pos = pe[:, :seq_len]                                   # [1, L, D]
    seg = jnp.take(seg_table, segment_label, axis=0)       # [B, L, D]
    x = tok + pos + seg
    # dropout is identity in eval mode
    return x

if __name__ == "__main__":
    import jax
    _d = setup_inputs()
    print(jax.jit(kernel)(*tuple(_d.values())))

</pallas_src>

<mosaic_0001>
#map = affine_map<(d0, d1) -> (0)>
#map1 = affine_map<(d0, d1) -> (0, 0)>
module attributes {stable_mosaic.version = 14 : i64} {
  func.func @k(%arg0: i32, %arg1: i32, %arg2: memref<204800xi32, #tpu.memory_space<hbm>>, %arg3: memref<204800xi32, #tpu.memory_space<hbm>>, %arg4: memref<1000000x64xf32, #tpu.memory_space<hbm>>, %arg5: memref<600x64xf32, #tpu.memory_space<hbm>>, %arg6: memref<204800x64xf32, #tpu.memory_space<hbm>>, %arg7: memref<6400xi32, #tpu.memory_space<vmem>>, %arg8: memref<6400xi32, #tpu.memory_space<vmem>>, %arg9: memref<2x256x64xf32, #tpu.memory_space<vmem>>, %arg10: memref<2x256x64xf32, #tpu.memory_space<vmem>>, %arg11: memref<2x256x64xf32, #tpu.memory_space<vmem>>, %arg12: memref<!tpu.dma_semaphore, #tpu.memory_space<semaphore_mem>>, %arg13: memref<!tpu.dma_semaphore, #tpu.memory_space<semaphore_mem>>, %arg14: memref<!tpu.dma_semaphore, #tpu.memory_space<semaphore_mem>>, %arg15: memref<!tpu.dma_semaphore, #tpu.memory_space<semaphore_mem>>) attributes {dimension_semantics = [#tpu.dimension_semantics<core_parallel>, #tpu.dimension_semantics<subcore_parallel>], iteration_bounds = array<i64: 2, 16>, scalar_prefetch = 0 : i64, scratch_operands = 9 : i64, tpu.core_type = #tpu.core_type<sc_vector_subcore>, window_params = [{transform_indices = #map}, {transform_indices = #map}, {transform_indices = #map1}, {transform_indices = #map1}, {transform_indices = #map1}]} {
    %mul3A = arith.constant 2 : i32
    %mul3A_0 = arith.muli %arg1, %mul3A : i32
    %add3A = arith.addi %mul3A_0, %arg0 : i32
    %mul3A_1 = arith.constant 6400 : i32
    %mul3A_2 = arith.muli %add3A, %mul3A_1 : i32
    "tpu.region"() ({
      %run_scoped3A = tpu.sem_alloc : memref<!tpu.dma_semaphore, #tpu.memory_space<semaphore_mem>>
      %dma_start3A_201 = tpu.memref_slice %arg2[%mul3A_2] : memref<204800xi32, #tpu.memory_space<hbm>> -> memref<6400xi32, #tpu.memory_space<hbm>>
      %dma_start3A_202 = tpu.memref_slice %arg2[%mul3A_2] : memref<204800xi32, #tpu.memory_space<hbm>> -> memref<6400xi32, #tpu.memory_space<hbm>>
      tpu.enqueue_dma source(%dma_start3A_202 : memref<6400xi32, #tpu.memory_space<hbm>>) target(%arg7 : memref<6400xi32, #tpu.memory_space<vmem>>) target_semaphore(%run_scoped3A : memref<!tpu.dma_semaphore, #tpu.memory_space<semaphore_mem>>)
      %dma_wait3A_203 = tpu.memref_slice %arg2[%mul3A_2] : memref<204800xi32, #tpu.memory_space<hbm>> -> memref<6400xi32, #tpu.memory_space<hbm>>
      %dma_wait3A_204 = tpu.memref_slice %arg2[%mul3A_2] : memref<204800xi32, #tpu.memory_space<hbm>> -> memref<6400xi32, #tpu.memory_space<hbm>>
      tpu.wait_dma2 semaphore(%run_scoped3A : memref<!tpu.dma_semaphore, #tpu.memory_space<semaphore_mem>>) src(%dma_wait3A_204 : memref<6400xi32, #tpu.memory_space<hbm>>) dst(%arg7 : memref<6400xi32, #tpu.memory_space<vmem>>)
      tpu.yield
    }) : () -> ()
    "tpu.region"() ({
      %run_scoped3A = tpu.sem_alloc : memref<!tpu.dma_semaphore, #tpu.memory_space<semaphore_mem>>
      %dma_start3A_201 = tpu.memref_slice %arg3[%mul3A_2] : memref<204800xi32, #tpu.memory_space<hbm>> -> memref<6400xi32, #tpu.memory_space<hbm>>
      %dma_start3A_202 = tpu.memref_slice %arg3[%mul3A_2] : memref<204800xi32, #tpu.memory_space<hbm>> -> memref<6400xi32, #tpu.memory_space<hbm>>
      tpu.enqueue_dma source(%dma_start3A_202 : memref<6400xi32, #tpu.memory_space<hbm>>) target(%arg8 : memref<6400xi32, #tpu.memory_space<vmem>>) target_semaphore(%run_scoped3A : memref<!tpu.dma_semaphore, #tpu.memory_space<semaphore_mem>>)
      %dma_wait3A_203 = tpu.memref_slice %arg3[%mul3A_2] : memref<204800xi32, #tpu.memory_space<hbm>> -> memref<6400xi32, #tpu.memory_space<hbm>>
      %dma_wait3A_204 = tpu.memref_slice %arg3[%mul3A_2] : memref<204800xi32, #tpu.memory_space<hbm>> -> memref<6400xi32, #tpu.memory_space<hbm>>
      tpu.wait_dma2 semaphore(%run_scoped3A : memref<!tpu.dma_semaphore, #tpu.memory_space<semaphore_mem>>) src(%dma_wait3A_204 : memref<6400xi32, #tpu.memory_space<hbm>>) dst(%arg8 : memref<6400xi32, #tpu.memory_space<vmem>>)
      tpu.yield
    }) : () -> ()
    %scan3A = arith.constant 0 : i32
    %scan3A_3 = arith.constant 0 : i32
    %scan3A_4 = arith.constant 100 : i32
    %scan3A_5 = arith.addi %scan3A_3, %scan3A_4 : i32
    %scan3A_6 = arith.constant 1 : i32
    %scan3A_7 = scf.for %scan3A_201 = %scan3A_3 to %scan3A_5 step %scan3A_6 iter_args(%scan3A_202 = %scan3A) -> (i32)  : i32 {
      %mul3A_203 = arith.constant 4 : i32
      %mul3A_204 = arith.muli %scan3A_201, %mul3A_203 : i32
      %add3A_205 = arith.constant 0 : i32
      %add3A_206 = arith.addi %mul3A_204, %add3A_205 : i32
      %mul3A_207 = arith.constant 16 : i32
      %mul3A_208 = arith.muli %add3A_206, %mul3A_207 : i32
      %iota3A = tpu.iota {dimensions = array<i32: 0>} : vector<16xi32>
      %add3A_209 = arith.addi %mul3A_2, %mul3A_208 : i32
      %add3A_210 = vector.broadcast %add3A_209 : i32 to vector<16xi32>
      %add3A_211 = arith.addi %iota3A, %add3A_210 : vector<16xi32>
      %rem3A = arith.constant 200 : i32
      %rem3A_212 = vector.broadcast %rem3A : i32 to vector<16xi32>
      %rem3A_213 = arith.remsi %add3A_211, %rem3A_212 : vector<16xi32>
      %mul3A_214 = arith.constant 3 : i32
      %mul3A_215 = vector.broadcast %mul3A_214 : i32 to vector<16xi32>
      %mul3A_216 = arith.muli %rem3A_213, %mul3A_215 : vector<16xi32>
      %get3A = arith.index_cast %mul3A_208 : i32 to index
      %get3A_217 = tpu.vector_load %arg8[%get3A] {strides = array<i32>} : memref<6400xi32, #tpu.memory_space<vmem>>, vector<16xi32>,
      %get3A_218 = vector.shape_cast %get3A_217 : vector<16xi32> to vector<16xi32>
      %add3A_219 = arith.addi %mul3A_216, %get3A_218 : vector<16xi32>
      %swap3A = arith.index_cast %mul3A_208 : i32 to index
      %swap3A_220 = tpu.vector_load %arg8[%swap3A] {strides = array<i32>} : memref<6400xi32, #tpu.memory_space<vmem>>, vector<16xi32>,
      %swap3A_221 = vector.shape_cast %swap3A_220 : vector<16xi32> to vector<16xi32>
      %swap3A_222 = vector.shape_cast %add3A_219 : vector<16xi32> to vector<16xi32>
      tpu.vector_store %arg8[%swap3A], %swap3A_222 {strides = array<i32>} : memref<6400xi32, #tpu.memory_space<vmem>>, vector<16xi32>,
      %mul3A_223 = arith.constant 4 : i32
      %mul3A_224 = arith.muli %scan3A_201, %mul3A_223 : i32
      %add3A_225 = arith.constant 1 : i32
      %add3A_226 = arith.addi %mul3A_224, %add3A_225 : i32
      %mul3A_227 = arith.constant 16 : i32
      %mul3A_228 = arith.muli %add3A_226, %mul3A_227 : i32
      %iota3A_229 = tpu.iota {dimensions = array<i32: 0>} : vector<16xi32>
      %add3A_230 = arith.addi %mul3A_2, %mul3A_228 : i32
      %add3A_231 = vector.broadcast %add3A_230 : i32 to vector<16xi32>
      %add3A_232 = arith.addi %iota3A_229, %add3A_231 : vector<16xi32>
      %rem3A_233 = arith.constant 200 : i32
      %rem3A_234 = vector.broadcast %rem3A_233 : i32 to vector<16xi32>
      %rem3A_235 = arith.remsi %add3A_232, %rem3A_234 : vector<16xi32>
      %mul3A_236 = arith.constant 3 : i32
      %mul3A_237 = vector.broadcast %mul3A_236 : i32 to vector<16xi32>
      %mul3A_238 = arith.muli %rem3A_235, %mul3A_237 : vector<16xi32>
      %get3A_239 = arith.index_cast %mul3A_228 : i32 to index
      %get3A_240 = tpu.vector_load %arg8[%get3A_239] {strides = array<i32>} : memref<6400xi32, #tpu.memory_space<vmem>>, vector<16xi32>,
      %get3A_241 = vector.shape_cast %get3A_240 : vector<16xi32> to vector<16xi32>
      %add3A_242 = arith.addi %mul3A_238, %get3A_241 : vector<16xi32>
      %swap3A_243 = arith.index_cast %mul3A_228 : i32 to index
      %swap3A_244 = tpu.vector_load %arg8[%swap3A_243] {strides = array<i32>} : memref<6400xi32, #tpu.memory_space<vmem>>, vector<16xi32>,
      %swap3A_245 = vector.shape_cast %swap3A_244 : vector<16xi32> to vector<16xi32>
      %swap3A_246 = vector.shape_cast %add3A_242 : vector<16xi32> to vector<16xi32>
      tpu.vector_store %arg8[%swap3A_243], %swap3A_246 {strides = array<i32>} : memref<6400xi32, #tpu.memory_space<vmem>>, vector<16xi32>,
      %mul3A_247 = arith.constant 4 : i32
      %mul3A_248 = arith.muli %scan3A_201, %mul3A_247 : i32
      %add3A_249 = arith.constant 2 : i32
      %add3A_250 = arith.addi %mul3A_248, %add3A_249 : i32
      %mul3A_251 = arith.constant 16 : i32
      %mul3A_252 = arith.muli %add3A_250, %mul3A_251 : i32
      %iota3A_253 = tpu.iota {dimensions = array<i32: 0>} : vector<16xi32>
      %add3A_254 = arith.addi %mul3A_2, %mul3A_252 : i32
      %add3A_255 = vector.broadcast %add3A_254 : i32 to vector<16xi32>
      %add3A_256 = arith.addi %iota3A_253, %add3A_255 : vector<16xi32>
      %rem3A_257 = arith.constant 200 : i32
      %rem3A_258 = vector.broadcast %rem3A_257 : i32 to vector<16xi32>
      %rem3A_259 = arith.remsi %add3A_256, %rem3A_258 : vector<16xi32>
      %mul3A_260 = arith.constant 3 : i32
      %mul3A_261 = vector.broadcast %mul3A_260 : i32 to vector<16xi32>
      %mul3A_262 = arith.muli %rem3A_259, %mul3A_261 : vector<16xi32>
      %get3A_263 = arith.index_cast %mul3A_252 : i32 to index
      %get3A_264 = tpu.vector_load %arg8[%get3A_263] {strides = array<i32>} : memref<6400xi32, #tpu.memory_space<vmem>>, vector<16xi32>,
      %get3A_265 = vector.shape_cast %get3A_264 : vector<16xi32> to vector<16xi32>
      %add3A_266 = arith.addi %mul3A_262, %get3A_265 : vector<16xi32>
      %swap3A_267 = arith.index_cast %mul3A_252 : i32 to index
      %swap3A_268 = tpu.vector_load %arg8[%swap3A_267] {strides = array<i32>} : memref<6400xi32, #tpu.memory_space<vmem>>, vector<16xi32>,
      %swap3A_269 = vector.shape_cast %swap3A_268 : vector<16xi32> to vector<16xi32>
      %swap3A_270 = vector.shape_cast %add3A_266 : vector<16xi32> to vector<16xi32>
      tpu.vector_store %arg8[%swap3A_267], %swap3A_270 {strides = array<i32>} : memref<6400xi32, #tpu.memory_space<vmem>>, vector<16xi32>,
      %mul3A_271 = arith.constant 4 : i32
      %mul3A_272 = arith.muli %scan3A_201, %mul3A_271 : i32
      %add3A_273 = arith.constant 3 : i32
      %add3A_274 = arith.addi %mul3A_272, %add3A_273 : i32
      %mul3A_275 = arith.constant 16 : i32
      %mul3A_276 = arith.muli %add3A_274, %mul3A_275 : i32
      %iota3A_277 = tpu.iota {dimensions = array<i32: 0>} : vector<16xi32>
      %add3A_278 = arith.addi %mul3A_2, %mul3A_276 : i32
      %add3A_279 = vector.broadcast %add3A_278 : i32 to vector<16xi32>
      %add3A_280 = arith.addi %iota3A_277, %add3A_279 : vector<16xi32>
      %rem3A_281 = arith.constant 200 : i32
      %rem3A_282 = vector.broadcast %rem3A_281 : i32 to vector<16xi32>
      %rem3A_283 = arith.remsi %add3A_280, %rem3A_282 : vector<16xi32>
      %mul3A_284 = arith.constant 3 : i32
      %mul3A_285 = vector.broadcast %mul3A_284 : i32 to vector<16xi32>
      %mul3A_286 = arith.muli %rem3A_283, %mul3A_285 : vector<16xi32>
      %get3A_287 = arith.index_cast %mul3A_276 : i32 to index
      %get3A_288 = tpu.vector_load %arg8[%get3A_287] {strides = array<i32>} : memref<6400xi32, #tpu.memory_space<vmem>>, vector<16xi32>,
      %get3A_289 = vector.shape_cast %get3A_288 : vector<16xi32> to vector<16xi32>
      %add3A_290 = arith.addi %mul3A_286, %get3A_289 : vector<16xi32>
      %swap3A_291 = arith.index_cast %mul3A_276 : i32 to index
      %swap3A_292 = tpu.vector_load %arg8[%swap3A_291] {strides = array<i32>} : memref<6400xi32, #tpu.memory_space<vmem>>, vector<16xi32>,
      %swap3A_293 = vector.shape_cast %swap3A_292 : vector<16xi32> to vector<16xi32>
      %swap3A_294 = vector.shape_cast %add3A_290 : vector<16xi32> to vector<16xi32>
      tpu.vector_store %arg8[%swap3A_291], %swap3A_294 {strides = array<i32>} : memref<6400xi32, #tpu.memory_space<vmem>>, vector<16xi32>,
      %scan3A_295 = arith.constant 0 : i32
      scf.yield %scan3A_295 : i32
    }
    %scan3A_8 = arith.constant 100 : i32
    %dma_start3A = arith.constant 0 : i32
    %dma_start3A_9 = arith.constant 0 : i32
    %dma_start3A_10 = arith.constant 0 : i32
    %dma_start3A_11 = tpu.memref_slice %arg9[%dma_start3A, %dma_start3A_9, %dma_start3A_10] : memref<2x256x64xf32, #tpu.memory_space<vmem>> -> memref<1x128x64xf32, #tpu.memory_space<vmem>>
    %dma_start3A_12 = tpu.memref_squeeze %dma_start3A_11 : memref<1x128x64xf32, #tpu.memory_space<vmem>> -> memref<128x64xf32, #tpu.memory_space<vmem>>
    %dma_start3A_13 = arith.constant 0 : i32
    %dma_start3A_14 = tpu.memref_slice %arg7[%dma_start3A_13] : memref<6400xi32, #tpu.memory_space<vmem>> -> memref<128xi32, #tpu.memory_space<vmem>>
    %dma_start3A_15 = arith.constant 0 : i32
    %dma_start3A_16 = arith.constant 0 : i32
    %dma_start3A_17 = tpu.memref_slice %arg4[%dma_start3A_15, %dma_start3A_16] : memref<1000000x64xf32, #tpu.memory_space<hbm>> -> memref<1000000x64xf32, #tpu.memory_space<hbm>>
    tpu.enqueue_indirect_dma source(%dma_start3A_17 : memref<1000000x64xf32, #tpu.memory_space<hbm>>) target(%dma_start3A_12 : memref<128x64xf32, #tpu.memory_space<vmem>>) offsets(%dma_start3A_14 : memref<128xi32, #tpu.memory_space<vmem>>) semaphore(%arg12 : memref<!tpu.dma_semaphore, #tpu.memory_space<semaphore_mem>>)
    %dma_start3A_18 = arith.constant 0 : i32
    %dma_start3A_19 = arith.constant 0 : i32
    %dma_start3A_20 = arith.constant 0 : i32
    %dma_start3A_21 = tpu.memref_slice %arg10[%dma_start3A_18, %dma_start3A_19, %dma_start3A_20] : memref<2x256x64xf32, #tpu.memory_space<vmem>> -> memref<1x128x64xf32, #tpu.memory_space<vmem>>
    %dma_start3A_22 = tpu.memref_squeeze %dma_start3A_21 : memref<1x128x64xf32, #tpu.memory_space<vmem>> -> memref<128x64xf32, #tpu.memory_space<vmem>>
    %dma_start3A_23 = arith.constant 0 : i32
    %dma_start3A_24 = tpu.memref_slice %arg8[%dma_start3A_23] : memref<6400xi32, #tpu.memory_space<vmem>> -> memref<128xi32, #tpu.memory_space<vmem>>
    %dma_start3A_25 = arith.constant 0 : i32
    %dma_start3A_26 = arith.constant 0 : i32
    %dma_start3A_27 = tpu.memref_slice %arg5[%dma_start3A_25, %dma_start3A_26] : memref<600x64xf32, #tpu.memory_space<hbm>> -> memref<600x64xf32, #tpu.memory_space<hbm>>
    tpu.enqueue_indirect_dma source(%dma_start3A_27 : memref<600x64xf32, #tpu.memory_space<hbm>>) target(%dma_start3A_22 : memref<128x64xf32, #tpu.memory_space<vmem>>) offsets(%dma_start3A_24 : memref<128xi32, #tpu.memory_space<vmem>>) semaphore(%arg12 : memref<!tpu.dma_semaphore, #tpu.memory_space<semaphore_mem>>)
    %dma_start3A_28 = arith.constant 0 : i32
    %dma_start3A_29 = arith.constant 128 : i32
    %dma_start3A_30 = arith.constant 0 : i32
    %dma_start3A_31 = tpu.memref_slice %arg9[%dma_start3A_28, %dma_start3A_29, %dma_start3A_30] : memref<2x256x64xf32, #tpu.memory_space<vmem>> -> memref<1x128x64xf32, #tpu.memory_space<vmem>>
    %dma_start3A_32 = tpu.memref_squeeze %dma_start3A_31 : memref<1x128x64xf32, #tpu.memory_space<vmem>> -> memref<128x64xf32, #tpu.memory_space<vmem>>
    %dma_start3A_33 = arith.constant 128 : i32
    %dma_start3A_34 = tpu.memref_slice %arg7[%dma_start3A_33] : memref<6400xi32, #tpu.memory_space<vmem>> -> memref<128xi32, #tpu.memory_space<vmem>>
    %dma_start3A_35 = arith.constant 0 : i32
    %dma_start3A_36 = arith.constant 0 : i32
    %dma_start3A_37 = tpu.memref_slice %arg4[%dma_start3A_35, %dma_start3A_36] : memref<1000000x64xf32, #tpu.memory_space<hbm>> -> memref<1000000x64xf32, #tpu.memory_space<hbm>>
    tpu.enqueue_indirect_dma source(%dma_start3A_37 : memref<1000000x64xf32, #tpu.memory_space<hbm>>) target(%dma_start3A_32 : memref<128x64xf32, #tpu.memory_space<vmem>>) offsets(%dma_start3A_34 : memref<128xi32, #tpu.memory_space<vmem>>) semaphore(%arg12 : memref<!tpu.dma_semaphore, #tpu.memory_space<semaphore_mem>>)
    %dma_start3A_38 = arith.constant 0 : i32
    %dma_start3A_39 = arith.constant 128 : i32
    %dma_start3A_40 = arith.constant 0 : i32
    %dma_start3A_41 = tpu.memref_slice %arg10[%dma_start3A_38, %dma_start3A_39, %dma_start3A_40] : memref<2x256x64xf32, #tpu.memory_space<vmem>> -> memref<1x128x64xf32, #tpu.memory_space<vmem>>
    %dma_start3A_42 = tpu.memref_squeeze %dma_start3A_41 : memref<1x128x64xf32, #tpu.memory_space<vmem>> -> memref<128x64xf32, #tpu.memory_space<vmem>>
    %dma_start3A_43 = arith.constant 128 : i32
    %dma_start3A_44 = tpu.memref_slice %arg8[%dma_start3A_43] : memref<6400xi32, #tpu.memory_space<vmem>> -> memref<128xi32, #tpu.memory_space<vmem>>
    %dma_start3A_45 = arith.constant 0 : i32
    %dma_start3A_46 = arith.constant 0 : i32
    %dma_start3A_47 = tpu.memref_slice %arg5[%dma_start3A_45, %dma_start3A_46] : memref<600x64xf32, #tpu.memory_space<hbm>> -> memref<600x64xf32, #tpu.memory_space<hbm>>
    tpu.enqueue_indirect_dma source(%dma_start3A_47 : memref<600x64xf32, #tpu.memory_space<hbm>>) target(%dma_start3A_42 : memref<128x64xf32, #tpu.memory_space<vmem>>) offsets(%dma_start3A_44 : memref<128xi32, #tpu.memory_space<vmem>>) semaphore(%arg12 : memref<!tpu.dma_semaphore, #tpu.memory_space<semaphore_mem>>)
    %dma_start3A_48 = arith.constant 1 : i32
    %dma_start3A_49 = arith.constant 0 : i32
    %dma_start3A_50 = arith.constant 0 : i32
    %dma_start3A_51 = tpu.memref_slice %arg9[%dma_start3A_48, %dma_start3A_49, %dma_start3A_50] : memref<2x256x64xf32, #tpu.memory_space<vmem>> -> memref<1x128x64xf32, #tpu.memory_space<vmem>>
    %dma_start3A_52 = tpu.memref_squeeze %dma_start3A_51 : memref<1x128x64xf32, #tpu.memory_space<vmem>> -> memref<128x64xf32, #tpu.memory_space<vmem>>
    %dma_start3A_53 = arith.constant 256 : i32
    %dma_start3A_54 = tpu.memref_slice %arg7[%dma_start3A_53] : memref<6400xi32, #tpu.memory_space<vmem>> -> memref<128xi32, #tpu.memory_space<vmem>>
    %dma_start3A_55 = arith.constant 0 : i32
    %dma_start3A_56 = arith.constant 0 : i32
    %dma_start3A_57 = tpu.memref_slice %arg4[%dma_start3A_55, %dma_start3A_56] : memref<1000000x64xf32, #tpu.memory_space<hbm>> -> memref<1000000x64xf32, #tpu.memory_space<hbm>>
    tpu.enqueue_indirect_dma source(%dma_start3A_57 : memref<1000000x64xf32, #tpu.memory_space<hbm>>) target(%dma_start3A_52 : memref<128x64xf32, #tpu.memory_space<vmem>>) offsets(%dma_start3A_54 : memref<128xi32, #tpu.memory_space<vmem>>) semaphore(%arg13 : memref<!tpu.dma_semaphore, #tpu.memory_space<semaphore_mem>>)
    %dma_start3A_58 = arith.constant 1 : i32
    %dma_start3A_59 = arith.constant 0 : i32
    %dma_start3A_60 = arith.constant 0 : i32
    %dma_start3A_61 = tpu.memref_slice %arg10[%dma_start3A_58, %dma_start3A_59, %dma_start3A_60] : memref<2x256x64xf32, #tpu.memory_space<vmem>> -> memref<1x128x64xf32, #tpu.memory_space<vmem>>
    %dma_start3A_62 = tpu.memref_squeeze %dma_start3A_61 : memref<1x128x64xf32, #tpu.memory_space<vmem>> -> memref<128x64xf32, #tpu.memory_space<vmem>>
    %dma_start3A_63 = arith.constant 256 : i32
    %dma_start3A_64 = tpu.memref_slice %arg8[%dma_start3A_63] : memref<6400xi32, #tpu.memory_space<vmem>> -> memref<128xi32, #tpu.memory_space<vmem>>
    %dma_start3A_65 = arith.constant 0 : i32
    %dma_start3A_66 = arith.constant 0 : i32
    %dma_start3A_67 = tpu.memref_slice %arg5[%dma_start3A_65, %dma_start3A_66] : memref<600x64xf32, #tpu.memory_space<hbm>> -> memref<600x64xf32, #tpu.memory_space<hbm>>
    tpu.enqueue_indirect_dma source(%dma_start3A_67 : memref<600x64xf32, #tpu.memory_space<hbm>>) target(%dma_start3A_62 : memref<128x64xf32, #tpu.memory_space<vmem>>) offsets(%dma_start3A_64 : memref<128xi32, #tpu.memory_space<vmem>>) semaphore(%arg13 : memref<!tpu.dma_semaphore, #tpu.memory_space<semaphore_mem>>)
    %dma_start3A_68 = arith.constant 1 : i32
    %dma_start3A_69 = arith.constant 128 : i32
    %dma_start3A_70 = arith.constant 0 : i32
    %dma_start3A_71 = tpu.memref_slice %arg9[%dma_start3A_68, %dma_start3A_69, %dma_start3A_70] : memref<2x256x64xf32, #tpu.memory_space<vmem>> -> memref<1x128x64xf32, #tpu.memory_space<vmem>>
    %dma_start3A_72 = tpu.memref_squeeze %dma_start3A_71 : memref<1x128x64xf32, #tpu.memory_space<vmem>> -> memref<128x64xf32, #tpu.memory_space<vmem>>
    %dma_start3A_73 = arith.constant 384 : i32
    %dma_start3A_74 = tpu.memref_slice %arg7[%dma_start3A_73] : memref<6400xi32, #tpu.memory_space<vmem>> -> memref<128xi32, #tpu.memory_space<vmem>>
    %dma_start3A_75 = arith.constant 0 : i32
    %dma_start3A_76 = arith.constant 0 : i32
    %dma_start3A_77 = tpu.memref_slice %arg4[%dma_start3A_75, %dma_start3A_76] : memref<1000000x64xf32, #tpu.memory_space<hbm>> -> memref<1000000x64xf32, #tpu.memory_space<hbm>>
    tpu.enqueue_indirect_dma source(%dma_start3A_77 : memref<1000000x64xf32, #tpu.memory_space<hbm>>) target(%dma_start3A_72 : memref<128x64xf32, #tpu.memory_space<vmem>>) offsets(%dma_start3A_74 : memref<128xi32, #tpu.memory_space<vmem>>) semaphore(%arg13 : memref<!tpu.dma_semaphore, #tpu.memory_space<semaphore_mem>>)
    %dma_start3A_78 = arith.constant 1 : i32
    %dma_start3A_79 = arith.constant 128 : i32
    %dma_start3A_80 = arith.constant 0 : i32
    %dma_start3A_81 = tpu.memref_slice %arg10[%dma_start3A_78, %dma_start3A_79, %dma_start3A_80] : memref<2x256x64xf32, #tpu.memory_space<vmem>> -> memref<1x128x64xf32, #tpu.memory_space<vmem>>
    %dma_start3A_82 = tpu.memref_squeeze %dma_start3A_81 : memref<1x128x64xf32, #tpu.memory_space<vmem>> -> memref<128x64xf32, #tpu.memory_space<vmem>>
    %dma_start3A_83 = arith.constant 384 : i32
    %dma_start3A_84 = tpu.memref_slice %arg8[%dma_start3A_83] : memref<6400xi32, #tpu.memory_space<vmem>> -> memref<128xi32, #tpu.memory_space<vmem>>
    %dma_start3A_85 = arith.constant 0 : i32
    %dma_start3A_86 = arith.constant 0 : i32
    %dma_start3A_87 = tpu.memref_slice %arg5[%dma_start3A_85, %dma_start3A_86] : memref<600x64xf32, #tpu.memory_space<hbm>> -> memref<600x64xf32, #tpu.memory_space<hbm>>
    tpu.enqueue_indirect_dma source(%dma_start3A_87 : memref<600x64xf32, #tpu.memory_space<hbm>>) target(%dma_start3A_82 : memref<128x64xf32, #tpu.memory_space<vmem>>) offsets(%dma_start3A_84 : memref<128xi32, #tpu.memory_space<vmem>>) semaphore(%arg13 : memref<!tpu.dma_semaphore, #tpu.memory_space<semaphore_mem>>)
    %scan3A_88 = arith.constant 0 : i32
    %scan3A_89 = arith.constant 0 : i32
    %scan3A_90 = arith.constant 12 : i32
    %scan3A_91 = arith.addi %scan3A_89, %scan3A_90 : i32
    %scan3A_92 = arith.constant 1 : i32
    %scan3A_93 = scf.for %scan3A_201 = %scan3A_89 to %scan3A_91 step %scan3A_92 iter_args(%scan3A_202 = %scan3A_88) -> (i32)  : i32 {
      %mul3A_203 = arith.constant 2 : i32
      %mul3A_204 = arith.muli %scan3A_201, %mul3A_203 : i32
      %add3A_205 = arith.constant 0 : i32
      %add3A_206 = arith.addi %mul3A_204, %add3A_205 : i32
      %mul3A_207 = arith.constant 256 : i32
      %mul3A_208 = arith.muli %add3A_206, %mul3A_207 : i32
      %add3A_209 = arith.constant 0 : i32
      %add3A_210 = arith.addi %mul3A_208, %add3A_209 : i32
      %dma_wait3A_211 = arith.constant 0 : i32
      %dma_wait3A_212 = arith.constant 0 : i32
      %dma_wait3A_213 = arith.constant 0 : i32
      %dma_wait3A_214 = tpu.memref_slice %arg9[%dma_wait3A_211, %dma_wait3A_212, %dma_wait3A_213] : memref<2x256x64xf32, #tpu.memory_space<vmem>> -> memref<1x128x64xf32, #tpu.memory_space<vmem>>
      %dma_wait3A_215 = tpu.memref_squeeze %dma_wait3A_214 : memref<1x128x64xf32, #tpu.memory_space<vmem>> -> memref<128x64xf32, #tpu.memory_space<vmem>>
      %dma_wait3A_216 = tpu.memref_slice %arg7[%add3A_210] : memref<6400xi32, #tpu.memory_space<vmem>> -> memref<128xi32, #tpu.memory_space<vmem>>
      %dma_wait3A_217 = arith.constant 0 : i32
      %dma_wait3A_218 = arith.constant 0 : i32
      %dma_wait3A_219 = tpu.memref_slice %arg4[%dma_wait3A_217, %dma_wait3A_218] : memref<1000000x64xf32, #tpu.memory_space<hbm>> -> memref<1000000x64xf32, #tpu.memory_space<hbm>>
      tpu.wait_indirect_dma semaphore(%arg12 : memref<!tpu.dma_semaphore, #tpu.memory_space<semaphore_mem>>) src(%dma_wait3A_219 : memref<1000000x64xf32, #tpu.memory_space<hbm>>) dst(%dma_wait3A_215 : memref<128x64xf32, #tpu.memory_space<vmem>>)
      %dma_wait3A_220 = arith.constant 0 : i32
      %dma_wait3A_221 = arith.constant 0 : i32
      %dma_wait3A_222 = arith.constant 0 : i32
      %dma_wait3A_223 = tpu.memref_slice %arg10[%dma_wait3A_220, %dma_wait3A_221, %dma_wait3A_222] : memref<2x256x64xf32, #tpu.memory_space<vmem>> -> memref<1x128x64xf32, #tpu.memory_space<vmem>>
      %dma_wait3A_224 = tpu.memref_squeeze %dma_wait3A_223 : memref<1x128x64xf32, #tpu.memory_space<vmem>> -> memref<128x64xf32, #tpu.memory_space<vmem>>
      %dma_wait3A_225 = tpu.memref_slice %arg8[%add3A_210] : memref<6400xi32, #tpu.memory_space<vmem>> -> memref<128xi32, #tpu.memory_space<vmem>>
      %dma_wait3A_226 = arith.constant 0 : i32
      %dma_wait3A_227 = arith.constant 0 : i32
      %dma_wait3A_228 = tpu.memref_slice %arg5[%dma_wait3A_226, %dma_wait3A_227] : memref<600x64xf32, #tpu.memory_space<hbm>> -> memref<600x64xf32, #tpu.memory_space<hbm>>
      tpu.wait_indirect_dma semaphore(%arg12 : memref<!tpu.dma_semaphore, #tpu.memory_space<semaphore_mem>>) src(%dma_wait3A_228 : memref<600x64xf32, #tpu.memory_space<hbm>>) dst(%dma_wait3A_224 : memref<128x64xf32, #tpu.memory_space<vmem>>)
      %mul3A_229 = arith.constant 256 : i32
      %mul3A_230 = arith.muli %add3A_206, %mul3A_229 : i32
      %add3A_231 = arith.constant 128 : i32
      %add3A_232 = arith.addi %mul3A_230, %add3A_231 : i32
      %dma_wait3A_233 = arith.constant 0 : i32
      %dma_wait3A_234 = arith.constant 128 : i32
      %dma_wait3A_235 = arith.constant 0 : i32
      %dma_wait3A_236 = tpu.memref_slice %arg9[%dma_wait3A_233, %dma_wait3A_234, %dma_wait3A_235] : memref<2x256x64xf32, #tpu.memory_space<vmem>> -> memref<1x128x64xf32, #tpu.memory_space<vmem>>
      %dma_wait3A_237 = tpu.memref_squeeze %dma_wait3A_236 : memref<1x128x64xf32, #tpu.memory_space<vmem>> -> memref<128x64xf32, #tpu.memory_space<vmem>>
      %dma_wait3A_238 = tpu.memref_slice %arg7[%add3A_232] : memref<6400xi32, #tpu.memory_space<vmem>> -> memref<128xi32, #tpu.memory_space<vmem>>
      %dma_wait3A_239 = arith.constant 0 : i32
      %dma_wait3A_240 = arith.constant 0 : i32
      %dma_wait3A_241 = tpu.memref_slice %arg4[%dma_wait3A_239, %dma_wait3A_240] : memref<1000000x64xf32, #tpu.memory_space<hbm>> -> memref<1000000x64xf32, #tpu.memory_space<hbm>>
      tpu.wait_indirect_dma semaphore(%arg12 : memref<!tpu.dma_semaphore, #tpu.memory_space<semaphore_mem>>) src(%dma_wait3A_241 : memref<1000000x64xf32, #tpu.memory_space<hbm>>) dst(%dma_wait3A_237 : memref<128x64xf32, #tpu.memory_space<vmem>>)
      %dma_wait3A_242 = arith.constant 0 : i32
      %dma_wait3A_243 = arith.constant 128 : i32
      %dma_wait3A_244 = arith.constant 0 : i32
      %dma_wait3A_245 = tpu.memref_slice %arg10[%dma_wait3A_242, %dma_wait3A_243, %dma_wait3A_244] : memref<2x256x64xf32, #tpu.memory_space<vmem>> -> memref<1x128x64xf32, #tpu.memory_space<vmem>>
      %dma_wait3A_246 = tpu.memref_squeeze %dma_wait3A_245 : memref<1x128x64xf32, #tpu.memory_space<vmem>> -> memref<128x64xf32, #tpu.memory_space<vmem>>
      %dma_wait3A_247 = tpu.memref_slice %arg8[%add3A_232] : memref<6400xi32, #tpu.memory_space<vmem>> -> memref<128xi32, #tpu.memory_space<vmem>>
      %dma_wait3A_248 = arith.constant 0 : i32
      %dma_wait3A_249 = arith.constant 0 : i32
      %dma_wait3A_250 = tpu.memref_slice %arg5[%dma_wait3A_248, %dma_wait3A_249] : memref<600x64xf32, #tpu.memory_space<hbm>> -> memref<600x64xf32, #tpu.memory_space<hbm>>
      tpu.wait_indirect_dma semaphore(%arg12 : memref<!tpu.dma_semaphore, #tpu.memory_space<semaphore_mem>>) src(%dma_wait3A_250 : memref<600x64xf32, #tpu.memory_space<hbm>>) dst(%dma_wait3A_246 : memref<128x64xf32, #tpu.memory_space<vmem>>)
      %gt3A = arith.constant 0 : i32
      %gt3A_251 = arith.cmpi sgt, %scan3A_201, %gt3A : i32
      %convert_element_type3A = arith.extui %gt3A_251 : i1 to i32
      %cond3A = arith.constant 0 : i32
      %cond3A_252 = arith.cmpi ne, %convert_element_type3A, %cond3A : i32
      scf.if %cond3A_252 {
        %sub3A = arith.constant 2 : i32
        %sub3A_366 = arith.subi %add3A_206, %sub3A : i32
        %mul3A_367 = arith.constant 256 : i32
        %mul3A_368 = arith.muli %sub3A_366, %mul3A_367 : i32
        %add3A_369 = arith.addi %mul3A_2, %mul3A_368 : i32
        %dma_wait3A_370 = arith.constant 0 : i32
        %dma_wait3A_371 = arith.constant 0 : i32
        %dma_wait3A_372 = arith.constant 0 : i32
        %dma_wait3A_373 = tpu.memref_slice %arg11[%dma_wait3A_370, %dma_wait3A_371, %dma_wait3A_372] : memref<2x256x64xf32, #tpu.memory_space<vmem>> -> memref<1x256x64xf32, #tpu.memory_space<vmem>>
        %dma_wait3A_374 = tpu.memref_squeeze %dma_wait3A_373 : memref<1x256x64xf32, #tpu.memory_space<vmem>> -> memref<256x64xf32, #tpu.memory_space<vmem>>
        %dma_wait3A_375 = arith.constant 0 : i32
        %dma_wait3A_376 = tpu.memref_slice %arg6[%add3A_369, %dma_wait3A_375] : memref<204800x64xf32, #tpu.memory_space<hbm>> -> memref<256x64xf32, #tpu.memory_space<hbm>>
        %dma_wait3A_377 = arith.constant 0 : i32
        %dma_wait3A_378 = tpu.memref_slice %arg6[%add3A_369, %dma_wait3A_377] : memref<204800x64xf32, #tpu.memory_space<hbm>> -> memref<256x64xf32, #tpu.memory_space<hbm>>
        %dma_wait3A_379 = arith.constant 0 : i32
        %dma_wait3A_380 = arith.constant 0 : i32
        %dma_wait3A_381 = tpu.memref_slice %arg11[%dma_wait3A_370, %dma_wait3A_379, %dma_wait3A_380] : memref<2x256x64xf32, #tpu.memory_space<vmem>> -> memref<1x256x64xf32, #tpu.memory_space<vmem>>
        %dma_wait3A_382 = tpu.memref_squeeze %dma_wait3A_381 : memref<1x256x64xf32, #tpu.memory_space<vmem>> -> memref<256x64xf32, #tpu.memory_space<vmem>>
        tpu.wait_dma2 semaphore(%arg14 : memref<!tpu.dma_semaphore, #tpu.memory_space<semaphore_mem>>) src(%dma_wait3A_382 : memref<256x64xf32, #tpu.memory_space<vmem>>) dst(%dma_wait3A_378 : memref<256x64xf32, #tpu.memory_space<hbm>>)
      } else {
      }
      %scan3A_253 = arith.constant 0 : i32
      %scan3A_254 = arith.constant 0 : i32
      %scan3A_255 = arith.constant 64 : i32
      %scan3A_256 = arith.addi %scan3A_254, %scan3A_255 : i32
      %scan3A_257 = arith.constant 1 : i32
      %scan3A_258 = scf.for %scan3A_366 = %scan3A_254 to %scan3A_256 step %scan3A_257 iter_args(%scan3A_367 = %scan3A_253) -> (i32)  : i32 {
        %mul3A_368 = arith.constant 4 : i32
        %mul3A_369 = arith.muli %scan3A_366, %mul3A_368 : i32
        %add3A_370 = arith.constant 0 : i32
        %add3A_371 = arith.addi %mul3A_369, %add3A_370 : i32
        %get3A = arith.constant 0 : i32
        %get3A_372 = arith.index_cast %get3A : i32 to index
        %get3A_373 = arith.index_cast %add3A_371 : i32 to index
        %get3A_374 = arith.constant 0 : index
        %get3A_375 = tpu.vector_load %arg9[%get3A_372, %get3A_373, %get3A_374] {strides = array<i32>} : memref<2x256x64xf32, #tpu.memory_space<vmem>>, vector<1x1x16xf32>,
        %get3A_376 = vector.shape_cast %get3A_375 : vector<1x1x16xf32> to vector<16xf32>
        %get3A_377 = arith.constant 0 : i32
        %get3A_378 = arith.index_cast %get3A_377 : i32 to index
        %get3A_379 = arith.index_cast %add3A_371 : i32 to index
        %get3A_380 = arith.constant 0 : index
        %get3A_381 = tpu.vector_load %arg10[%get3A_378, %get3A_379, %get3A_380] {strides = array<i32>} : memref<2x256x64xf32, #tpu.memory_space<vmem>>, vector<1x1x16xf32>,
        %get3A_382 = vector.shape_cast %get3A_381 : vector<1x1x16xf32> to vector<16xf32>
        %add3A_383 = arith.addf %get3A_376, %get3A_382 : vector<16xf32>
        %swap3A = arith.constant 0 : i32
        %swap3A_384 = arith.index_cast %swap3A : i32 to index
        %swap3A_385 = arith.index_cast %add3A_371 : i32 to index
        %swap3A_386 = arith.constant 0 : index
        %swap3A_387 = tpu.vector_load %arg11[%swap3A_384, %swap3A_385, %swap3A_386] {strides = array<i32>} : memref<2x256x64xf32, #tpu.memory_space<vmem>>, vector<1x1x16xf32>,
        %swap3A_388 = vector.shape_cast %swap3A_387 : vector<1x1x16xf32> to vector<16xf32>
        %swap3A_389 = vector.shape_cast %add3A_383 : vector<16xf32> to vector<1x1x16xf32>
        tpu.vector_store %arg11[%swap3A_384, %swap3A_385, %swap3A_386], %swap3A_389 {strides = array<i32>} : memref<2x256x64xf32, #tpu.memory_space<vmem>>, vector<1x1x16xf32>,
        %get3A_390 = arith.constant 0 : i32
        %get3A_391 = arith.index_cast %get3A_390 : i32 to index
        %get3A_392 = arith.index_cast %add3A_371 : i32 to index
        %get3A_393 = arith.constant 16 : index
        %get3A_394 = tpu.vector_load %arg9[%get3A_391, %get3A_392, %get3A_393] {strides = array<i32>} : memref<2x256x64xf32, #tpu.memory_space<vmem>>, vector<1x1x16xf32>,
        %get3A_395 = vector.shape_cast %get3A_394 : vector<1x1x16xf32> to vector<16xf32>
        %get3A_396 = arith.constant 0 : i32
        %get3A_397 = arith.index_cast %get3A_396 : i32 to index
        %get3A_398 = arith.index_cast %add3A_371 : i32 to index
        %get3A_399 = arith.constant 16 : index
        %get3A_400 = tpu.vector_load %arg10[%get3A_397, %get3A_398, %get3A_399] {strides = array<i32>} : memref<2x256x64xf32, #tpu.memory_space<vmem>>, vector<1x1x16xf32>,
        %get3A_401 = vector.shape_cast %get3A_400 : vector<1x1x16xf32> to vector<16xf32>
        %add3A_402 = arith.addf %get3A_395, %get3A_401 : vector<16xf32>
        %swap3A_403 = arith.constant 0 : i32
        %swap3A_404 = arith.index_cast %swap3A_403 : i32 to index
        %swap3A_405 = arith.index_cast %add3A_371 : i32 to index
        %swap3A_406 = arith.constant 16 : index
        %swap3A_407 = tpu.vector_load %arg11[%swap3A_404, %swap3A_405, %swap3A_406] {strides = array<i32>} : memref<2x256x64xf32, #tpu.memory_space<vmem>>, vector<1x1x16xf32>,
        %swap3A_408 = vector.shape_cast %swap3A_407 : vector<1x1x16xf32> to vector<16xf32>
        %swap3A_409 = vector.shape_cast %add3A_402 : vector<16xf32> to vector<1x1x16xf32>
        tpu.vector_store %arg11[%swap3A_404, %swap3A_405, %swap3A_406], %swap3A_409 {strides = array<i32>} : memref<2x256x64xf32, #tpu.memory_space<vmem>>, vector<1x1x16xf32>,
        %get3A_410 = arith.constant 0 : i32
        %get3A_411 = arith.index_cast %get3A_410 : i32 to index
        %get3A_412 = arith.index_cast %add3A_371 : i32 to index
        %get3A_413 = arith.constant 32 : index
        %get3A_414 = tpu.vector_load %arg9[%get3A_411, %get3A_412, %get3A_413] {strides = array<i32>} : memref<2x256x64xf32, #tpu.memory_space<vmem>>, vector<1x1x16xf32>,
        %get3A_415 = vector.shape_cast %get3A_414 : vector<1x1x16xf32> to vector<16xf32>
        %get3A_416 = arith.constant 0 : i32
        %get3A_417 = arith.index_cast %get3A_416 : i32 to index
        %get3A_418 = arith.index_cast %add3A_371 : i32 to index
        %get3A_419 = arith.constant 32 : index
        %get3A_420 = tpu.vector_load %arg10[%get3A_417, %get3A_418, %get3A_419] {strides = array<i32>} : memref<2x256x64xf32, #tpu.memory_space<vmem>>, vector<1x1x16xf32>,
        %get3A_421 = vector.shape_cast %get3A_420 : vector<1x1x16xf32> to vector<16xf32>
        %add3A_422 = arith.addf %get3A_415, %get3A_421 : vector<16xf32>
        %swap3A_423 = arith.constant 0 : i32
        %swap3A_424 = arith.index_cast %swap3A_423 : i32 to index
        %swap3A_425 = arith.index_cast %add3A_371 : i32 to index
        %swap3A_426 = arith.constant 32 : index
        %swap3A_427 = tpu.vector_load %arg11[%swap3A_424, %swap3A_425, %swap3A_426] {strides = array<i32>} : memref<2x256x64xf32, #tpu.memory_space<vmem>>, vector<1x1x16xf32>,
        %swap3A_428 = vector.shape_cast %swap3A_427 : vector<1x1x16xf32> to vector<16xf32>
        %swap3A_429 = vector.shape_cast %add3A_422 : vector<16xf32> to vector<1x1x16xf32>
        tpu.vector_store %arg11[%swap3A_424, %swap3A_425, %swap3A_426], %swap3A_429 {strides = array<i32>} : memref<2x256x64xf32, #tpu.memory_space<vmem>>, vector<1x1x16xf32>,
        %get3A_430 = arith.constant 0 : i32
        %get3A_431 = arith.index_cast %get3A_430 : i32 to index
        %get3A_432 = arith.index_cast %add3A_371 : i32 to index
        %get3A_433 = arith.constant 48 : index
        %get3A_434 = tpu.vector_load %arg9[%get3A_431, %get3A_432, %get3A_433] {strides = array<i32>} : memref<2x256x64xf32, #tpu.memory_space<vmem>>, vector<1x1x16xf32>,
        %get3A_435 = vector.shape_cast %get3A_434 : vector<1x1x16xf32> to vector<16xf32>
        %get3A_436 = arith.constant 0 : i32
        %get3A_437 = arith.index_cast %get3A_436 : i32 to index
        %get3A_438 = arith.index_cast %add3A_371 : i32 to index
        %get3A_439 = arith.constant 48 : index
        %get3A_440 = tpu.vector_load %arg10[%get3A_437, %get3A_438, %get3A_439] {strides = array<i32>} : memref<2x256x64xf32, #tpu.memory_space<vmem>>, vector<1x1x16xf32>,
        %get3A_441 = vector.shape_cast %get3A_440 : vector<1x1x16xf32> to vector<16xf32>
        %add3A_442 = arith.addf %get3A_435, %get3A_441 : vector<16xf32>
        %swap3A_443 = arith.constant 0 : i32
        %swap3A_444 = arith.index_cast %swap3A_443 : i32 to index
        %swap3A_445 = arith.index_cast %add3A_371 : i32 to index
        %swap3A_446 = arith.constant 48 : index
        %swap3A_447 = tpu.vector_load %arg11[%swap3A_444, %swap3A_445, %swap3A_446] {strides = array<i32>} : memref<2x256x64xf32, #tpu.memory_space<vmem>>, vector<1x1x16xf32>,
        %swap3A_448 = vector.shape_cast %swap3A_447 : vector<1x1x16xf32> to vector<16xf32>
        %swap3A_449 = vector.shape_cast %add3A_442 : vector<16xf32> to vector<1x1x16xf32>
        tpu.vector_store %arg11[%swap3A_444, %swap3A_445, %swap3A_446], %swap3A_449 {strides = array<i32>} : memref<2x256x64xf32, #tpu.memory_space<vmem>>, vector<1x1x16xf32>,
        %mul3A_450 = arith.constant 4 : i32
        %mul3A_451 = arith.muli %scan3A_366, %mul3A_450 : i32
        %add3A_452 = arith.constant 1 : i32
        %add3A_453 = arith.addi %mul3A_451, %add3A_452 : i32
        %get3A_454 = arith.constant 0 : i32
        %get3A_455 = arith.index_cast %get3A_454 : i32 to index
        %get3A_456 = arith.index_cast %add3A_453 : i32 to index
        %get3A_457 = arith.constant 0 : index
        %get3A_458 = tpu.vector_load %arg9[%get3A_455, %get3A_456, %get3A_457] {strides = array<i32>} : memref<2x256x64xf32, #tpu.memory_space<vmem>>, vector<1x1x16xf32>,
        %get3A_459 = vector.shape_cast %get3A_458 : vector<1x1x16xf32> to vector<16xf32>
        %get3A_460 = arith.constant 0 : i32
        %get3A_461 = arith.index_cast %get3A_460 : i32 to index
        %get3A_462 = arith.index_cast %add3A_453 : i32 to index
        %get3A_463 = arith.constant 0 : index
        %get3A_464 = tpu.vector_load %arg10[%get3A_461, %get3A_462, %get3A_463] {strides = array<i32>} : memref<2x256x64xf32, #tpu.memory_space<vmem>>, vector<1x1x16xf32>,
        %get3A_465 = vector.shape_cast %get3A_464 : vector<1x1x16xf32> to vector<16xf32>
        %add3A_466 = arith.addf %get3A_459, %get3A_465 : vector<16xf32>
        %swap3A_467 = arith.constant 0 : i32
        %swap3A_468 = arith.index_cast %swap3A_467 : i32 to index
        %swap3A_469 = arith.index_cast %add3A_453 : i32 to index
        %swap3A_470 = arith.constant 0 : index
        %swap3A_471 = tpu.vector_load %arg11[%swap3A_468, %swap3A_469, %swap3A_470] {strides = array<i32>} : memref<2x256x64xf32, #tpu.memory_space<vmem>>, vector<1x1x16xf32>,
        %swap3A_472 = vector.shape_cast %swap3A_471 : vector<1x1x16xf32> to vector<16xf32>
        %swap3A_473 = vector.shape_cast %add3A_466 : vector<16xf32> to vector<1x1x16xf32>
        tpu.vector_store %arg11[%swap3A_468, %swap3A_469, %swap3A_470], %swap3A_473 {strides = array<i32>} : memref<2x256x64xf32, #tpu.memory_space<vmem>>, vector<1x1x16xf32>,
        %get3A_474 = arith.constant 0 : i32
        %get3A_475 = arith.index_cast %get3A_474 : i32 to index
        %get3A_476 = arith.index_cast %add3A_453 : i32 to index
        %get3A_477 = arith.constant 16 : index
        %get3A_478 = tpu.vector_load %arg9[%get3A_475, %get3A_476, %get3A_477] {strides = array<i32>} : memref<2x256x64xf32, #tpu.memory_space<vmem>>, vector<1x1x16xf32>,
        %get3A_479 = vector.shape_cast %get3A_478 : vector<1x1x16xf32> to vector<16xf32>
        %get3A_480 = arith.constant 0 : i32
        %get3A_481 = arith.index_cast %get3A_480 : i32 to index
        %get3A_482 = arith.index_cast %add3A_453 : i32 to index
        %get3A_483 = arith.constant 16 : index
        %get3A_484 = tpu.vector_load %arg10[%get3A_481, %get3A_482, %get3A_483] {strides = array<i32>} : memref<2x256x64xf32, #tpu.memory_space<vmem>>, vector<1x1x16xf32>,
        %get3A_485 = vector.shape_cast %get3A_484 : vector<1x1x16xf32> to vector<16xf32>
        %add3A_486 = arith.addf %get3A_479, %get3A_485 : vector<16xf32>
        %swap3A_487 = arith.constant 0 : i32
        %swap3A_488 = arith.index_cast %swap3A_487 : i32 to index
        %swap3A_489 = arith.index_cast %add3A_453 : i32 to index
        %swap3A_490 = arith.constant 16 : index
        %swap3A_491 = tpu.vector_load %arg11[%swap3A_488, %swap3A_489, %swap3A_490] {strides = array<i32>} : memref<2x256x64xf32, #tpu.memory_space<vmem>>, vector<1x1x16xf32>,
        %swap3A_492 = vector.shape_cast %swap3A_491 : vector<1x1x16xf32> to vector<16xf32>
        %swap3A_493 = vector.shape_cast %add3A_486 : vector<16xf32> to vector<1x1x16xf32>
        tpu.vector_store %arg11[%swap3A_488, %swap3A_489, %swap3A_490], %swap3A_493 {strides = array<i32>} : memref<2x256x64xf32, #tpu.memory_space<vmem>>, vector<1x1x16xf32>,
        %get3A_494 = arith.constant 0 : i32
        %get3A_495 = arith.index_cast %get3A_494 : i32 to index
        %get3A_496 = arith.index_cast %add3A_453 : i32 to index
        %get3A_497 = arith.constant 32 : index
        %get3A_498 = tpu.vector_load %arg9[%get3A_495, %get3A_496, %get3A_497] {strides = array<i32>} : memref<2x256x64xf32, #tpu.memory_space<vmem>>, vector<1x1x16xf32>,
        %get3A_499 = vector.shape_cast %get3A_498 : vector<1x1x16xf32> to vector<16xf32>
        %get3A_500 = arith.constant 0 : i32
        %get3A_501 = arith.index_cast %get3A_500 : i32 to index
        %get3A_502 = arith.index_cast %add3A_453 : i32 to index
        %get3A_503 = arith.constant 32 : index
        %get3A_504 = tpu.vector_load %arg10[%get3A_501, %get3A_502, %get3A_503] {strides = array<i32>} : memref<2x256x64xf32, #tpu.memory_space<vmem>>, vector<1x1x16xf32>,
        %get3A_505 = vector.shape_cast %get3A_504 : vector<1x1x16xf32> to vector<16xf32>
        %add3A_506 = arith.addf %get3A_499, %get3A_505 : vector<16xf32>
        %swap3A_507 = arith.constant 0 : i32
        %swap3A_508 = arith.index_cast %swap3A_507 : i32 to index
        %swap3A_509 = arith.index_cast %add3A_453 : i32 to index
        %swap3A_510 = arith.constant 32 : index
        %swap3A_511 = tpu.vector_load %arg11[%swap3A_508, %swap3A_509, %swap3A_510] {strides = array<i32>} : memref<2x256x64xf32, #tpu.memory_space<vmem>>, vector<1x1x16xf32>,
        %swap3A_512 = vector.shape_cast %swap3A_511 : vector<1x1x16xf32> to vector<16xf32>
        %swap3A_513 = vector.shape_cast %add3A_506 : vector<16xf32> to vector<1x1x16xf32>
        tpu.vector_store %arg11[%swap3A_508, %swap3A_509, %swap3A_510], %swap3A_513 {strides = array<i32>} : memref<2x256x64xf32, #tpu.memory_space<vmem>>, vector<1x1x16xf32>,
        %get3A_514 = arith.constant 0 : i32
        %get3A_515 = arith.index_cast %get3A_514 : i32 to index
        %get3A_516 = arith.index_cast %add3A_453 : i32 to index
        %get3A_517 = arith.constant 48 : index
        %get3A_518 = tpu.vector_load %arg9[%get3A_515, %get3A_516, %get3A_517] {strides = array<i32>} : memref<2x256x64xf32, #tpu.memory_space<vmem>>, vector<1x1x16xf32>,
        %get3A_519 = vector.shape_cast %get3A_518 : vector<1x1x16xf32> to vector<16xf32>
        %get3A_520 = arith.constant 0 : i32
        %get3A_521 = arith.index_cast %get3A_520 : i32 to index
        %get3A_522 = arith.index_cast %add3A_453 : i32 to index
        %get3A_523 = arith.constant 48 : index
        %get3A_524 = tpu.vector_load %arg10[%get3A_521, %get3A_522, %get3A_523] {strides = array<i32>} : memref<2x256x64xf32, #tpu.memory_space<vmem>>, vector<1x1x16xf32>,
        %get3A_525 = vector.shape_cast %get3A_524 : vector<1x1x16xf32> to vector<16xf32>
        %add3A_526 = arith.addf %get3A_519, %get3A_525 : vector<16xf32>
        %swap3A_527 = arith.constant 0 : i32
        %swap3A_528 = arith.index_cast %swap3A_527 : i32 to index
        %swap3A_529 = arith.index_cast %add3A_453 : i32 to index
        %swap3A_530 = arith.constant 48 : index
        %swap3A_531 = tpu.vector_load %arg11[%swap3A_528, %swap3A_529, %swap3A_530] {strides = array<i32>} : memref<2x256x64xf32, #tpu.memory_space<vmem>>, vector<1x1x16xf32>,
        %swap3A_532 = vector.shape_cast %swap3A_531 : vector<1x1x16xf32> to vector<16xf32>
        %swap3A_533 = vector.shape_cast %add3A_526 : vector<16xf32> to vector<1x1x16xf32>
        tpu.vector_store %arg11[%swap3A_528, %swap3A_529, %swap3A_530], %swap3A_533 {strides = array<i32>} : memref<2x256x64xf32, #tpu.memory_space<vmem>>, vector<1x1x16xf32>,
        %mul3A_534 = arith.constant 4 : i32
        %mul3A_535 = arith.muli %scan3A_366, %mul3A_534 : i32
        %add3A_536 = arith.constant 2 : i32
        %add3A_537 = arith.addi %mul3A_535, %add3A_536 : i32
        %get3A_538 = arith.constant 0 : i32
        %get3A_539 = arith.index_cast %get3A_538 : i32 to index
        %get3A_540 = arith.index_cast %add3A_537 : i32 to index
        %get3A_541 = arith.constant 0 : index
        %get3A_542 = tpu.vector_load %arg9[%get3A_539, %get3A_540, %get3A_541] {strides = array<i32>} : memref<2x256x64xf32, #tpu.memory_space<vmem>>, vector<1x1x16xf32>,
        %get3A_543 = vector.shape_cast %get3A_542 : vector<1x1x16xf32> to vector<16xf32>
        %get3A_544 = arith.constant 0 : i32
        %get3A_545 = arith.index_cast %get3A_544 : i32 to index
        %get3A_546 = arith.index_cast %add3A_537 : i32 to index
        %get3A_547 = arith.constant 0 : index
        %get3A_548 = tpu.vector_load %arg10[%get3A_545, %get3A_546, %get3A_547] {strides = array<i32>} : memref<2x256x64xf32, #tpu.memory_space<vmem>>, vector<1x1x16xf32>,
        %get3A_549 = vector.shape_cast %get3A_548 : vector<1x1x16xf32> to vector<16xf32>
        %add3A_550 = arith.addf %get3A_543, %get3A_549 : vector<16xf32>
        %swap3A_551 = arith.constant 0 : i32
        %swap3A_552 = arith.index_cast %swap3A_551 : i32 to index
        %swap3A_553 = arith.index_cast %add3A_537 : i32 to index
        %swap3A_554 = arith.constant 0 : index
        %swap3A_555 = tpu.vector_load %arg11[%swap3A_552, %swap3A_553, %swap3A_554] {strides = array<i32>} : memref<2x256x64xf32, #tpu.memory_space<vmem>>, vector<1x1x16xf32>,
        %swap3A_556 = vector.shape_cast %swap3A_555 : vector<1x1x16xf32> to vector<16xf32>
        %swap3A_557 = vector.shape_cast %add3A_550 : vector<16xf32> to vector<1x1x16xf32>
        tpu.vector_store %arg11[%swap3A_552, %swap3A_553, %swap3A_554], %swap3A_557 {strides = array<i32>} : memref<2x256x64xf32, #tpu.memory_space<vmem>>, vector<1x1x16xf32>,
        %get3A_558 = arith.constant 0 : i32
        %get3A_559 = arith.index_cast %get3A_558 : i32 to index
        %get3A_560 = arith.index_cast %add3A_537 : i32 to index
        %get3A_561 = arith.constant 16 : index
        %get3A_562 = tpu.vector_load %arg9[%get3A_559, %get3A_560, %get3A_561] {strides = array<i32>} : memref<2x256x64xf32, #tpu.memory_space<vmem>>, vector<1x1x16xf32>,
        %get3A_563 = vector.shape_cast %get3A_562 : vector<1x1x16xf32> to vector<16xf32>
        %get3A_564 = arith.constant 0 : i32
        %get3A_565 = arith.index_cast %get3A_564 : i32 to index
        %get3A_566 = arith.index_cast %add3A_537 : i32 to index
        %get3A_567 = arith.constant 16 : index
        %get3A_568 = tpu.vector_load %arg10[%get3A_565, %get3A_566, %get3A_567] {strides = array<i32>} : memref<2x256x64xf32, #tpu.memory_space<vmem>>, vector<1x1x16xf32>,
        %get3A_569 = vector.shape_cast %get3A_568 : vector<1x1x16xf32> to vector<16xf32>
        %add3A_570 = arith.addf %get3A_563, %get3A_569 : vector<16xf32>
        %swap3A_571 = arith.constant 0 : i32
        %swap3A_572 = arith.index_cast %swap3A_571 : i32 to index
        %swap3A_573 = arith.index_cast %add3A_537 : i32 to index
        %swap3A_574 = arith.constant 16 : index
        %swap3A_575 = tpu.vector_load %arg11[%swap3A_572, %swap3A_573, %swap3A_574] {strides = array<i32>} : memref<2x256x64xf32, #tpu.memory_space<vmem>>, vector<1x1x16xf32>,
        %swap3A_576 = vector.shape_cast %swap3A_575 : vector<1x1x16xf32> to vector<16xf32>
        %swap3A_577 = vector.shape_cast %add3A_570 : vector<16xf32> to vector<1x1x16xf32>
        tpu.vector_store %arg11[%swap3A_572, %swap3A_573, %swap3A_574], %swap3A_577 {strides = array<i32>} : memref<2x256x64xf32, #tpu.memory_space<vmem>>, vector<1x1x16xf32>,
        %get3A_578 = arith.constant 0 : i32
        %get3A_579 = arith.index_cast %get3A_578 : i32 to index
        %get3A_580 = arith.index_cast %add3A_537 : i32 to index
        %get3A_581 = arith.constant 32 : index
        %get3A_582 = tpu.vector_load %arg9[%get3A_579, %get3A_580, %get3A_581] {strides = array<i32>} : memref<2x256x64xf32, #tpu.memory_space<vmem>>, vector<1x1x16xf32>,
        %get3A_583 = vector.shape_cast %get3A_582 : vector<1x1x16xf32> to vector<16xf32>
        %get3A_584 = arith.constant 0 : i32
        %get3A_585 = arith.index_cast %get3A_584 : i32 to index
        %get3A_586 = arith.index_cast %add3A_537 : i32 to index
        %get3A_587 = arith.constant 32 : index
        %get3A_588 = tpu.vector_load %arg10[%get3A_585, %get3A_586, %get3A_587] {strides = array<i32>} : memref<2x256x64xf32, #tpu.memory_space<vmem>>, vector<1x1x16xf32>,
        %get3A_589 = vector.shape_cast %get3A_588 : vector<1x1x16xf32> to vector<16xf32>
        %add3A_590 = arith.addf %get3A_583, %get3A_589 : vector<16xf32>
        %swap3A_591 = arith.constant 0 : i32
        %swap3A_592 = arith.index_cast %swap3A_591 : i32 to index
        %swap3A_593 = arith.index_cast %add3A_537 : i32 to index
        %swap3A_594 = arith.constant 32 : index
        %swap3A_595 = tpu.vector_load %arg11[%swap3A_592, %swap3A_593, %swap3A_594] {strides = array<i32>} : memref<2x256x64xf32, #tpu.memory_space<vmem>>, vector<1x1x16xf32>,
        %swap3A_596 = vector.shape_cast %swap3A_595 : vector<1x1x16xf32> to vector<16xf32>
        %swap3A_597 = vector.shape_cast %add3A_590 : vector<16xf32> to vector<1x1x16xf32>
        tpu.vector_store %arg11[%swap3A_592, %swap3A_593, %swap3A_594], %swap3A_597 {strides = array<i32>} : memref<2x256x64xf32, #tpu.memory_space<vmem>>, vector<1x1x16xf32>,
        %get3A_598 = arith.constant 0 : i32
        %get3A_599 = arith.index_cast %get3A_598 : i32 to index
        %get3A_600 = arith.index_cast %add3A_537 : i32 to index
        %get3A_601 = arith.constant 48 : index
        %get3A_602 = tpu.vector_load %arg9[%get3A_599, %get3A_600, %get3A_601] {strides = array<i32>} : memref<2x256x64xf32, #tpu.memory_space<vmem>>, vector<1x1x16xf32>,
        %get3A_603 = vector.shape_cast %get3A_602 : vector<1x1x16xf32> to vector<16xf32>
        %get3A_604 = arith.constant 0 : i32
        %get3A_605 = arith.index_cast %get3A_604 : i32 to index
        %get3A_606 = arith.index_cast %add3A_537 : i32 to index
        %get3A_607 = arith.constant 48 : index
        %get3A_608 = tpu.vector_load %arg10[%get3A_605, %get3A_606, %get3A_607] {strides = array<i32>} : memref<2x256x64xf32, #tpu.memory_space<vmem>>, vector<1x1x16xf32>,
        %get3A_609 = vector.shape_cast %get3A_608 : vector<1x1x16xf32> to vector<16xf32>
        %add3A_610 = arith.addf %get3A_603, %get3A_609 : vector<16xf32>
        %swap3A_611 = arith.constant 0 : i32
        %swap3A_612 = arith.index_cast %swap3A_611 : i32 to index
        %swap3A_613 = arith.index_cast %add3A_537 : i32 to index
        %swap3A_614 = arith.constant 48 : index
        %swap3A_615 = tpu.vector_load %arg11[%swap3A_612, %swap3A_613, %swap3A_614] {strides = array<i32>} : memref<2x256x64xf32, #tpu.memory_space<vmem>>, vector<1x1x16xf32>,
        %swap3A_616 = vector.shape_cast %swap3A_615 : vector<1x1x16xf32> to vector<16xf32>
        %swap3A_617 = vector.shape_cast %add3A_610 : vector<16xf32> to vector<1x1x16xf32>
        tpu.vector_store %arg11[%swap3A_612, %swap3A_613, %swap3A_614], %swap3A_617 {strides = array<i32>} : memref<2x256x64xf32, #tpu.memory_space<vmem>>, vector<1x1x16xf32>,
        %mul3A_618 = arith.constant 4 : i32
        %mul3A_619 = arith.muli %scan3A_366, %mul3A_618 : i32
        %add3A_620 = arith.constant 3 : i32
        %add3A_621 = arith.addi %mul3A_619, %add3A_620 : i32
        %get3A_622 = arith.constant 0 : i32
        %get3A_623 = arith.index_cast %get3A_622 : i32 to index
        %get3A_624 = arith.index_cast %add3A_621 : i32 to index
        %get3A_625 = arith.constant 0 : index
        %get3A_626 = tpu.vector_load %arg9[%get3A_623, %get3A_624, %get3A_625] {strides = array<i32>} : memref<2x256x64xf32, #tpu.memory_space<vmem>>, vector<1x1x16xf32>,
        %get3A_627 = vector.shape_cast %get3A_626 : vector<1x1x16xf32> to vector<16xf32>
        %get3A_628 = arith.constant 0 : i32
        %get3A_629 = arith.index_cast %get3A_628 : i32 to index
        %get3A_630 = arith.index_cast %add3A_621 : i32 to index
        %get3A_631 = arith.constant 0 : index
        %get3A_632 = tpu.vector_load %arg10[%get3A_629, %get3A_630, %get3A_631] {strides = array<i32>} : memref<2x256x64xf32, #tpu.memory_space<vmem>>, vector<1x1x16xf32>,
        %get3A_633 = vector.shape_cast %get3A_632 : vector<1x1x16xf32> to vector<16xf32>
        %add3A_634 = arith.addf %get3A_627, %get3A_633 : vector<16xf32>
        %swap3A_635 = arith.constant 0 : i32
        %swap3A_636 = arith.index_cast %swap3A_635 : i32 to index
        %swap3A_637 = arith.index_cast %add3A_621 : i32 to index
        %swap3A_638 = arith.constant 0 : index
        %swap3A_639 = tpu.vector_load %arg11[%swap3A_636, %swap3A_637, %swap3A_638] {strides = array<i32>} : memref<2x256x64xf32, #tpu.memory_space<vmem>>, vector<1x1x16xf32>,
        %swap3A_640 = vector.shape_cast %swap3A_639 : vector<1x1x16xf32> to vector<16xf32>
        %swap3A_641 = vector.shape_cast %add3A_634 : vector<16xf32> to vector<1x1x16xf32>
        tpu.vector_store %arg11[%swap3A_636, %swap3A_637, %swap3A_638], %swap3A_641 {strides = array<i32>} : memref<2x256x64xf32, #tpu.memory_space<vmem>>, vector<1x1x16xf32>,
        %get3A_642 = arith.constant 0 : i32
        %get3A_643 = arith.index_cast %get3A_642 : i32 to index
        %get3A_644 = arith.index_cast %add3A_621 : i32 to index
        %get3A_645 = arith.constant 16 : index
        %get3A_646 = tpu.vector_load %arg9[%get3A_643, %get3A_644, %get3A_645] {strides = array<i32>} : memref<2x256x64xf32, #tpu.memory_space<vmem>>, vector<1x1x16xf32>,
        %get3A_647 = vector.shape_cast %get3A_646 : vector<1x1x16xf32> to vector<16xf32>
        %get3A_648 = arith.constant 0 : i32
        %get3A_649 = arith.index_cast %get3A_648 : i32 to index
        %get3A_650 = arith.index_cast %add3A_621 : i32 to index
        %get3A_651 = arith.constant 16 : index
        %get3A_652 = tpu.vector_load %arg10[%get3A_649, %get3A_650, %get3A_651] {strides = array<i32>} : memref<2x256x64xf32, #tpu.memory_space<vmem>>, vector<1x1x16xf32>,
        %get3A_653 = vector.shape_cast %get3A_652 : vector<1x1x16xf32> to vector<16xf32>
        %add3A_654 = arith.addf %get3A_647, %get3A_653 : vector<16xf32>
        %swap3A_655 = arith.constant 0 : i32
        %swap3A_656 = arith.index_cast %swap3A_655 : i32 to index
        %swap3A_657 = arith.index_cast %add3A_621 : i32 to index
        %swap3A_658 = arith.constant 16 : index
        %swap3A_659 = tpu.vector_load %arg11[%swap3A_656, %swap3A_657, %swap3A_658] {strides = array<i32>} : memref<2x256x64xf32, #tpu.memory_space<vmem>>, vector<1x1x16xf32>,
        %swap3A_660 = vector.shape_cast %swap3A_659 : vector<1x1x16xf32> to vector<16xf32>
        %swap3A_661 = vector.shape_cast %add3A_654 : vector<16xf32> to vector<1x1x16xf32>
        tpu.vector_store %arg11[%swap3A_656, %swap3A_657, %swap3A_658], %swap3A_661 {strides = array<i32>} : memref<2x256x64xf32, #tpu.memory_space<vmem>>, vector<1x1x16xf32>,
        %get3A_662 = arith.constant 0 : i32
        %get3A_663 = arith.index_cast %get3A_662 : i32 to index
        %get3A_664 = arith.index_cast %add3A_621 : i32 to index
        %get3A_665 = arith.constant 32 : index
        %get3A_666 = tpu.vector_load %arg9[%get3A_663, %get3A_664, %get3A_665] {strides = array<i32>} : memref<2x256x64xf32, #tpu.memory_space<vmem>>, vector<1x1x16xf32>,
        %get3A_667 = vector.shape_cast %get3A_666 : vector<1x1x16xf32> to vector<16xf32>
        %get3A_668 = arith.constant 0 : i32
        %get3A_669 = arith.index_cast %get3A_668 : i32 to index
        %get3A_670 = arith.index_cast %add3A_621 : i32 to index
        %get3A_671 = arith.constant 32 : index
        %get3A_672 = tpu.vector_load %arg10[%get3A_669, %get3A_670, %get3A_671] {strides = array<i32>} : memref<2x256x64xf32, #tpu.memory_space<vmem>>, vector<1x1x16xf32>,
        %get3A_673 = vector.shape_cast %get3A_672 : vector<1x1x16xf32> to vector<16xf32>
        %add3A_674 = arith.addf %get3A_667, %get3A_673 : vector<16xf32>
        %swap3A_675 = arith.constant 0 : i32
        %swap3A_676 = arith.index_cast %swap3A_675 : i32 to index
        %swap3A_677 = arith.index_cast %add3A_621 : i32 to index
        %swap3A_678 = arith.constant 32 : index
        %swap3A_679 = tpu.vector_load %arg11[%swap3A_676, %swap3A_677, %swap3A_678] {strides = array<i32>} : memref<2x256x64xf32, #tpu.memory_space<vmem>>, vector<1x1x16xf32>,
        %swap3A_680 = vector.shape_cast %swap3A_679 : vector<1x1x16xf32> to vector<16xf32>
        %swap3A_681 = vector.shape_cast %add3A_674 : vector<16xf32> to vector<1x1x16xf32>
        tpu.vector_store %arg11[%swap3A_676, %swap3A_677, %swap3A_678], %swap3A_681 {strides = array<i32>} : memref<2x256x64xf32, #tpu.memory_space<vmem>>, vector<1x1x16xf32>,
        %get3A_682 = arith.constant 0 : i32
        %get3A_683 = arith.index_cast %get3A_682 : i32 to index
        %get3A_684 = arith.index_cast %add3A_621 : i32 to index
        %get3A_685 = arith.constant 48 : index
        %get3A_686 = tpu.vector_load %arg9[%get3A_683, %get3A_684, %get3A_685] {strides = array<i32>} : memref<2x256x64xf32, #tpu.memory_space<vmem>>, vector<1x1x16xf32>,
        %get3A_687 = vector.shape_cast %get3A_686 : vector<1x1x16xf32> to vector<16xf32>
        %get3A_688 = arith.constant 0 : i32
        %get3A_689 = arith.index_cast %get3A_688 : i32 to index
        %get3A_690 = arith.index_cast %add3A_621 : i32 to index
        %get3A_691 = arith.constant 48 : index
        %get3A_692 = tpu.vector_load %arg10[%get3A_689, %get3A_690, %get3A_691] {strides = array<i32>} : memref<2x256x64xf32, #tpu.memory_space<vmem>>, vector<1x1x16xf32>,
        %get3A_693 = vector.shape_cast %get3A_692 : vector<1x1x16xf32> to vector<16xf32>
        %add3A_694 = arith.addf %get3A_687, %get3A_693 : vector<16xf32>
        %swap3A_695 = arith.constant 0 : i32
        %swap3A_696 = arith.index_cast %swap3A_695 : i32 to index
        %swap3A_697 = arith.index_cast %add3A_621 : i32 to index
        %swap3A_698 = arith.constant 48 : index
        %swap3A_699 = tpu.vector_load %arg11[%swap3A_696, %swap3A_697, %swap3A_698] {strides = array<i32>} : memref<2x256x64xf32, #tpu.memory_space<vmem>>, vector<1x1x16xf32>,
        %swap3A_700 = vector.shape_cast %swap3A_699 : vector<1x1x16xf32> to vector<16xf32>
        %swap3A_701 = vector.shape_cast %add3A_694 : vector<16xf32> to vector<1x1x16xf32>
        tpu.vector_store %arg11[%swap3A_696, %swap3A_697, %swap3A_698], %swap3A_701 {strides = array<i32>} : memref<2x256x64xf32, #tpu.memory_space<vmem>>, vector<1x1x16xf32>,
        %scan3A_702 = arith.constant 0 : i32
        scf.yield %scan3A_702 : i32
      }
      %scan3A_259 = arith.constant 64 : i32
      %mul3A_260 = arith.constant 256 : i32
      %mul3A_261 = arith.muli %add3A_206, %mul3A_260 : i32
      %add3A_262 = arith.addi %mul3A_2, %mul3A_261 : i32
      %dma_start3A_263 = arith.constant 0 : i32
      %dma_start3A_264 = arith.constant 0 : i32
      %dma_start3A_265 = arith.constant 0 : i32
      %dma_start3A_266 = tpu.memref_slice %arg11[%dma_start3A_263, %dma_start3A_264, %dma_start3A_265] : memref<2x256x64xf32, #tpu.memory_space<vmem>> -> memref<1x256x64xf32, #tpu.memory_space<vmem>>
      %dma_start3A_267 = tpu.memref_squeeze %dma_start3A_266 : memref<1x256x64xf32, #tpu.memory_space<vmem>> -> memref<256x64xf32, #tpu.memory_space<vmem>>
      %dma_start3A_268 = arith.constant 0 : i32
      %dma_start3A_269 = tpu.memref_slice %arg6[%add3A_262, %dma_start3A_268] : memref<204800x64xf32, #tpu.memory_space<hbm>> -> memref<256x64xf32, #tpu.memory_space<hbm>>
      %dma_start3A_270 = arith.constant 0 : i32
      %dma_start3A_271 = tpu.memref_slice %arg6[%add3A_262, %dma_start3A_270] : memref<204800x64xf32, #tpu.memory_space<hbm>> -> memref<256x64xf32, #tpu.memory_space<hbm>>
      %dma_start3A_272 = arith.constant 0 : i32
      %dma_start3A_273 = arith.constant 0 : i32
      %dma_start3A_274 = tpu.memref_slice %arg11[%dma_start3A_263, %dma_start3A_272, %dma_start3A_273] : memref<2x256x64xf32, #tpu.memory_space<vmem>> -> memref<1x256x64xf32, #tpu.memory_space<vmem>>
      %dma_start3A_275 = tpu.memref_squeeze %dma_start3A_274 : memref<1x256x64xf32, #tpu.memory_space<vmem>> -> memref<256x64xf32, #tpu.memory_space<vmem>>
      tpu.enqueue_dma source(%dma_start3A_275 : memref<256x64xf32, #tpu.memory_space<vmem>>) target(%dma_start3A_271 : memref<256x64xf32, #tpu.memory_space<hbm>>) target_semaphore(%arg14 : memref<!tpu.dma_semaphore, #tpu.memory_space<semaphore_mem>>)
      %add3A_276 = arith.constant 2 : i32
      %add3A_277 = arith.addi %add3A_206, %add3A_276 : i32
      %lt3A = arith.constant 25 : i32
      %lt3A_278 = arith.cmpi slt, %add3A_277, %lt3A : i32
      %convert_element_type3A_279 = arith.extui %lt3A_278 : i1 to i32
      %cond3A_280 = arith.constant 0 : i32
      %cond3A_281 = arith.cmpi ne, %convert_element_type3A_279, %cond3A_280 : i32
      scf.if %cond3A_281 {
        %add3A_366 = arith.constant 2 : i32
        %add3A_367 = arith.addi %add3A_206, %add3A_366 : i32
        %mul3A_368 = arith.constant 256 : i32
        %mul3A_369 = arith.muli %add3A_367, %mul3A_368 : i32
        %add3A_370 = arith.constant 0 : i32
        %add3A_371 = arith.addi %mul3A_369, %add3A_370 : i32
        %dma_start3A_372 = arith.constant 0 : i32
        %dma_start3A_373 = arith.constant 0 : i32
        %dma_start3A_374 = arith.constant 0 : i32
        %dma_start3A_375 = tpu.memref_slice %arg9[%dma_start3A_372, %dma_start3A_373, %dma_start3A_374] : memref<2x256x64xf32, #tpu.memory_space<vmem>> -> memref<1x128x64xf32, #tpu.memory_space<vmem>>
        %dma_start3A_376 = tpu.memref_squeeze %dma_start3A_375 : memref<1x128x64xf32, #tpu.memory_space<vmem>> -> memref<128x64xf32, #tpu.memory_space<vmem>>
        %dma_start3A_377 = tpu.memref_slice %arg7[%add3A_371] : memref<6400xi32, #tpu.memory_space<vmem>> -> memref<128xi32, #tpu.memory_space<vmem>>
        %dma_start3A_378 = arith.constant 0 : i32
        %dma_start3A_379 = arith.constant 0 : i32
        %dma_start3A_380 = tpu.memref_slice %arg4[%dma_start3A_378, %dma_start3A_379] : memref<1000000x64xf32, #tpu.memory_space<hbm>> -> memref<1000000x64xf32, #tpu.memory_space<hbm>>
        tpu.enqueue_indirect_dma source(%dma_start3A_380 : memref<1000000x64xf32, #tpu.memory_space<hbm>>) target(%dma_start3A_376 : memref<128x64xf32, #tpu.memory_space<vmem>>) offsets(%dma_start3A_377 : memref<128xi32, #tpu.memory_space<vmem>>) semaphore(%arg12 : memref<!tpu.dma_semaphore, #tpu.memory_space<semaphore_mem>>)
        %dma_start3A_381 = arith.constant 0 : i32
        %dma_start3A_382 = arith.constant 0 : i32
        %dma_start3A_383 = arith.constant 0 : i32
        %dma_start3A_384 = tpu.memref_slice %arg10[%dma_start3A_381, %dma_start3A_382, %dma_start3A_383] : memref<2x256x64xf32, #tpu.memory_space<vmem>> -> memref<1x128x64xf32, #tpu.memory_space<vmem>>
        %dma_start3A_385 = tpu.memref_squeeze %dma_start3A_384 : memref<1x128x64xf32, #tpu.memory_space<vmem>> -> memref<128x64xf32, #tpu.memory_space<vmem>>
        %dma_start3A_386 = tpu.memref_slice %arg8[%add3A_371] : memref<6400xi32, #tpu.memory_space<vmem>> -> memref<128xi32, #tpu.memory_space<vmem>>
        %dma_start3A_387 = arith.constant 0 : i32
        %dma_start3A_388 = arith.constant 0 : i32
        %dma_start3A_389 = tpu.memref_slice %arg5[%dma_start3A_387, %dma_start3A_388] : memref<600x64xf32, #tpu.memory_space<hbm>> -> memref<600x64xf32, #tpu.memory_space<hbm>>
        tpu.enqueue_indirect_dma source(%dma_start3A_389 : memref<600x64xf32, #tpu.memory_space<hbm>>) target(%dma_start3A_385 : memref<128x64xf32, #tpu.memory_space<vmem>>) offsets(%dma_start3A_386 : memref<128xi32, #tpu.memory_space<vmem>>) semaphore(%arg12 : memref<!tpu.dma_semaphore, #tpu.memory_space<semaphore_mem>>)
        %mul3A_390 = arith.constant 256 : i32
        %mul3A_391 = arith.muli %add3A_367, %mul3A_390 : i32
        %add3A_392 = arith.constant 128 : i32
        %add3A_393 = arith.addi %mul3A_391, %add3A_392 : i32
        %dma_start3A_394 = arith.constant 0 : i32
        %dma_start3A_395 = arith.constant 128 : i32
        %dma_start3A_396 = arith.constant 0 : i32
        %dma_start3A_397 = tpu.memref_slice %arg9[%dma_start3A_394, %dma_start3A_395, %dma_start3A_396] : memref<2x256x64xf32, #tpu.memory_space<vmem>> -> memref<1x128x64xf32, #tpu.memory_space<vmem>>
        %dma_start3A_398 = tpu.memref_squeeze %dma_start3A_397 : memref<1x128x64xf32, #tpu.memory_space<vmem>> -> memref<128x64xf32, #tpu.memory_space<vmem>>
        %dma_start3A_399 = tpu.memref_slice %arg7[%add3A_393] : memref<6400xi32, #tpu.memory_space<vmem>> -> memref<128xi32, #tpu.memory_space<vmem>>
        %dma_start3A_400 = arith.constant 0 : i32
        %dma_start3A_401 = arith.constant 0 : i32
        %dma_start3A_402 = tpu.memref_slice %arg4[%dma_start3A_400, %dma_start3A_401] : memref<1000000x64xf32, #tpu.memory_space<hbm>> -> memref<1000000x64xf32, #tpu.memory_space<hbm>>
        tpu.enqueue_indirect_dma source(%dma_start3A_402 : memref<1000000x64xf32, #tpu.memory_space<hbm>>) target(%dma_start3A_398 : memref<128x64xf32, #tpu.memory_space<vmem>>) offsets(%dma_start3A_399 : memref<128xi32, #tpu.memory_space<vmem>>) semaphore(%arg12 : memref<!tpu.dma_semaphore, #tpu.memory_space<semaphore_mem>>)
        %dma_start3A_403 = arith.constant 0 : i32
        %dma_start3A_404 = arith.constant 128 : i32
        %dma_start3A_405 = arith.constant 0 : i32
        %dma_start3A_406 = tpu.memref_slice %arg10[%dma_start3A_403, %dma_start3A_404, %dma_start3A_405] : memref<2x256x64xf32, #tpu.memory_space<vmem>> -> memref<1x128x64xf32, #tpu.memory_space<vmem>>
        %dma_start3A_407 = tpu.memref_squeeze %dma_start3A_406 : memref<1x128x64xf32, #tpu.memory_space<vmem>> -> memref<128x64xf32, #tpu.memory_space<vmem>>
        %dma_start3A_408 = tpu.memref_slice %arg8[%add3A_393] : memref<6400xi32, #tpu.memory_space<vmem>> -> memref<128xi32, #tpu.memory_space<vmem>>
        %dma_start3A_409 = arith.constant 0 : i32
        %dma_start3A_410 = arith.constant 0 : i32
        %dma_start3A_411 = tpu.memref_slice %arg5[%dma_start3A_409, %dma_start3A_410] : memref<600x64xf32, #tpu.memory_space<hbm>> -> memref<600x64xf32, #tpu.memory_space<hbm>>
        tpu.enqueue_indirect_dma source(%dma_start3A_411 : memref<600x64xf32, #tpu.memory_space<hbm>>) target(%dma_start3A_407 : memref<128x64xf32, #tpu.memory_space<vmem>>) offsets(%dma_start3A_408 : memref<128xi32, #tpu.memory_space<vmem>>) semaphore(%arg12 : memref<!tpu.dma_semaphore, #tpu.memory_space<semaphore_mem>>)
      } else {
      }
      %mul3A_282 = arith.constant 2 : i32
      %mul3A_283 = arith.muli %scan3A_201, %mul3A_282 : i32
      %add3A_284 = arith.constant 1 : i32
      %add3A_285 = arith.addi %mul3A_283, %add3A_284 : i32
      %mul3A_286 = arith.constant 256 : i32
      %mul3A_287 = arith.muli %add3A_285, %mul3A_286 : i32
      %add3A_288 = arith.constant 0 : i32
      %add3A_289 = arith.addi %mul3A_287, %add3A_288 : i32
      %dma_wait3A_290 = arith.constant 1 : i32
      %dma_wait3A_291 = arith.constant 0 : i32
      %dma_wait3A_292 = arith.constant 0 : i32
      %dma_wait3A_293 = tpu.memref_slice %arg9[%dma_wait3A_290, %dma_wait3A_291, %dma_wait3A_292] : memref<2x256x64xf32, #tpu.memory_space<vmem>> -> memref<1x128x64xf32, #tpu.memory_space<vmem>>
      %dma_wait3A_294 = tpu.memref_squeeze %dma_wait3A_293 : memref<1x128x64xf32, #tpu.memory_space<vmem>> -> memref<128x64xf32, #tpu.memory_space<vmem>>
      %dma_wait3A_295 = tpu.memref_slice %arg7[%add3A_289] : memref<6400xi32, #tpu.memory_space<vmem>> -> memref<128xi32, #tpu.memory_space<vmem>>
      %dma_wait3A_296 = arith.constant 0 : i32
      %dma_wait3A_297 = arith.constant 0 : i32
      %dma_wait3A_298 = tpu.memref_slice %arg4[%dma_wait3A_296, %dma_wait3A_297] : memref<1000000x64xf32, #tpu.memory_space<hbm>> -> memref<1000000x64xf32, #tpu.memory_space<hbm>>
      tpu.wait_indirect_dma semaphore(%arg13 : memref<!tpu.dma_semaphore, #tpu.memory_space<semaphore_mem>>) src(%dma_wait3A_298 : memref<1000000x64xf32, #tpu.memory_space<hbm>>) dst(%dma_wait3A_294 : memref<128x64xf32, #tpu.memory_space<vmem>>)
      %dma_wait3A_299 = arith.constant 1 : i32
      %dma_wait3A_300 = arith.constant 0 : i32
      %dma_wait3A_301 = arith.constant 0 : i32
      %dma_wait3A_302 = tpu.memref_slice %arg10[%dma_wait3A_299, %dma_wait3A_300, %dma_wait3A_301] : memref<2x256x64xf32, #tpu.memory_space<vmem>> -> memref<1x128x64xf32, #tpu.memory_space<vmem>>
      %dma_wait3A_303 = tpu.memref_squeeze %dma_wait3A_302 : memref<1x128x64xf32, #tpu.memory_space<vmem>> -> memref<128x64xf32, #tpu.memory_space<vmem>>
      %dma_wait3A_304 = tpu.memref_slice %arg8[%add3A_289] : memref<6400xi32, #tpu.memory_space<vmem>> -> memref<128xi32, #tpu.memory_space<vmem>>
      %dma_wait3A_305 = arith.constant 0 : i32
      %dma_wait3A_306 = arith.constant 0 : i32
      %dma_wait3A_307 = tpu.memref_slice %arg5[%dma_wait3A_305, %dma_wait3A_306] : memref<600x64xf32, #tpu.memory_space<hbm>> -> memref<600x64xf32, #tpu.memory_space<hbm>>
      tpu.wait_indirect_dma semaphore(%arg13 : memref<!tpu.dma_semaphore, #tpu.memory_space<semaphore_mem>>) src(%dma_wait3A_307 : memref<600x64xf32, #tpu.memory_space<hbm>>) dst(%dma_wait3A_303 : memref<128x64xf32, #tpu.memory_space<vmem>>)
      %mul3A_308 = arith.constant 256 : i32
      %mul3A_309 = arith.muli %add3A_285, %mul3A_308 : i32
      %add3A_310 = arith.constant 128 : i32
      %add3A_311 = arith.addi %mul3A_309, %add3A_310 : i32
      %dma_wait3A_312 = arith.constant 1 : i32
      %dma_wait3A_313 = arith.constant 128 : i32
      %dma_wait3A_314 = arith.constant 0 : i32
      %dma_wait3A_315 = tpu.memref_slice %arg9[%dma_wait3A_312, %dma_wait3A_313, %dma_wait3A_314] : memref<2x256x64xf32, #tpu.memory_space<vmem>> -> memref<1x128x64xf32, #tpu.memory_space<vmem>>
      %dma_wait3A_316 = tpu.memref_squeeze %dma_wait3A_315 : memref<1x128x64xf32, #tpu.memory_space<vmem>> -> memref<128x64xf32, #tpu.memory_space<vmem>>
      %dma_wait3A_317 = tpu.memref_slice %arg7[%add3A_311] : memref<6400xi32, #tpu.memory_space<vmem>> -> memref<128xi32, #tpu.memory_space<vmem>>
      %dma_wait3A_318 = arith.constant 0 : i32
      %dma_wait3A_319 = arith.constant 0 : i32
      %dma_wait3A_320 = tpu.memref_slice %arg4[%dma_wait3A_318, %dma_wait3A_319] : memref<1000000x64xf32, #tpu.memory_space<hbm>> -> memref<1000000x64xf32, #tpu.memory_space<hbm>>
      tpu.wait_indirect_dma semaphore(%arg13 : memref<!tpu.dma_semaphore, #tpu.memory_space<semaphore_mem>>) src(%dma_wait3A_320 : memref<1000000x64xf32, #tpu.memory_space<hbm>>) dst(%dma_wait3A_316 : memref<128x64xf32, #tpu.memory_space<vmem>>)
      %dma_wait3A_321 = arith.constant 1 : i32
      %dma_wait3A_322 = arith.constant 128 : i32
      %dma_wait3A_323 = arith.constant 0 : i32
      %dma_wait3A_324 = tpu.memref_slice %arg10[%dma_wait3A_321, %dma_wait3A_322, %dma_wait3A_323] : memref<2x256x64xf32, #tpu.memory_space<vmem>> -> memref<1x128x64xf32, #tpu.memory_space<vmem>>
      %dma_wait3A_325 = tpu.memref_squeeze %dma_wait3A_324 : memref<1x128x64xf32, #tpu.memory_space<vmem>> -> memref<128x64xf32, #tpu.memory_space<vmem>>
      %dma_wait3A_326 = tpu.memref_slice %arg8[%add3A_311] : memref<6400xi32, #tpu.memory_space<vmem>> -> memref<128xi32, #tpu.memory_space<vmem>>
      %dma_wait3A_327 = arith.constant 0 : i32
      %dma_wait3A_328 = arith.constant 0 : i32
      %dma_wait3A_329 = tpu.memref_slice %arg5[%dma_wait3A_327, %dma_wait3A_328] : memref<600x64xf32, #tpu.memory_space<hbm>> -> memref<600x64xf32, #tpu.memory_space<hbm>>
      tpu.wait_indirect_dma semaphore(%arg13 : memref<!tpu.dma_semaphore, #tpu.memory_space<semaphore_mem>>) src(%dma_wait3A_329 : memref<600x64xf32, #tpu.memory_space<hbm>>) dst(%dma_wait3A_325 : memref<128x64xf32, #tpu.memory_space<vmem>>)
      %gt3A_330 = arith.constant 0 : i32
      %gt3A_331 = arith.cmpi sgt, %scan3A_201, %gt3A_330 : i32
      %convert_element_type3A_332 = arith.extui %gt3A_331 : i1 to i32
      %cond3A_333 = arith.constant 0 : i32
      %cond3A_334 = arith.cmpi ne, %convert_element_type3A_332, %cond3A_333 : i32
      scf.if %cond3A_334 {
        %sub3A = arith.constant 2 : i32
        %sub3A_366 = arith.subi %add3A_285, %sub3A : i32
        %mul3A_367 = arith.constant 256 : i32
        %mul3A_368 = arith.muli %sub3A_366, %mul3A_367 : i32
        %add3A_369 = arith.addi %mul3A_2, %mul3A_368 : i32
        %dma_wait3A_370 = arith.constant 1 : i32
        %dma_wait3A_371 = arith.constant 0 : i32
        %dma_wait3A_372 = arith.constant 0 : i32
        %dma_wait3A_373 = tpu.memref_slice %arg11[%dma_wait3A_370, %dma_wait3A_371, %dma_wait3A_372] : memref<2x256x64xf32, #tpu.memory_space<vmem>> -> memref<1x256x64xf32, #tpu.memory_space<vmem>>
        %dma_wait3A_374 = tpu.memref_squeeze %dma_wait3A_373 : memref<1x256x64xf32, #tpu.memory_space<vmem>> -> memref<256x64xf32, #tpu.memory_space<vmem>>
        %dma_wait3A_375 = arith.constant 0 : i32
        %dma_wait3A_376 = tpu.memref_slice %arg6[%add3A_369, %dma_wait3A_375] : memref<204800x64xf32, #tpu.memory_space<hbm>> -> memref<256x64xf32, #tpu.memory_space<hbm>>
        %dma_wait3A_377 = arith.constant 0 : i32
        %dma_wait3A_378 = tpu.memref_slice %arg6[%add3A_369, %dma_wait3A_377] : memref<204800x64xf32, #tpu.memory_space<hbm>> -> memref<256x64xf32, #tpu.memory_space<hbm>>
        %dma_wait3A_379 = arith.constant 0 : i32
        %dma_wait3A_380 = arith.constant 0 : i32
        %dma_wait3A_381 = tpu.memref_slice %arg11[%dma_wait3A_370, %dma_wait3A_379, %dma_wait3A_380] : memref<2x256x64xf32, #tpu.memory_space<vmem>> -> memref<1x256x64xf32, #tpu.memory_space<vmem>>
        %dma_wait3A_382 = tpu.memref_squeeze %dma_wait3A_381 : memref<1x256x64xf32, #tpu.memory_space<vmem>> -> memref<256x64xf32, #tpu.memory_space<vmem>>
        tpu.wait_dma2 semaphore(%arg15 : memref<!tpu.dma_semaphore, #tpu.memory_space<semaphore_mem>>) src(%dma_wait3A_382 : memref<256x64xf32, #tpu.memory_space<vmem>>) dst(%dma_wait3A_378 : memref<256x64xf32, #tpu.memory_space<hbm>>)
      } else {
      }
      %scan3A_335 = arith.constant 0 : i32
      %scan3A_336 = arith.constant 0 : i32
      %scan3A_337 = arith.constant 64 : i32
      %scan3A_338 = arith.addi %scan3A_336, %scan3A_337 : i32
      %scan3A_339 = arith.constant 1 : i32
      %scan3A_340 = scf.for %scan3A_366 = %scan3A_336 to %scan3A_338 step %scan3A_339 iter_args(%scan3A_367 = %scan3A_335) -> (i32)  : i32 {
        %mul3A_368 = arith.constant 4 : i32
        %mul3A_369 = arith.muli %scan3A_366, %mul3A_368 : i32
        %add3A_370 = arith.constant 0 : i32
        %add3A_371 = arith.addi %mul3A_369, %add3A_370 : i32
        %get3A = arith.constant 1 : i32
        %get3A_372 = arith.index_cast %get3A : i32 to index
        %get3A_373 = arith.index_cast %add3A_371 : i32 to index
        %get3A_374 = arith.constant 0 : index
        %get3A_375 = tpu.vector_load %arg9[%get3A_372, %get3A_373, %get3A_374] {strides = array<i32>} : memref<2x256x64xf32, #tpu.memory_space<vmem>>, vector<1x1x16xf32>,
        %get3A_376 = vector.shape_cast %get3A_375 : vector<1x1x16xf32> to vector<16xf32>
        %get3A_377 = arith.constant 1 : i32
        %get3A_378 = arith.index_cast %get3A_377 : i32 to index
        %get3A_379 = arith.index_cast %add3A_371 : i32 to index
        %get3A_380 = arith.constant 0 : index
        %get3A_381 = tpu.vector_load %arg10[%get3A_378, %get3A_379, %get3A_380] {strides = array<i32>} : memref<2x256x64xf32, #tpu.memory_space<vmem>>, vector<1x1x16xf32>,
        %get3A_382 = vector.shape_cast %get3A_381 : vector<1x1x16xf32> to vector<16xf32>
        %add3A_383 = arith.addf %get3A_376, %get3A_382 : vector<16xf32>
        %swap3A = arith.constant 1 : i32
        %swap3A_384 = arith.index_cast %swap3A : i32 to index
        %swap3A_385 = arith.index_cast %add3A_371 : i32 to index
        %swap3A_386 = arith.constant 0 : index
        %swap3A_387 = tpu.vector_load %arg11[%swap3A_384, %swap3A_385, %swap3A_386] {strides = array<i32>} : memref<2x256x64xf32, #tpu.memory_space<vmem>>, vector<1x1x16xf32>,
        %swap3A_388 = vector.shape_cast %swap3A_387 : vector<1x1x16xf32> to vector<16xf32>
        %swap3A_389 = vector.shape_cast %add3A_383 : vector<16xf32> to vector<1x1x16xf32>
        tpu.vector_store %arg11[%swap3A_384, %swap3A_385, %swap3A_386], %swap3A_389 {strides = array<i32>} : memref<2x256x64xf32, #tpu.memory_space<vmem>>, vector<1x1x16xf32>,
        %get3A_390 = arith.constant 1 : i32
        %get3A_391 = arith.index_cast %get3A_390 : i32 to index
        %get3A_392 = arith.index_cast %add3A_371 : i32 to index
        %get3A_393 = arith.constant 16 : index
        %get3A_394 = tpu.vector_load %arg9[%get3A_391, %get3A_392, %get3A_393] {strides = array<i32>} : memref<2x256x64xf32, #tpu.memory_space<vmem>>, vector<1x1x16xf32>,
        %get3A_395 = vector.shape_cast %get3A_394 : vector<1x1x16xf32> to vector<16xf32>
        %get3A_396 = arith.constant 1 : i32
        %get3A_397 = arith.index_cast %get3A_396 : i32 to index
        %get3A_398 = arith.index_cast %add3A_371 : i32 to index
        %get3A_399 = arith.constant 16 : index
        %get3A_400 = tpu.vector_load %arg10[%get3A_397, %get3A_398, %get3A_399] {strides = array<i32>} : memref<2x256x64xf32, #tpu.memory_space<vmem>>, vector<1x1x16xf32>,
        %get3A_401 = vector.shape_cast %get3A_400 : vector<1x1x16xf32> to vector<16xf32>
        %add3A_402 = arith.addf %get3A_395, %get3A_401 : vector<16xf32>
        %swap3A_403 = arith.constant 1 : i32
        %swap3A_404 = arith.index_cast %swap3A_403 : i32 to index
        %swap3A_405 = arith.index_cast %add3A_371 : i32 to index
        %swap3A_406 = arith.constant 16 : index
        %swap3A_407 = tpu.vector_load %arg11[%swap3A_404, %swap3A_405, %swap3A_406] {strides = array<i32>} : memref<2x256x64xf32, #tpu.memory_space<vmem>>, vector<1x1x16xf32>,
        %swap3A_408 = vector.shape_cast %swap3A_407 : vector<1x1x16xf32> to vector<16xf32>
        %swap3A_409 = vector.shape_cast %add3A_402 : vector<16xf32> to vector<1x1x16xf32>
        tpu.vector_store %arg11[%swap3A_404, %swap3A_405, %swap3A_406], %swap3A_409 {strides = array<i32>} : memref<2x256x64xf32, #tpu.memory_space<vmem>>, vector<1x1x16xf32>,
        %get3A_410 = arith.constant 1 : i32
        %get3A_411 = arith.index_cast %get3A_410 : i32 to index
        %get3A_412 = arith.index_cast %add3A_371 : i32 to index
        %get3A_413 = arith.constant 32 : index
        %get3A_414 = tpu.vector_load %arg9[%get3A_411, %get3A_412, %get3A_413] {strides = array<i32>} : memref<2x256x64xf32, #tpu.memory_space<vmem>>, vector<1x1x16xf32>,
        %get3A_415 = vector.shape_cast %get3A_414 : vector<1x1x16xf32> to vector<16xf32>
        %get3A_416 = arith.constant 1 : i32
        %get3A_417 = arith.index_cast %get3A_416 : i32 to index
        %get3A_418 = arith.index_cast %add3A_371 : i32 to index
        %get3A_419 = arith.constant 32 : index
        %get3A_420 = tpu.vector_load %arg10[%get3A_417, %get3A_418, %get3A_419] {strides = array<i32>} : memref<2x256x64xf32, #tpu.memory_space<vmem>>, vector<1x1x16xf32>,
        %get3A_421 = vector.shape_cast %get3A_420 : vector<1x1x16xf32> to vector<16xf32>
        %add3A_422 = arith.addf %get3A_415, %get3A_421 : vector<16xf32>
        %swap3A_423 = arith.constant 1 : i32
        %swap3A_424 = arith.index_cast %swap3A_423 : i32 to index
        %swap3A_425 = arith.index_cast %add3A_371 : i32 to index
        %swap3A_426 = arith.constant 32 : index
        %swap3A_427 = tpu.vector_load %arg11[%swap3A_424, %swap3A_425, %swap3A_426] {strides = array<i32>} : memref<2x256x64xf32, #tpu.memory_space<vmem>>, vector<1x1x16xf32>,
        %swap3A_428 = vector.shape_cast %swap3A_427 : vector<1x1x16xf32> to vector<16xf32>
        %swap3A_429 = vector.shape_cast %add3A_422 : vector<16xf32> to vector<1x1x16xf32>
        tpu.vector_store %arg11[%swap3A_424, %swap3A_425, %swap3A_426], %swap3A_429 {strides = array<i32>} : memref<2x256x64xf32, #tpu.memory_space<vmem>>, vector<1x1x16xf32>,
        %get3A_430 = arith.constant 1 : i32
        %get3A_431 = arith.index_cast %get3A_430 : i32 to index
        %get3A_432 = arith.index_cast %add3A_371 : i32 to index
        %get3A_433 = arith.constant 48 : index
        %get3A_434 = tpu.vector_load %arg9[%get3A_431, %get3A_432, %get3A_433] {strides = array<i32>} : memref<2x256x64xf32, #tpu.memory_space<vmem>>, vector<1x1x16xf32>,
        %get3A_435 = vector.shape_cast %get3A_434 : vector<1x1x16xf32> to vector<16xf32>
        %get3A_436 = arith.constant 1 : i32
        %get3A_437 = arith.index_cast %get3A_436 : i32 to index
        %get3A_438 = arith.index_cast %add3A_371 : i32 to index
        %get3A_439 = arith.constant 48 : index
        %get3A_440 = tpu.vector_load %arg10[%get3A_437, %get3A_438, %get3A_439] {strides = array<i32>} : memref<2x256x64xf32, #tpu.memory_space<vmem>>, vector<1x1x16xf32>,
        %get3A_441 = vector.shape_cast %get3A_440 : vector<1x1x16xf32> to vector<16xf32>
        %add3A_442 = arith.addf %get3A_435, %get3A_441 : vector<16xf32>
        %swap3A_443 = arith.constant 1 : i32
        %swap3A_444 = arith.index_cast %swap3A_443 : i32 to index
        %swap3A_445 = arith.index_cast %add3A_371 : i32 to index
        %swap3A_446 = arith.constant 48 : index
        %swap3A_447 = tpu.vector_load %arg11[%swap3A_444, %swap3A_445, %swap3A_446] {strides = array<i32>} : memref<2x256x64xf32, #tpu.memory_space<vmem>>, vector<1x1x16xf32>,
        %swap3A_448 = vector.shape_cast %swap3A_447 : vector<1x1x16xf32> to vector<16xf32>
        %swap3A_449 = vector.shape_cast %add3A_442 : vector<16xf32> to vector<1x1x16xf32>
        tpu.vector_store %arg11[%swap3A_444, %swap3A_445, %swap3A_446], %swap3A_449 {strides = array<i32>} : memref<2x256x64xf32, #tpu.memory_space<vmem>>, vector<1x1x16xf32>,
        %mul3A_450 = arith.constant 4 : i32
        %mul3A_451 = arith.muli %scan3A_366, %mul3A_450 : i32
        %add3A_452 = arith.constant 1 : i32
        %add3A_453 = arith.addi %mul3A_451, %add3A_452 : i32
        %get3A_454 = arith.constant 1 : i32
        %get3A_455 = arith.index_cast %get3A_454 : i32 to index
        %get3A_456 = arith.index_cast %add3A_453 : i32 to index
        %get3A_457 = arith.constant 0 : index
        %get3A_458 = tpu.vector_load %arg9[%get3A_455, %get3A_456, %get3A_457] {strides = array<i32>} : memref<2x256x64xf32, #tpu.memory_space<vmem>>, vector<1x1x16xf32>,
        %get3A_459 = vector.shape_cast %get3A_458 : vector<1x1x16xf32> to vector<16xf32>
        %get3A_460 = arith.constant 1 : i32
        %get3A_461 = arith.index_cast %get3A_460 : i32 to index
        %get3A_462 = arith.index_cast %add3A_453 : i32 to index
        %get3A_463 = arith.constant 0 : index
        %get3A_464 = tpu.vector_load %arg10[%get3A_461, %get3A_462, %get3A_463] {strides = array<i32>} : memref<2x256x64xf32, #tpu.memory_space<vmem>>, vector<1x1x16xf32>,
        %get3A_465 = vector.shape_cast %get3A_464 : vector<1x1x16xf32> to vector<16xf32>
        %add3A_466 = arith.addf %get3A_459, %get3A_465 : vector<16xf32>
        %swap3A_467 = arith.constant 1 : i32
        %swap3A_468 = arith.index_cast %swap3A_467 : i32 to index
        %swap3A_469 = arith.index_cast %add3A_453 : i32 to index
        %swap3A_470 = arith.constant 0 : index
        %swap3A_471 = tpu.vector_load %arg11[%swap3A_468, %swap3A_469, %swap3A_470] {strides = array<i32>} : memref<2x256x64xf32, #tpu.memory_space<vmem>>, vector<1x1x16xf32>,
        %swap3A_472 = vector.shape_cast %swap3A_471 : vector<1x1x16xf32> to vector<16xf32>
        %swap3A_473 = vector.shape_cast %add3A_466 : vector<16xf32> to vector<1x1x16xf32>
        tpu.vector_store %arg11[%swap3A_468, %swap3A_469, %swap3A_470], %swap3A_473 {strides = array<i32>} : memref<2x256x64xf32, #tpu.memory_space<vmem>>, vector<1x1x16xf32>,
        %get3A_474 = arith.constant 1 : i32
        %get3A_475 = arith.index_cast %get3A_474 : i32 to index
        %get3A_476 = arith.index_cast %add3A_453 : i32 to index
        %get3A_477 = arith.constant 16 : index
        %get3A_478 = tpu.vector_load %arg9[%get3A_475, %get3A_476, %get3A_477] {strides = array<i32>} : memref<2x256x64xf32, #tpu.memory_space<vmem>>, vector<1x1x16xf32>,
        %get3A_479 = vector.shape_cast %get3A_478 : vector<1x1x16xf32> to vector<16xf32>
        %get3A_480 = arith.constant 1 : i32
        %get3A_481 = arith.index_cast %get3A_480 : i32 to index
        %get3A_482 = arith.index_cast %add3A_453 : i32 to index
        %get3A_483 = arith.constant 16 : index
        %get3A_484 = tpu.vector_load %arg10[%get3A_481, %get3A_482, %get3A_483] {strides = array<i32>} : memref<2x256x64xf32, #tpu.memory_space<vmem>>, vector<1x1x16xf32>,
        %get3A_485 = vector.shape_cast %get3A_484 : vector<1x1x16xf32> to vector<16xf32>
        %add3A_486 = arith.addf %get3A_479, %get3A_485 : vector<16xf32>
        %swap3A_487 = arith.constant 1 : i32
        %swap3A_488 = arith.index_cast %swap3A_487 : i32 to index
        %swap3A_489 = arith.index_cast %add3A_453 : i32 to index
        %swap3A_490 = arith.constant 16 : index
        %swap3A_491 = tpu.vector_load %arg11[%swap3A_488, %swap3A_489, %swap3A_490] {strides = array<i32>} : memref<2x256x64xf32, #tpu.memory_space<vmem>>, vector<1x1x16xf32>,
        %swap3A_492 = vector.shape_cast %swap3A_491 : vector<1x1x16xf32> to vector<16xf32>
        %swap3A_493 = vector.shape_cast %add3A_486 : vector<16xf32> to vector<1x1x16xf32>
        tpu.vector_store %arg11[%swap3A_488, %swap3A_489, %swap3A_490], %swap3A_493 {strides = array<i32>} : memref<2x256x64xf32, #tpu.memory_space<vmem>>, vector<1x1x16xf32>,
        %get3A_494 = arith.constant 1 : i32
        %get3A_495 = arith.index_cast %get3A_494 : i32 to index
        %get3A_496 = arith.index_cast %add3A_453 : i32 to index
        %get3A_497 = arith.constant 32 : index
        %get3A_498 = tpu.vector_load %arg9[%get3A_495, %get3A_496, %get3A_497] {strides = array<i32>} : memref<2x256x64xf32, #tpu.memory_space<vmem>>, vector<1x1x16xf32>,
        %get3A_499 = vector.shape_cast %get3A_498 : vector<1x1x16xf32> to vector<16xf32>
        %get3A_500 = arith.constant 1 : i32
        %get3A_501 = arith.index_cast %get3A_500 : i32 to index
        %get3A_502 = arith.index_cast %add3A_453 : i32 to index
        %get3A_503 = arith.constant 32 : index
        %get3A_504 = tpu.vector_load %arg10[%get3A_501, %get3A_502, %get3A_503] {strides = array<i32>} : memref<2x256x64xf32, #tpu.memory_space<vmem>>, vector<1x1x16xf32>,
        %get3A_505 = vector.shape_cast %get3A_504 : vector<1x1x16xf32> to vector<16xf32>
        %add3A_506 = arith.addf %get3A_499, %get3A_505 : vector<16xf32>
        %swap3A_507 = arith.constant 1 : i32
        %swap3A_508 = arith.index_cast %swap3A_507 : i32 to index
        %swap3A_509 = arith.index_cast %add3A_453 : i32 to index
        %swap3A_510 = arith.constant 32 : index
        %swap3A_511 = tpu.vector_load %arg11[%swap3A_508, %swap3A_509, %swap3A_510] {strides = array<i32>} : memref<2x256x64xf32, #tpu.memory_space<vmem>>, vector<1x1x16xf32>,
        %swap3A_512 = vector.shape_cast %swap3A_511 : vector<1x1x16xf32> to vector<16xf32>
        %swap3A_513 = vector.shape_cast %add3A_506 : vector<16xf32> to vector<1x1x16xf32>
        tpu.vector_store %arg11[%swap3A_508, %swap3A_509, %swap3A_510], %swap3A_513 {strides = array<i32>} : memref<2x256x64xf32, #tpu.memory_space<vmem>>, vector<1x1x16xf32>,
        %get3A_514 = arith.constant 1 : i32
        %get3A_515 = arith.index_cast %get3A_514 : i32 to index
        %get3A_516 = arith.index_cast %add3A_453 : i32 to index
        %get3A_517 = arith.constant 48 : index
        %get3A_518 = tpu.vector_load %arg9[%get3A_515, %get3A_516, %get3A_517] {strides = array<i32>} : memref<2x256x64xf32, #tpu.memory_space<vmem>>, vector<1x1x16xf32>,
        %get3A_519 = vector.shape_cast %get3A_518 : vector<1x1x16xf32> to vector<16xf32>
        %get3A_520 = arith.constant 1 : i32
        %get3A_521 = arith.index_cast %get3A_520 : i32 to index
        %get3A_522 = arith.index_cast %add3A_453 : i32 to index
        %get3A_523 = arith.constant 48 : index
        %get3A_524 = tpu.vector_load %arg10[%get3A_521, %get3A_522, %get3A_523] {strides = array<i32>} : memref<2x256x64xf32, #tpu.memory_space<vmem>>, vector<1x1x16xf32>,
        %get3A_525 = vector.shape_cast %get3A_524 : vector<1x1x16xf32> to vector<16xf32>
        %add3A_526 = arith.addf %get3A_519, %get3A_525 : vector<16xf32>
        %swap3A_527 = arith.constant 1 : i32
        %swap3A_528 = arith.index_cast %swap3A_527 : i32 to index
        %swap3A_529 = arith.index_cast %add3A_453 : i32 to index
        %swap3A_530 = arith.constant 48 : index
        %swap3A_531 = tpu.vector_load %arg11[%swap3A_528, %swap3A_529, %swap3A_530] {strides = array<i32>} : memref<2x256x64xf32, #tpu.memory_space<vmem>>, vector<1x1x16xf32>,
        %swap3A_532 = vector.shape_cast %swap3A_531 : vector<1x1x16xf32> to vector<16xf32>
        %swap3A_533 = vector.shape_cast %add3A_526 : vector<16xf32> to vector<1x1x16xf32>
        tpu.vector_store %arg11[%swap3A_528, %swap3A_529, %swap3A_530], %swap3A_533 {strides = array<i32>} : memref<2x256x64xf32, #tpu.memory_space<vmem>>, vector<1x1x16xf32>,
        %mul3A_534 = arith.constant 4 : i32
        %mul3A_535 = arith.muli %scan3A_366, %mul3A_534 : i32
        %add3A_536 = arith.constant 2 : i32
        %add3A_537 = arith.addi %mul3A_535, %add3A_536 : i32
        %get3A_538 = arith.constant 1 : i32
        %get3A_539 = arith.index_cast %get3A_538 : i32 to index
        %get3A_540 = arith.index_cast %add3A_537 : i32 to index
        %get3A_541 = arith.constant 0 : index
        %get3A_542 = tpu.vector_load %arg9[%get3A_539, %get3A_540, %get3A_541] {strides = array<i32>} : memref<2x256x64xf32, #tpu.memory_space<vmem>>, vector<1x1x16xf32>,
        %get3A_543 = vector.shape_cast %get3A_542 : vector<1x1x16xf32> to vector<16xf32>
        %get3A_544 = arith.constant 1 : i32
        %get3A_545 = arith.index_cast %get3A_544 : i32 to index
        %get3A_546 = arith.index_cast %add3A_537 : i32 to index
        %get3A_547 = arith.constant 0 : index
        %get3A_548 = tpu.vector_load %arg10[%get3A_545, %get3A_546, %get3A_547] {strides = array<i32>} : memref<2x256x64xf32, #tpu.memory_space<vmem>>, vector<1x1x16xf32>,
        %get3A_549 = vector.shape_cast %get3A_548 : vector<1x1x16xf32> to vector<16xf32>
        %add3A_550 = arith.addf %get3A_543, %get3A_549 : vector<16xf32>
        %swap3A_551 = arith.constant 1 : i32
        %swap3A_552 = arith.index_cast %swap3A_551 : i32 to index
        %swap3A_553 = arith.index_cast %add3A_537 : i32 to index
        %swap3A_554 = arith.constant 0 : index
        %swap3A_555 = tpu.vector_load %arg11[%swap3A_552, %swap3A_553, %swap3A_554] {strides = array<i32>} : memref<2x256x64xf32, #tpu.memory_space<vmem>>, vector<1x1x16xf32>,
        %swap3A_556 = vector.shape_cast %swap3A_555 : vector<1x1x16xf32> to vector<16xf32>
        %swap3A_557 = vector.shape_cast %add3A_550 : vector<16xf32> to vector<1x1x16xf32>
        tpu.vector_store %arg11[%swap3A_552, %swap3A_553, %swap3A_554], %swap3A_557 {strides = array<i32>} : memref<2x256x64xf32, #tpu.memory_space<vmem>>, vector<1x1x16xf32>,
        %get3A_558 = arith.constant 1 : i32
        %get3A_559 = arith.index_cast %get3A_558 : i32 to index
        %get3A_560 = arith.index_cast %add3A_537 : i32 to index
        %get3A_561 = arith.constant 16 : index
        %get3A_562 = tpu.vector_load %arg9[%get3A_559, %get3A_560, %get3A_561] {strides = array<i32>} : memref<2x256x64xf32, #tpu.memory_space<vmem>>, vector<1x1x16xf32>,
        %get3A_563 = vector.shape_cast %get3A_562 : vector<1x1x16xf32> to vector<16xf32>
        %get3A_564 = arith.constant 1 : i32
        %get3A_565 = arith.index_cast %get3A_564 : i32 to index
        %get3A_566 = arith.index_cast %add3A_537 : i32 to index
        %get3A_567 = arith.constant 16 : index
        %get3A_568 = tpu.vector_load %arg10[%get3A_565, %get3A_566, %get3A_567] {strides = array<i32>} : memref<2x256x64xf32, #tpu.memory_space<vmem>>, vector<1x1x16xf32>,
        %get3A_569 = vector.shape_cast %get3A_568 : vector<1x1x16xf32> to vector<16xf32>
        %add3A_570 = arith.addf %get3A_563, %get3A_569 : vector<16xf32>
        %swap3A_571 = arith.constant 1 : i32
        %swap3A_572 = arith.index_cast %swap3A_571 : i32 to index
        %swap3A_573 = arith.index_cast %add3A_537 : i32 to index
        %swap3A_574 = arith.constant 16 : index
        %swap3A_575 = tpu.vector_load %arg11[%swap3A_572, %swap3A_573, %swap3A_574] {strides = array<i32>} : memref<2x256x64xf32, #tpu.memory_space<vmem>>, vector<1x1x16xf32>,
        %swap3A_576 = vector.shape_cast %swap3A_575 : vector<1x1x16xf32> to vector<16xf32>
        %swap3A_577 = vector.shape_cast %add3A_570 : vector<16xf32> to vector<1x1x16xf32>
        tpu.vector_store %arg11[%swap3A_572, %swap3A_573, %swap3A_574], %swap3A_577 {strides = array<i32>} : memref<2x256x64xf32, #tpu.memory_space<vmem>>, vector<1x1x16xf32>,
        %get3A_578 = arith.constant 1 : i32
        %get3A_579 = arith.index_cast %get3A_578 : i32 to index
        %get3A_580 = arith.index_cast %add3A_537 : i32 to index
        %get3A_581 = arith.constant 32 : index
        %get3A_582 = tpu.vector_load %arg9[%get3A_579, %get3A_580, %get3A_581] {strides = array<i32>} : memref<2x256x64xf32, #tpu.memory_space<vmem>>, vector<1x1x16xf32>,
        %get3A_583 = vector.shape_cast %get3A_582 : vector<1x1x16xf32> to vector<16xf32>
        %get3A_584 = arith.constant 1 : i32
        %get3A_585 = arith.index_cast %get3A_584 : i32 to index
        %get3A_586 = arith.index_cast %add3A_537 : i32 to index
        %get3A_587 = arith.constant 32 : index
        %get3A_588 = tpu.vector_load %arg10[%get3A_585, %get3A_586, %get3A_587] {strides = array<i32>} : memref<2x256x64xf32, #tpu.memory_space<vmem>>, vector<1x1x16xf32>,
        %get3A_589 = vector.shape_cast %get3A_588 : vector<1x1x16xf32> to vector<16xf32>
        %add3A_590 = arith.addf %get3A_583, %get3A_589 : vector<16xf32>
        %swap3A_591 = arith.constant 1 : i32
        %swap3A_592 = arith.index_cast %swap3A_591 : i32 to index
        %swap3A_593 = arith.index_cast %add3A_537 : i32 to index
        %swap3A_594 = arith.constant 32 : index
        %swap3A_595 = tpu.vector_load %arg11[%swap3A_592, %swap3A_593, %swap3A_594] {strides = array<i32>} : memref<2x256x64xf32, #tpu.memory_space<vmem>>, vector<1x1x16xf32>,
        %swap3A_596 = vector.shape_cast %swap3A_595 : vector<1x1x16xf32> to vector<16xf32>
        %swap3A_597 = vector.shape_cast %add3A_590 : vector<16xf32> to vector<1x1x16xf32>
        tpu.vector_store %arg11[%swap3A_592, %swap3A_593, %swap3A_594], %swap3A_597 {strides = array<i32>} : memref<2x256x64xf32, #tpu.memory_space<vmem>>, vector<1x1x16xf32>,
        %get3A_598 = arith.constant 1 : i32
        %get3A_599 = arith.index_cast %get3A_598 : i32 to index
        %get3A_600 = arith.index_cast %add3A_537 : i32 to index
        %get3A_601 = arith.constant 48 : index
        %get3A_602 = tpu.vector_load %arg9[%get3A_599, %get3A_600, %get3A_601] {strides = array<i32>} : memref<2x256x64xf32, #tpu.memory_space<vmem>>, vector<1x1x16xf32>,
        %get3A_603 = vector.shape_cast %get3A_602 : vector<1x1x16xf32> to vector<16xf32>
        %get3A_604 = arith.constant 1 : i32
        %get3A_605 = arith.index_cast %get3A_604 : i32 to index
        %get3A_606 = arith.index_cast %add3A_537 : i32 to index
        %get3A_607 = arith.constant 48 : index
        %get3A_608 = tpu.vector_load %arg10[%get3A_605, %get3A_606, %get3A_607] {strides = array<i32>} : memref<2x256x64xf32, #tpu.memory_space<vmem>>, vector<1x1x16xf32>,
        %get3A_609 = vector.shape_cast %get3A_608 : vector<1x1x16xf32> to vector<16xf32>
        %add3A_610 = arith.addf %get3A_603, %get3A_609 : vector<16xf32>
        %swap3A_611 = arith.constant 1 : i32
        %swap3A_612 = arith.index_cast %swap3A_611 : i32 to index
        %swap3A_613 = arith.index_cast %add3A_537 : i32 to index
        %swap3A_614 = arith.constant 48 : index
        %swap3A_615 = tpu.vector_load %arg11[%swap3A_612, %swap3A_613, %swap3A_614] {strides = array<i32>} : memref<2x256x64xf32, #tpu.memory_space<vmem>>, vector<1x1x16xf32>,
        %swap3A_616 = vector.shape_cast %swap3A_615 : vector<1x1x16xf32> to vector<16xf32>
        %swap3A_617 = vector.shape_cast %add3A_610 : vector<16xf32> to vector<1x1x16xf32>
        tpu.vector_store %arg11[%swap3A_612, %swap3A_613, %swap3A_614], %swap3A_617 {strides = array<i32>} : memref<2x256x64xf32, #tpu.memory_space<vmem>>, vector<1x1x16xf32>,
        %mul3A_618 = arith.constant 4 : i32
        %mul3A_619 = arith.muli %scan3A_366, %mul3A_618 : i32
        %add3A_620 = arith.constant 3 : i32
        %add3A_621 = arith.addi %mul3A_619, %add3A_620 : i32
        %get3A_622 = arith.constant 1 : i32
        %get3A_623 = arith.index_cast %get3A_622 : i32 to index
        %get3A_624 = arith.index_cast %add3A_621 : i32 to index
        %get3A_625 = arith.constant 0 : index
        %get3A_626 = tpu.vector_load %arg9[%get3A_623, %get3A_624, %get3A_625] {strides = array<i32>} : memref<2x256x64xf32, #tpu.memory_space<vmem>>, vector<1x1x16xf32>,
        %get3A_627 = vector.shape_cast %get3A_626 : vector<1x1x16xf32> to vector<16xf32>
        %get3A_628 = arith.constant 1 : i32
        %get3A_629 = arith.index_cast %get3A_628 : i32 to index
        %get3A_630 = arith.index_cast %add3A_621 : i32 to index
        %get3A_631 = arith.constant 0 : index
        %get3A_632 = tpu.vector_load %arg10[%get3A_629, %get3A_630, %get3A_631] {strides = array<i32>} : memref<2x256x64xf32, #tpu.memory_space<vmem>>, vector<1x1x16xf32>,
        %get3A_633 = vector.shape_cast %get3A_632 : vector<1x1x16xf32> to vector<16xf32>
        %add3A_634 = arith.addf %get3A_627, %get3A_633 : vector<16xf32>
        %swap3A_635 = arith.constant 1 : i32
        %swap3A_636 = arith.index_cast %swap3A_635 : i32 to index
        %swap3A_637 = arith.index_cast %add3A_621 : i32 to index
        %swap3A_638 = arith.constant 0 : index
        %swap3A_639 = tpu.vector_load %arg11[%swap3A_636, %swap3A_637, %swap3A_638] {strides = array<i32>} : memref<2x256x64xf32, #tpu.memory_space<vmem>>, vector<1x1x16xf32>,
        %swap3A_640 = vector.shape_cast %swap3A_639 : vector<1x1x16xf32> to vector<16xf32>
        %swap3A_641 = vector.shape_cast %add3A_634 : vector<16xf32> to vector<1x1x16xf32>
        tpu.vector_store %arg11[%swap3A_636, %swap3A_637, %swap3A_638], %swap3A_641 {strides = array<i32>} : memref<2x256x64xf32, #tpu.memory_space<vmem>>, vector<1x1x16xf32>,
        %get3A_642 = arith.constant 1 : i32
        %get3A_643 = arith.index_cast %get3A_642 : i32 to index
        %get3A_644 = arith.index_cast %add3A_621 : i32 to index
        %get3A_645 = arith.constant 16 : index
        %get3A_646 = tpu.vector_load %arg9[%get3A_643, %get3A_644, %get3A_645] {strides = array<i32>} : memref<2x256x64xf32, #tpu.memory_space<vmem>>, vector<1x1x16xf32>,
        %get3A_647 = vector.shape_cast %get3A_646 : vector<1x1x16xf32> to vector<16xf32>
        %get3A_648 = arith.constant 1 : i32
        %get3A_649 = arith.index_cast %get3A_648 : i32 to index
        %get3A_650 = arith.index_cast %add3A_621 : i32 to index
        %get3A_651 = arith.constant 16 : index
        %get3A_652 = tpu.vector_load %arg10[%get3A_649, %get3A_650, %get3A_651] {strides = array<i32>} : memref<2x256x64xf32, #tpu.memory_space<vmem>>, vector<1x1x16xf32>,
        %get3A_653 = vector.shape_cast %get3A_652 : vector<1x1x16xf32> to vector<16xf32>
        %add3A_654 = arith.addf %get3A_647, %get3A_653 : vector<16xf32>
        %swap3A_655 = arith.constant 1 : i32
        %swap3A_656 = arith.index_cast %swap3A_655 : i32 to index
        %swap3A_657 = arith.index_cast %add3A_621 : i32 to index
        %swap3A_658 = arith.constant 16 : index
        %swap3A_659 = tpu.vector_load %arg11[%swap3A_656, %swap3A_657, %swap3A_658] {strides = array<i32>} : memref<2x256x64xf32, #tpu.memory_space<vmem>>, vector<1x1x16xf32>,
        %swap3A_660 = vector.shape_cast %swap3A_659 : vector<1x1x16xf32> to vector<16xf32>
        %swap3A_661 = vector.shape_cast %add3A_654 : vector<16xf32> to vector<1x1x16xf32>
        tpu.vector_store %arg11[%swap3A_656, %swap3A_657, %swap3A_658], %swap3A_661 {strides = array<i32>} : memref<2x256x64xf32, #tpu.memory_space<vmem>>, vector<1x1x16xf32>,
        %get3A_662 = arith.constant 1 : i32
        %get3A_663 = arith.index_cast %get3A_662 : i32 to index
        %get3A_664 = arith.index_cast %add3A_621 : i32 to index
        %get3A_665 = arith.constant 32 : index
        %get3A_666 = tpu.vector_load %arg9[%get3A_663, %get3A_664, %get3A_665] {strides = array<i32>} : memref<2x256x64xf32, #tpu.memory_space<vmem>>, vector<1x1x16xf32>,
        %get3A_667 = vector.shape_cast %get3A_666 : vector<1x1x16xf32> to vector<16xf32>
        %get3A_668 = arith.constant 1 : i32
        %get3A_669 = arith.index_cast %get3A_668 : i32 to index
        %get3A_670 = arith.index_cast %add3A_621 : i32 to index
        %get3A_671 = arith.constant 32 : index
        %get3A_672 = tpu.vector_load %arg10[%get3A_669, %get3A_670, %get3A_671] {strides = array<i32>} : memref<2x256x64xf32, #tpu.memory_space<vmem>>, vector<1x1x16xf32>,
        %get3A_673 = vector.shape_cast %get3A_672 : vector<1x1x16xf32> to vector<16xf32>
        %add3A_674 = arith.addf %get3A_667, %get3A_673 : vector<16xf32>
        %swap3A_675 = arith.constant 1 : i32
        %swap3A_676 = arith.index_cast %swap3A_675 : i32 to index
        %swap3A_677 = arith.index_cast %add3A_621 : i32 to index
        %swap3A_678 = arith.constant 32 : index
        %swap3A_679 = tpu.vector_load %arg11[%swap3A_676, %swap3A_677, %swap3A_678] {strides = array<i32>} : memref<2x256x64xf32, #tpu.memory_space<vmem>>, vector<1x1x16xf32>,
        %swap3A_680 = vector.shape_cast %swap3A_679 : vector<1x1x16xf32> to vector<16xf32>
        %swap3A_681 = vector.shape_cast %add3A_674 : vector<16xf32> to vector<1x1x16xf32>
        tpu.vector_store %arg11[%swap3A_676, %swap3A_677, %swap3A_678], %swap3A_681 {strides = array<i32>} : memref<2x256x64xf32, #tpu.memory_space<vmem>>, vector<1x1x16xf32>,
        %get3A_682 = arith.constant 1 : i32
        %get3A_683 = arith.index_cast %get3A_682 : i32 to index
        %get3A_684 = arith.index_cast %add3A_621 : i32 to index
        %get3A_685 = arith.constant 48 : index
        %get3A_686 = tpu.vector_load %arg9[%get3A_683, %get3A_684, %get3A_685] {strides = array<i32>} : memref<2x256x64xf32, #tpu.memory_space<vmem>>, vector<1x1x16xf32>,
        %get3A_687 = vector.shape_cast %get3A_686 : vector<1x1x16xf32> to vector<16xf32>
        %get3A_688 = arith.constant 1 : i32
        %get3A_689 = arith.index_cast %get3A_688 : i32 to index
        %get3A_690 = arith.index_cast %add3A_621 : i32 to index
        %get3A_691 = arith.constant 48 : index
        %get3A_692 = tpu.vector_load %arg10[%get3A_689, %get3A_690, %get3A_691] {strides = array<i32>} : memref<2x256x64xf32, #tpu.memory_space<vmem>>, vector<1x1x16xf32>,
        %get3A_693 = vector.shape_cast %get3A_692 : vector<1x1x16xf32> to vector<16xf32>
        %add3A_694 = arith.addf %get3A_687, %get3A_693 : vector<16xf32>
        %swap3A_695 = arith.constant 1 : i32
        %swap3A_696 = arith.index_cast %swap3A_695 : i32 to index
        %swap3A_697 = arith.index_cast %add3A_621 : i32 to index
        %swap3A_698 = arith.constant 48 : index
        %swap3A_699 = tpu.vector_load %arg11[%swap3A_696, %swap3A_697, %swap3A_698] {strides = array<i32>} : memref<2x256x64xf32, #tpu.memory_space<vmem>>, vector<1x1x16xf32>,
        %swap3A_700 = vector.shape_cast %swap3A_699 : vector<1x1x16xf32> to vector<16xf32>
        %swap3A_701 = vector.shape_cast %add3A_694 : vector<16xf32> to vector<1x1x16xf32>
        tpu.vector_store %arg11[%swap3A_696, %swap3A_697, %swap3A_698], %swap3A_701 {strides = array<i32>} : memref<2x256x64xf32, #tpu.memory_space<vmem>>, vector<1x1x16xf32>,
        %scan3A_702 = arith.constant 0 : i32
        scf.yield %scan3A_702 : i32
      }
      %scan3A_341 = arith.constant 64 : i32
      %mul3A_342 = arith.constant 256 : i32
      %mul3A_343 = arith.muli %add3A_285, %mul3A_342 : i32
      %add3A_344 = arith.addi %mul3A_2, %mul3A_343 : i32
      %dma_start3A_345 = arith.constant 1 : i32
      %dma_start3A_346 = arith.constant 0 : i32
      %dma_start3A_347 = arith.constant 0 : i32
      %dma_start3A_348 = tpu.memref_slice %arg11[%dma_start3A_345, %dma_start3A_346, %dma_start3A_347] : memref<2x256x64xf32, #tpu.memory_space<vmem>> -> memref<1x256x64xf32, #tpu.memory_space<vmem>>
      %dma_start3A_349 = tpu.memref_squeeze %dma_start3A_348 : memref<1x256x64xf32, #tpu.memory_space<vmem>> -> memref<256x64xf32, #tpu.memory_space<vmem>>
      %dma_start3A_350 = arith.constant 0 : i32
      %dma_start3A_351 = tpu.memref_slice %arg6[%add3A_344, %dma_start3A_350] : memref<204800x64xf32, #tpu.memory_space<hbm>> -> memref<256x64xf32, #tpu.memory_space<hbm>>
      %dma_start3A_352 = arith.constant 0 : i32
      %dma_start3A_353 = tpu.memref_slice %arg6[%add3A_344, %dma_start3A_352] : memref<204800x64xf32, #tpu.memory_space<hbm>> -> memref<256x64xf32, #tpu.memory_space<hbm>>
      %dma_start3A_354 = arith.constant 0 : i32
      %dma_start3A_355 = arith.constant 0 : i32
      %dma_start3A_356 = tpu.memref_slice %arg11[%dma_start3A_345, %dma_start3A_354, %dma_start3A_355] : memref<2x256x64xf32, #tpu.memory_space<vmem>> -> memref<1x256x64xf32, #tpu.memory_space<vmem>>
      %dma_start3A_357 = tpu.memref_squeeze %dma_start3A_356 : memref<1x256x64xf32, #tpu.memory_space<vmem>> -> memref<256x64xf32, #tpu.memory_space<vmem>>
      tpu.enqueue_dma source(%dma_start3A_357 : memref<256x64xf32, #tpu.memory_space<vmem>>) target(%dma_start3A_353 : memref<256x64xf32, #tpu.memory_space<hbm>>) target_semaphore(%arg15 : memref<!tpu.dma_semaphore, #tpu.memory_space<semaphore_mem>>)
      %add3A_358 = arith.constant 2 : i32
      %add3A_359 = arith.addi %add3A_285, %add3A_358 : i32
      %lt3A_360 = arith.constant 25 : i32
      %lt3A_361 = arith.cmpi slt, %add3A_359, %lt3A_360 : i32
      %convert_element_type3A_362 = arith.extui %lt3A_361 : i1 to i32
      %cond3A_363 = arith.constant 0 : i32
      %cond3A_364 = arith.cmpi ne, %convert_element_type3A_362, %cond3A_363 : i32
      scf.if %cond3A_364 {
        %add3A_366 = arith.constant 2 : i32
        %add3A_367 = arith.addi %add3A_285, %add3A_366 : i32
        %mul3A_368 = arith.constant 256 : i32
        %mul3A_369 = arith.muli %add3A_367, %mul3A_368 : i32
        %add3A_370 = arith.constant 0 : i32
        %add3A_371 = arith.addi %mul3A_369, %add3A_370 : i32
        %dma_start3A_372 = arith.constant 1 : i32
        %dma_start3A_373 = arith.constant 0 : i32
        %dma_start3A_374 = arith.constant 0 : i32
        %dma_start3A_375 = tpu.memref_slice %arg9[%dma_start3A_372, %dma_start3A_373, %dma_start3A_374] : memref<2x256x64xf32, #tpu.memory_space<vmem>> -> memref<1x128x64xf32, #tpu.memory_space<vmem>>
        %dma_start3A_376 = tpu.memref_squeeze %dma_start3A_375 : memref<1x128x64xf32, #tpu.memory_space<vmem>> -> memref<128x64xf32, #tpu.memory_space<vmem>>
        %dma_start3A_377 = tpu.memref_slice %arg7[%add3A_371] : memref<6400xi32, #tpu.memory_space<vmem>> -> memref<128xi32, #tpu.memory_space<vmem>>
        %dma_start3A_378 = arith.constant 0 : i32
        %dma_start3A_379 = arith.constant 0 : i32
        %dma_start3A_380 = tpu.memref_slice %arg4[%dma_start3A_378, %dma_start3A_379] : memref<1000000x64xf32, #tpu.memory_space<hbm>> -> memref<1000000x64xf32, #tpu.memory_space<hbm>>
        tpu.enqueue_indirect_dma source(%dma_start3A_380 : memref<1000000x64xf32, #tpu.memory_space<hbm>>) target(%dma_start3A_376 : memref<128x64xf32, #tpu.memory_space<vmem>>) offsets(%dma_start3A_377 : memref<128xi32, #tpu.memory_space<vmem>>) semaphore(%arg13 : memref<!tpu.dma_semaphore, #tpu.memory_space<semaphore_mem>>)
        %dma_start3A_381 = arith.constant 1 : i32
        %dma_start3A_382 = arith.constant 0 : i32
        %dma_start3A_383 = arith.constant 0 : i32
        %dma_start3A_384 = tpu.memref_slice %arg10[%dma_start3A_381, %dma_start3A_382, %dma_start3A_383] : memref<2x256x64xf32, #tpu.memory_space<vmem>> -> memref<1x128x64xf32, #tpu.memory_space<vmem>>
        %dma_start3A_385 = tpu.memref_squeeze %dma_start3A_384 : memref<1x128x64xf32, #tpu.memory_space<vmem>> -> memref<128x64xf32, #tpu.memory_space<vmem>>
        %dma_start3A_386 = tpu.memref_slice %arg8[%add3A_371] : memref<6400xi32, #tpu.memory_space<vmem>> -> memref<128xi32, #tpu.memory_space<vmem>>
        %dma_start3A_387 = arith.constant 0 : i32
        %dma_start3A_388 = arith.constant 0 : i32
        %dma_start3A_389 = tpu.memref_slice %arg5[%dma_start3A_387, %dma_start3A_388] : memref<600x64xf32, #tpu.memory_space<hbm>> -> memref<600x64xf32, #tpu.memory_space<hbm>>
        tpu.enqueue_indirect_dma source(%dma_start3A_389 : memref<600x64xf32, #tpu.memory_space<hbm>>) target(%dma_start3A_385 : memref<128x64xf32, #tpu.memory_space<vmem>>) offsets(%dma_start3A_386 : memref<128xi32, #tpu.memory_space<vmem>>) semaphore(%arg13 : memref<!tpu.dma_semaphore, #tpu.memory_space<semaphore_mem>>)
        %mul3A_390 = arith.constant 256 : i32
        %mul3A_391 = arith.muli %add3A_367, %mul3A_390 : i32
        %add3A_392 = arith.constant 128 : i32
        %add3A_393 = arith.addi %mul3A_391, %add3A_392 : i32
        %dma_start3A_394 = arith.constant 1 : i32
        %dma_start3A_395 = arith.constant 128 : i32
        %dma_start3A_396 = arith.constant 0 : i32
        %dma_start3A_397 = tpu.memref_slice %arg9[%dma_start3A_394, %dma_start3A_395, %dma_start3A_396] : memref<2x256x64xf32, #tpu.memory_space<vmem>> -> memref<1x128x64xf32, #tpu.memory_space<vmem>>
        %dma_start3A_398 = tpu.memref_squeeze %dma_start3A_397 : memref<1x128x64xf32, #tpu.memory_space<vmem>> -> memref<128x64xf32, #tpu.memory_space<vmem>>
        %dma_start3A_399 = tpu.memref_slice %arg7[%add3A_393] : memref<6400xi32, #tpu.memory_space<vmem>> -> memref<128xi32, #tpu.memory_space<vmem>>
        %dma_start3A_400 = arith.constant 0 : i32
        %dma_start3A_401 = arith.constant 0 : i32
        %dma_start3A_402 = tpu.memref_slice %arg4[%dma_start3A_400, %dma_start3A_401] : memref<1000000x64xf32, #tpu.memory_space<hbm>> -> memref<1000000x64xf32, #tpu.memory_space<hbm>>
        tpu.enqueue_indirect_dma source(%dma_start3A_402 : memref<1000000x64xf32, #tpu.memory_space<hbm>>) target(%dma_start3A_398 : memref<128x64xf32, #tpu.memory_space<vmem>>) offsets(%dma_start3A_399 : memref<128xi32, #tpu.memory_space<vmem>>) semaphore(%arg13 : memref<!tpu.dma_semaphore, #tpu.memory_space<semaphore_mem>>)
        %dma_start3A_403 = arith.constant 1 : i32
        %dma_start3A_404 = arith.constant 128 : i32
        %dma_start3A_405 = arith.constant 0 : i32
        %dma_start3A_406 = tpu.memref_slice %arg10[%dma_start3A_403, %dma_start3A_404, %dma_start3A_405] : memref<2x256x64xf32, #tpu.memory_space<vmem>> -> memref<1x128x64xf32, #tpu.memory_space<vmem>>
        %dma_start3A_407 = tpu.memref_squeeze %dma_start3A_406 : memref<1x128x64xf32, #tpu.memory_space<vmem>> -> memref<128x64xf32, #tpu.memory_space<vmem>>
        %dma_start3A_408 = tpu.memref_slice %arg8[%add3A_393] : memref<6400xi32, #tpu.memory_space<vmem>> -> memref<128xi32, #tpu.memory_space<vmem>>
        %dma_start3A_409 = arith.constant 0 : i32
        %dma_start3A_410 = arith.constant 0 : i32
        %dma_start3A_411 = tpu.memref_slice %arg5[%dma_start3A_409, %dma_start3A_410] : memref<600x64xf32, #tpu.memory_space<hbm>> -> memref<600x64xf32, #tpu.memory_space<hbm>>
        tpu.enqueue_indirect_dma source(%dma_start3A_411 : memref<600x64xf32, #tpu.memory_space<hbm>>) target(%dma_start3A_407 : memref<128x64xf32, #tpu.memory_space<vmem>>) offsets(%dma_start3A_408 : memref<128xi32, #tpu.memory_space<vmem>>) semaphore(%arg13 : memref<!tpu.dma_semaphore, #tpu.memory_space<semaphore_mem>>)
      } else {
      }
      %scan3A_365 = arith.constant 0 : i32
      scf.yield %scan3A_365 : i32
    }
    %scan3A_94 = arith.constant 12 : i32
    %dma_wait3A = arith.constant 0 : i32
    %dma_wait3A_95 = arith.constant 0 : i32
    %dma_wait3A_96 = arith.constant 0 : i32
    %dma_wait3A_97 = tpu.memref_slice %arg9[%dma_wait3A, %dma_wait3A_95, %dma_wait3A_96] : memref<2x256x64xf32, #tpu.memory_space<vmem>> -> memref<1x128x64xf32, #tpu.memory_space<vmem>>
    %dma_wait3A_98 = tpu.memref_squeeze %dma_wait3A_97 : memref<1x128x64xf32, #tpu.memory_space<vmem>> -> memref<128x64xf32, #tpu.memory_space<vmem>>
    %dma_wait3A_99 = arith.constant 6144 : i32
    %dma_wait3A_100 = tpu.memref_slice %arg7[%dma_wait3A_99] : memref<6400xi32, #tpu.memory_space<vmem>> -> memref<128xi32, #tpu.memory_space<vmem>>
    %dma_wait3A_101 = arith.constant 0 : i32
    %dma_wait3A_102 = arith.constant 0 : i32
    %dma_wait3A_103 = tpu.memref_slice %arg4[%dma_wait3A_101, %dma_wait3A_102] : memref<1000000x64xf32, #tpu.memory_space<hbm>> -> memref<1000000x64xf32, #tpu.memory_space<hbm>>
    tpu.wait_indirect_dma semaphore(%arg12 : memref<!tpu.dma_semaphore, #tpu.memory_space<semaphore_mem>>) src(%dma_wait3A_103 : memref<1000000x64xf32, #tpu.memory_space<hbm>>) dst(%dma_wait3A_98 : memref<128x64xf32, #tpu.memory_space<vmem>>)
    %dma_wait3A_104 = arith.constant 0 : i32
    %dma_wait3A_105 = arith.constant 0 : i32
    %dma_wait3A_106 = arith.constant 0 : i32
    %dma_wait3A_107 = tpu.memref_slice %arg10[%dma_wait3A_104, %dma_wait3A_105, %dma_wait3A_106] : memref<2x256x64xf32, #tpu.memory_space<vmem>> -> memref<1x128x64xf32, #tpu.memory_space<vmem>>
    %dma_wait3A_108 = tpu.memref_squeeze %dma_wait3A_107 : memref<1x128x64xf32, #tpu.memory_space<vmem>> -> memref<128x64xf32, #tpu.memory_space<vmem>>
    %dma_wait3A_109 = arith.constant 6144 : i32
    %dma_wait3A_110 = tpu.memref_slice %arg8[%dma_wait3A_109] : memref<6400xi32, #tpu.memory_space<vmem>> -> memref<128xi32, #tpu.memory_space<vmem>>
    %dma_wait3A_111 = arith.constant 0 : i32
    %dma_wait3A_112 = arith.constant 0 : i32
    %dma_wait3A_113 = tpu.memref_slice %arg5[%dma_wait3A_111, %dma_wait3A_112] : memref<600x64xf32, #tpu.memory_space<hbm>> -> memref<600x64xf32, #tpu.memory_space<hbm>>
    tpu.wait_indirect_dma semaphore(%arg12 : memref<!tpu.dma_semaphore, #tpu.memory_space<semaphore_mem>>) src(%dma_wait3A_113 : memref<600x64xf32, #tpu.memory_space<hbm>>) dst(%dma_wait3A_108 : memref<128x64xf32, #tpu.memory_space<vmem>>)
    %dma_wait3A_114 = arith.constant 0 : i32
    %dma_wait3A_115 = arith.constant 128 : i32
    %dma_wait3A_116 = arith.constant 0 : i32
    %dma_wait3A_117 = tpu.memref_slice %arg9[%dma_wait3A_114, %dma_wait3A_115, %dma_wait3A_116] : memref<2x256x64xf32, #tpu.memory_space<vmem>> -> memref<1x128x64xf32, #tpu.memory_space<vmem>>
    %dma_wait3A_118 = tpu.memref_squeeze %dma_wait3A_117 : memref<1x128x64xf32, #tpu.memory_space<vmem>> -> memref<128x64xf32, #tpu.memory_space<vmem>>
    %dma_wait3A_119 = arith.constant 6272 : i32
    %dma_wait3A_120 = tpu.memref_slice %arg7[%dma_wait3A_119] : memref<6400xi32, #tpu.memory_space<vmem>> -> memref<128xi32, #tpu.memory_space<vmem>>
    %dma_wait3A_121 = arith.constant 0 : i32
    %dma_wait3A_122 = arith.constant 0 : i32
    %dma_wait3A_123 = tpu.memref_slice %arg4[%dma_wait3A_121, %dma_wait3A_122] : memref<1000000x64xf32, #tpu.memory_space<hbm>> -> memref<1000000x64xf32, #tpu.memory_space<hbm>>
    tpu.wait_indirect_dma semaphore(%arg12 : memref<!tpu.dma_semaphore, #tpu.memory_space<semaphore_mem>>) src(%dma_wait3A_123 : memref<1000000x64xf32, #tpu.memory_space<hbm>>) dst(%dma_wait3A_118 : memref<128x64xf32, #tpu.memory_space<vmem>>)
    %dma_wait3A_124 = arith.constant 0 : i32
    %dma_wait3A_125 = arith.constant 128 : i32
    %dma_wait3A_126 = arith.constant 0 : i32
    %dma_wait3A_127 = tpu.memref_slice %arg10[%dma_wait3A_124, %dma_wait3A_125, %dma_wait3A_126] : memref<2x256x64xf32, #tpu.memory_space<vmem>> -> memref<1x128x64xf32, #tpu.memory_space<vmem>>
    %dma_wait3A_128 = tpu.memref_squeeze %dma_wait3A_127 : memref<1x128x64xf32, #tpu.memory_space<vmem>> -> memref<128x64xf32, #tpu.memory_space<vmem>>
    %dma_wait3A_129 = arith.constant 6272 : i32
    %dma_wait3A_130 = tpu.memref_slice %arg8[%dma_wait3A_129] : memref<6400xi32, #tpu.memory_space<vmem>> -> memref<128xi32, #tpu.memory_space<vmem>>
    %dma_wait3A_131 = arith.constant 0 : i32
    %dma_wait3A_132 = arith.constant 0 : i32
    %dma_wait3A_133 = tpu.memref_slice %arg5[%dma_wait3A_131, %dma_wait3A_132] : memref<600x64xf32, #tpu.memory_space<hbm>> -> memref<600x64xf32, #tpu.memory_space<hbm>>
    tpu.wait_indirect_dma semaphore(%arg12 : memref<!tpu.dma_semaphore, #tpu.memory_space<semaphore_mem>>) src(%dma_wait3A_133 : memref<600x64xf32, #tpu.memory_space<hbm>>) dst(%dma_wait3A_128 : memref<128x64xf32, #tpu.memory_space<vmem>>)
    %add3A_134 = arith.constant 5632 : i32
    %add3A_135 = arith.addi %mul3A_2, %add3A_134 : i32
    %dma_wait3A_136 = arith.constant 0 : i32
    %dma_wait3A_137 = arith.constant 0 : i32
    %dma_wait3A_138 = arith.constant 0 : i32
    %dma_wait3A_139 = tpu.memref_slice %arg11[%dma_wait3A_136, %dma_wait3A_137, %dma_wait3A_138] : memref<2x256x64xf32, #tpu.memory_space<vmem>> -> memref<1x256x64xf32, #tpu.memory_space<vmem>>
    %dma_wait3A_140 = tpu.memref_squeeze %dma_wait3A_139 : memref<1x256x64xf32, #tpu.memory_space<vmem>> -> memref<256x64xf32, #tpu.memory_space<vmem>>
    %dma_wait3A_141 = arith.constant 0 : i32
    %dma_wait3A_142 = tpu.memref_slice %arg6[%add3A_135, %dma_wait3A_141] : memref<204800x64xf32, #tpu.memory_space<hbm>> -> memref<256x64xf32, #tpu.memory_space<hbm>>
    %dma_wait3A_143 = arith.constant 0 : i32
    %dma_wait3A_144 = tpu.memref_slice %arg6[%add3A_135, %dma_wait3A_143] : memref<204800x64xf32, #tpu.memory_space<hbm>> -> memref<256x64xf32, #tpu.memory_space<hbm>>
    %dma_wait3A_145 = arith.constant 0 : i32
    %dma_wait3A_146 = arith.constant 0 : i32
    %dma_wait3A_147 = tpu.memref_slice %arg11[%dma_wait3A_136, %dma_wait3A_145, %dma_wait3A_146] : memref<2x256x64xf32, #tpu.memory_space<vmem>> -> memref<1x256x64xf32, #tpu.memory_space<vmem>>
    %dma_wait3A_148 = tpu.memref_squeeze %dma_wait3A_147 : memref<1x256x64xf32, #tpu.memory_space<vmem>> -> memref<256x64xf32, #tpu.memory_space<vmem>>
    tpu.wait_dma2 semaphore(%arg14 : memref<!tpu.dma_semaphore, #tpu.memory_space<semaphore_mem>>) src(%dma_wait3A_148 : memref<256x64xf32, #tpu.memory_space<vmem>>) dst(%dma_wait3A_144 : memref<256x64xf32, #tpu.memory_space<hbm>>)
    %scan3A_149 = arith.constant 0 : i32
    %scan3A_150 = arith.constant 0 : i32
    %scan3A_151 = arith.constant 64 : i32
    %scan3A_152 = arith.addi %scan3A_150, %scan3A_151 : i32
    %scan3A_153 = arith.constant 1 : i32
    %scan3A_154 = scf.for %scan3A_201 = %scan3A_150 to %scan3A_152 step %scan3A_153 iter_args(%scan3A_202 = %scan3A_149) -> (i32)  : i32 {
      %mul3A_203 = arith.constant 4 : i32
      %mul3A_204 = arith.muli %scan3A_201, %mul3A_203 : i32
      %add3A_205 = arith.constant 0 : i32
      %add3A_206 = arith.addi %mul3A_204, %add3A_205 : i32
      %get3A = arith.constant 0 : i32
      %get3A_207 = arith.index_cast %get3A : i32 to index
      %get3A_208 = arith.index_cast %add3A_206 : i32 to index
      %get3A_209 = arith.constant 0 : index
      %get3A_210 = tpu.vector_load %arg9[%get3A_207, %get3A_208, %get3A_209] {strides = array<i32>} : memref<2x256x64xf32, #tpu.memory_space<vmem>>, vector<1x1x16xf32>,
      %get3A_211 = vector.shape_cast %get3A_210 : vector<1x1x16xf32> to vector<16xf32>
      %get3A_212 = arith.constant 0 : i32
      %get3A_213 = arith.index_cast %get3A_212 : i32 to index
      %get3A_214 = arith.index_cast %add3A_206 : i32 to index
      %get3A_215 = arith.constant 0 : index
      %get3A_216 = tpu.vector_load %arg10[%get3A_213, %get3A_214, %get3A_215] {strides = array<i32>} : memref<2x256x64xf32, #tpu.memory_space<vmem>>, vector<1x1x16xf32>,
      %get3A_217 = vector.shape_cast %get3A_216 : vector<1x1x16xf32> to vector<16xf32>
      %add3A_218 = arith.addf %get3A_211, %get3A_217 : vector<16xf32>
      %swap3A = arith.constant 0 : i32
      %swap3A_219 = arith.index_cast %swap3A : i32 to index
      %swap3A_220 = arith.index_cast %add3A_206 : i32 to index
      %swap3A_221 = arith.constant 0 : index
      %swap3A_222 = tpu.vector_load %arg11[%swap3A_219, %swap3A_220, %swap3A_221] {strides = array<i32>} : memref<2x256x64xf32, #tpu.memory_space<vmem>>, vector<1x1x16xf32>,
      %swap3A_223 = vector.shape_cast %swap3A_222 : vector<1x1x16xf32> to vector<16xf32>
      %swap3A_224 = vector.shape_cast %add3A_218 : vector<16xf32> to vector<1x1x16xf32>
      tpu.vector_store %arg11[%swap3A_219, %swap3A_220, %swap3A_221], %swap3A_224 {strides = array<i32>} : memref<2x256x64xf32, #tpu.memory_space<vmem>>, vector<1x1x16xf32>,
      %get3A_225 = arith.constant 0 : i32
      %get3A_226 = arith.index_cast %get3A_225 : i32 to index
      %get3A_227 = arith.index_cast %add3A_206 : i32 to index
      %get3A_228 = arith.constant 16 : index
      %get3A_229 = tpu.vector_load %arg9[%get3A_226, %get3A_227, %get3A_228] {strides = array<i32>} : memref<2x256x64xf32, #tpu.memory_space<vmem>>, vector<1x1x16xf32>,
      %get3A_230 = vector.shape_cast %get3A_229 : vector<1x1x16xf32> to vector<16xf32>
      %get3A_231 = arith.constant 0 : i32
      %get3A_232 = arith.index_cast %get3A_231 : i32 to index
      %get3A_233 = arith.index_cast %add3A_206 : i32 to index
      %get3A_234 = arith.constant 16 : index
      %get3A_235 = tpu.vector_load %arg10[%get3A_232, %get3A_233, %get3A_234] {strides = array<i32>} : memref<2x256x64xf32, #tpu.memory_space<vmem>>, vector<1x1x16xf32>,
      %get3A_236 = vector.shape_cast %get3A_235 : vector<1x1x16xf32> to vector<16xf32>
      %add3A_237 = arith.addf %get3A_230, %get3A_236 : vector<16xf32>
      %swap3A_238 = arith.constant 0 : i32
      %swap3A_239 = arith.index_cast %swap3A_238 : i32 to index
      %swap3A_240 = arith.index_cast %add3A_206 : i32 to index
      %swap3A_241 = arith.constant 16 : index
      %swap3A_242 = tpu.vector_load %arg11[%swap3A_239, %swap3A_240, %swap3A_241] {strides = array<i32>} : memref<2x256x64xf32, #tpu.memory_space<vmem>>, vector<1x1x16xf32>,
      %swap3A_243 = vector.shape_cast %swap3A_242 : vector<1x1x16xf32> to vector<16xf32>
      %swap3A_244 = vector.shape_cast %add3A_237 : vector<16xf32> to vector<1x1x16xf32>
      tpu.vector_store %arg11[%swap3A_239, %swap3A_240, %swap3A_241], %swap3A_244 {strides = array<i32>} : memref<2x256x64xf32, #tpu.memory_space<vmem>>, vector<1x1x16xf32>,
      %get3A_245 = arith.constant 0 : i32
      %get3A_246 = arith.index_cast %get3A_245 : i32 to index
      %get3A_247 = arith.index_cast %add3A_206 : i32 to index
      %get3A_248 = arith.constant 32 : index
      %get3A_249 = tpu.vector_load %arg9[%get3A_246, %get3A_247, %get3A_248] {strides = array<i32>} : memref<2x256x64xf32, #tpu.memory_space<vmem>>, vector<1x1x16xf32>,
      %get3A_250 = vector.shape_cast %get3A_249 : vector<1x1x16xf32> to vector<16xf32>
      %get3A_251 = arith.constant 0 : i32
      %get3A_252 = arith.index_cast %get3A_251 : i32 to index
      %get3A_253 = arith.index_cast %add3A_206 : i32 to index
      %get3A_254 = arith.constant 32 : index
      %get3A_255 = tpu.vector_load %arg10[%get3A_252, %get3A_253, %get3A_254] {strides = array<i32>} : memref<2x256x64xf32, #tpu.memory_space<vmem>>, vector<1x1x16xf32>,
      %get3A_256 = vector.shape_cast %get3A_255 : vector<1x1x16xf32> to vector<16xf32>
      %add3A_257 = arith.addf %get3A_250, %get3A_256 : vector<16xf32>
      %swap3A_258 = arith.constant 0 : i32
      %swap3A_259 = arith.index_cast %swap3A_258 : i32 to index
      %swap3A_260 = arith.index_cast %add3A_206 : i32 to index
      %swap3A_261 = arith.constant 32 : index
      %swap3A_262 = tpu.vector_load %arg11[%swap3A_259, %swap3A_260, %swap3A_261] {strides = array<i32>} : memref<2x256x64xf32, #tpu.memory_space<vmem>>, vector<1x1x16xf32>,
      %swap3A_263 = vector.shape_cast %swap3A_262 : vector<1x1x16xf32> to vector<16xf32>
      %swap3A_264 = vector.shape_cast %add3A_257 : vector<16xf32> to vector<1x1x16xf32>
      tpu.vector_store %arg11[%swap3A_259, %swap3A_260, %swap3A_261], %swap3A_264 {strides = array<i32>} : memref<2x256x64xf32, #tpu.memory_space<vmem>>, vector<1x1x16xf32>,
      %get3A_265 = arith.constant 0 : i32
      %get3A_266 = arith.index_cast %get3A_265 : i32 to index
      %get3A_267 = arith.index_cast %add3A_206 : i32 to index
      %get3A_268 = arith.constant 48 : index
      %get3A_269 = tpu.vector_load %arg9[%get3A_266, %get3A_267, %get3A_268] {strides = array<i32>} : memref<2x256x64xf32, #tpu.memory_space<vmem>>, vector<1x1x16xf32>,
      %get3A_270 = vector.shape_cast %get3A_269 : vector<1x1x16xf32> to vector<16xf32>
      %get3A_271 = arith.constant 0 : i32
      %get3A_272 = arith.index_cast %get3A_271 : i32 to index
      %get3A_273 = arith.index_cast %add3A_206 : i32 to index
      %get3A_274 = arith.constant 48 : index
      %get3A_275 = tpu.vector_load %arg10[%get3A_272, %get3A_273, %get3A_274] {strides = array<i32>} : memref<2x256x64xf32, #tpu.memory_space<vmem>>, vector<1x1x16xf32>,
      %get3A_276 = vector.shape_cast %get3A_275 : vector<1x1x16xf32> to vector<16xf32>
      %add3A_277 = arith.addf %get3A_270, %get3A_276 : vector<16xf32>
      %swap3A_278 = arith.constant 0 : i32
      %swap3A_279 = arith.index_cast %swap3A_278 : i32 to index
      %swap3A_280 = arith.index_cast %add3A_206 : i32 to index
      %swap3A_281 = arith.constant 48 : index
      %swap3A_282 = tpu.vector_load %arg11[%swap3A_279, %swap3A_280, %swap3A_281] {strides = array<i32>} : memref<2x256x64xf32, #tpu.memory_space<vmem>>, vector<1x1x16xf32>,
      %swap3A_283 = vector.shape_cast %swap3A_282 : vector<1x1x16xf32> to vector<16xf32>
      %swap3A_284 = vector.shape_cast %add3A_277 : vector<16xf32> to vector<1x1x16xf32>
      tpu.vector_store %arg11[%swap3A_279, %swap3A_280, %swap3A_281], %swap3A_284 {strides = array<i32>} : memref<2x256x64xf32, #tpu.memory_space<vmem>>, vector<1x1x16xf32>,
      %mul3A_285 = arith.constant 4 : i32
      %mul3A_286 = arith.muli %scan3A_201, %mul3A_285 : i32
      %add3A_287 = arith.constant 1 : i32
      %add3A_288 = arith.addi %mul3A_286, %add3A_287 : i32
      %get3A_289 = arith.constant 0 : i32
      %get3A_290 = arith.index_cast %get3A_289 : i32 to index
      %get3A_291 = arith.index_cast %add3A_288 : i32 to index
      %get3A_292 = arith.constant 0 : index
      %get3A_293 = tpu.vector_load %arg9[%get3A_290, %get3A_291, %get3A_292] {strides = array<i32>} : memref<2x256x64xf32, #tpu.memory_space<vmem>>, vector<1x1x16xf32>,
      %get3A_294 = vector.shape_cast %get3A_293 : vector<1x1x16xf32> to vector<16xf32>
      %get3A_295 = arith.constant 0 : i32
      %get3A_296 = arith.index_cast %get3A_295 : i32 to index
      %get3A_297 = arith.index_cast %add3A_288 : i32 to index
      %get3A_298 = arith.constant 0 : index
      %get3A_299 = tpu.vector_load %arg10[%get3A_296, %get3A_297, %get3A_298] {strides = array<i32>} : memref<2x256x64xf32, #tpu.memory_space<vmem>>, vector<1x1x16xf32>,
      %get3A_300 = vector.shape_cast %get3A_299 : vector<1x1x16xf32> to vector<16xf32>
      %add3A_301 = arith.addf %get3A_294, %get3A_300 : vector<16xf32>
      %swap3A_302 = arith.constant 0 : i32
      %swap3A_303 = arith.index_cast %swap3A_302 : i32 to index
      %swap3A_304 = arith.index_cast %add3A_288 : i32 to index
      %swap3A_305 = arith.constant 0 : index
      %swap3A_306 = tpu.vector_load %arg11[%swap3A_303, %swap3A_304, %swap3A_305] {strides = array<i32>} : memref<2x256x64xf32, #tpu.memory_space<vmem>>, vector<1x1x16xf32>,
      %swap3A_307 = vector.shape_cast %swap3A_306 : vector<1x1x16xf32> to vector<16xf32>
      %swap3A_308 = vector.shape_cast %add3A_301 : vector<16xf32> to vector<1x1x16xf32>
      tpu.vector_store %arg11[%swap3A_303, %swap3A_304, %swap3A_305], %swap3A_308 {strides = array<i32>} : memref<2x256x64xf32, #tpu.memory_space<vmem>>, vector<1x1x16xf32>,
      %get3A_309 = arith.constant 0 : i32
      %get3A_310 = arith.index_cast %get3A_309 : i32 to index
      %get3A_311 = arith.index_cast %add3A_288 : i32 to index
      %get3A_312 = arith.constant 16 : index
      %get3A_313 = tpu.vector_load %arg9[%get3A_310, %get3A_311, %get3A_312] {strides = array<i32>} : memref<2x256x64xf32, #tpu.memory_space<vmem>>, vector<1x1x16xf32>,
      %get3A_314 = vector.shape_cast %get3A_313 : vector<1x1x16xf32> to vector<16xf32>
      %get3A_315 = arith.constant 0 : i32
      %get3A_316 = arith.index_cast %get3A_315 : i32 to index
      %get3A_317 = arith.index_cast %add3A_288 : i32 to index
      %get3A_318 = arith.constant 16 : index
      %get3A_319 = tpu.vector_load %arg10[%get3A_316, %get3A_317, %get3A_318] {strides = array<i32>} : memref<2x256x64xf32, #tpu.memory_space<vmem>>, vector<1x1x16xf32>,
      %get3A_320 = vector.shape_cast %get3A_319 : vector<1x1x16xf32> to vector<16xf32>
      %add3A_321 = arith.addf %get3A_314, %get3A_320 : vector<16xf32>
      %swap3A_322 = arith.constant 0 : i32
      %swap3A_323 = arith.index_cast %swap3A_322 : i32 to index
      %swap3A_324 = arith.index_cast %add3A_288 : i32 to index
      %swap3A_325 = arith.constant 16 : index
      %swap3A_326 = tpu.vector_load %arg11[%swap3A_323, %swap3A_324, %swap3A_325] {strides = array<i32>} : memref<2x256x64xf32, #tpu.memory_space<vmem>>, vector<1x1x16xf32>,
      %swap3A_327 = vector.shape_cast %swap3A_326 : vector<1x1x16xf32> to vector<16xf32>
      %swap3A_328 = vector.shape_cast %add3A_321 : vector<16xf32> to vector<1x1x16xf32>
      tpu.vector_store %arg11[%swap3A_323, %swap3A_324, %swap3A_325], %swap3A_328 {strides = array<i32>} : memref<2x256x64xf32, #tpu.memory_space<vmem>>, vector<1x1x16xf32>,
      %get3A_329 = arith.constant 0 : i32
      %get3A_330 = arith.index_cast %get3A_329 : i32 to index
      %get3A_331 = arith.index_cast %add3A_288 : i32 to index
      %get3A_332 = arith.constant 32 : index
      %get3A_333 = tpu.vector_load %arg9[%get3A_330, %get3A_331, %get3A_332] {strides = array<i32>} : memref<2x256x64xf32, #tpu.memory_space<vmem>>, vector<1x1x16xf32>,
      %get3A_334 = vector.shape_cast %get3A_333 : vector<1x1x16xf32> to vector<16xf32>
      %get3A_335 = arith.constant 0 : i32
      %get3A_336 = arith.index_cast %get3A_335 : i32 to index
      %get3A_337 = arith.index_cast %add3A_288 : i32 to index
      %get3A_338 = arith.constant 32 : index
      %get3A_339 = tpu.vector_load %arg10[%get3A_336, %get3A_337, %get3A_338] {strides = array<i32>} : memref<2x256x64xf32, #tpu.memory_space<vmem>>, vector<1x1x16xf32>,
      %get3A_340 = vector.shape_cast %get3A_339 : vector<1x1x16xf32> to vector<16xf32>
      %add3A_341 = arith.addf %get3A_334, %get3A_340 : vector<16xf32>
      %swap3A_342 = arith.constant 0 : i32
      %swap3A_343 = arith.index_cast %swap3A_342 : i32 to index
      %swap3A_344 = arith.index_cast %add3A_288 : i32 to index
      %swap3A_345 = arith.constant 32 : index
      %swap3A_346 = tpu.vector_load %arg11[%swap3A_343, %swap3A_344, %swap3A_345] {strides = array<i32>} : memref<2x256x64xf32, #tpu.memory_space<vmem>>, vector<1x1x16xf32>,
      %swap3A_347 = vector.shape_cast %swap3A_346 : vector<1x1x16xf32> to vector<16xf32>
      %swap3A_348 = vector.shape_cast %add3A_341 : vector<16xf32> to vector<1x1x16xf32>
      tpu.vector_store %arg11[%swap3A_343, %swap3A_344, %swap3A_345], %swap3A_348 {strides = array<i32>} : memref<2x256x64xf32, #tpu.memory_space<vmem>>, vector<1x1x16xf32>,
      %get3A_349 = arith.constant 0 : i32
      %get3A_350 = arith.index_cast %get3A_349 : i32 to index
      %get3A_351 = arith.index_cast %add3A_288 : i32 to index
      %get3A_352 = arith.constant 48 : index
      %get3A_353 = tpu.vector_load %arg9[%get3A_350, %get3A_351, %get3A_352] {strides = array<i32>} : memref<2x256x64xf32, #tpu.memory_space<vmem>>, vector<1x1x16xf32>,
      %get3A_354 = vector.shape_cast %get3A_353 : vector<1x1x16xf32> to vector<16xf32>
      %get3A_355 = arith.constant 0 : i32
      %get3A_356 = arith.index_cast %get3A_355 : i32 to index
      %get3A_357 = arith.index_cast %add3A_288 : i32 to index
      %get3A_358 = arith.constant 48 : index
      %get3A_359 = tpu.vector_load %arg10[%get3A_356, %get3A_357, %get3A_358] {strides = array<i32>} : memref<2x256x64xf32, #tpu.memory_space<vmem>>, vector<1x1x16xf32>,
      %get3A_360 = vector.shape_cast %get3A_359 : vector<1x1x16xf32> to vector<16xf32>
      %add3A_361 = arith.addf %get3A_354, %get3A_360 : vector<16xf32>
      %swap3A_362 = arith.constant 0 : i32
      %swap3A_363 = arith.index_cast %swap3A_362 : i32 to index
      %swap3A_364 = arith.index_cast %add3A_288 : i32 to index
      %swap3A_365 = arith.constant 48 : index
      %swap3A_366 = tpu.vector_load %arg11[%swap3A_363, %swap3A_364, %swap3A_365] {strides = array<i32>} : memref<2x256x64xf32, #tpu.memory_space<vmem>>, vector<1x1x16xf32>,
      %swap3A_367 = vector.shape_cast %swap3A_366 : vector<1x1x16xf32> to vector<16xf32>
      %swap3A_368 = vector.shape_cast %add3A_361 : vector<16xf32> to vector<1x1x16xf32>
      tpu.vector_store %arg11[%swap3A_363, %swap3A_364, %swap3A_365], %swap3A_368 {strides = array<i32>} : memref<2x256x64xf32, #tpu.memory_space<vmem>>, vector<1x1x16xf32>,
      %mul3A_369 = arith.constant 4 : i32
      %mul3A_370 = arith.muli %scan3A_201, %mul3A_369 : i32
      %add3A_371 = arith.constant 2 : i32
      %add3A_372 = arith.addi %mul3A_370, %add3A_371 : i32
      %get3A_373 = arith.constant 0 : i32
      %get3A_374 = arith.index_cast %get3A_373 : i32 to index
      %get3A_375 = arith.index_cast %add3A_372 : i32 to index
      %get3A_376 = arith.constant 0 : index
      %get3A_377 = tpu.vector_load %arg9[%get3A_374, %get3A_375, %get3A_376] {strides = array<i32>} : memref<2x256x64xf32, #tpu.memory_space<vmem>>, vector<1x1x16xf32>,
      %get3A_378 = vector.shape_cast %get3A_377 : vector<1x1x16xf32> to vector<16xf32>
      %get3A_379 = arith.constant 0 : i32
      %get3A_380 = arith.index_cast %get3A_379 : i32 to index
      %get3A_381 = arith.index_cast %add3A_372 : i32 to index
      %get3A_382 = arith.constant 0 : index
      %get3A_383 = tpu.vector_load %arg10[%get3A_380, %get3A_381, %get3A_382] {strides = array<i32>} : memref<2x256x64xf32, #tpu.memory_space<vmem>>, vector<1x1x16xf32>,
      %get3A_384 = vector.shape_cast %get3A_383 : vector<1x1x16xf32> to vector<16xf32>
      %add3A_385 = arith.addf %get3A_378, %get3A_384 : vector<16xf32>
      %swap3A_386 = arith.constant 0 : i32
      %swap3A_387 = arith.index_cast %swap3A_386 : i32 to index
      %swap3A_388 = arith.index_cast %add3A_372 : i32 to index
      %swap3A_389 = arith.constant 0 : index
      %swap3A_390 = tpu.vector_load %arg11[%swap3A_387, %swap3A_388, %swap3A_389] {strides = array<i32>} : memref<2x256x64xf32, #tpu.memory_space<vmem>>, vector<1x1x16xf32>,
      %swap3A_391 = vector.shape_cast %swap3A_390 : vector<1x1x16xf32> to vector<16xf32>
      %swap3A_392 = vector.shape_cast %add3A_385 : vector<16xf32> to vector<1x1x16xf32>
      tpu.vector_store %arg11[%swap3A_387, %swap3A_388, %swap3A_389], %swap3A_392 {strides = array<i32>} : memref<2x256x64xf32, #tpu.memory_space<vmem>>, vector<1x1x16xf32>,
      %get3A_393 = arith.constant 0 : i32
      %get3A_394 = arith.index_cast %get3A_393 : i32 to index
      %get3A_395 = arith.index_cast %add3A_372 : i32 to index
      %get3A_396 = arith.constant 16 : index
      %get3A_397 = tpu.vector_load %arg9[%get3A_394, %get3A_395, %get3A_396] {strides = array<i32>} : memref<2x256x64xf32, #tpu.memory_space<vmem>>, vector<1x1x16xf32>,
      %get3A_398 = vector.shape_cast %get3A_397 : vector<1x1x16xf32> to vector<16xf32>
      %get3A_399 = arith.constant 0 : i32
      %get3A_400 = arith.index_cast %get3A_399 : i32 to index
      %get3A_401 = arith.index_cast %add3A_372 : i32 to index
      %get3A_402 = arith.constant 16 : index
      %get3A_403 = tpu.vector_load %arg10[%get3A_400, %get3A_401, %get3A_402] {strides = array<i32>} : memref<2x256x64xf32, #tpu.memory_space<vmem>>, vector<1x1x16xf32>,
      %get3A_404 = vector.shape_cast %get3A_403 : vector<1x1x16xf32> to vector<16xf32>
      %add3A_405 = arith.addf %get3A_398, %get3A_404 : vector<16xf32>
      %swap3A_406 = arith.constant 0 : i32
      %swap3A_407 = arith.index_cast %swap3A_406 : i32 to index
      %swap3A_408 = arith.index_cast %add3A_372 : i32 to index
      %swap3A_409 = arith.constant 16 : index
      %swap3A_410 = tpu.vector_load %arg11[%swap3A_407, %swap3A_408, %swap3A_409] {strides = array<i32>} : memref<2x256x64xf32, #tpu.memory_space<vmem>>, vector<1x1x16xf32>,
      %swap3A_411 = vector.shape_cast %swap3A_410 : vector<1x1x16xf32> to vector<16xf32>
      %swap3A_412 = vector.shape_cast %add3A_405 : vector<16xf32> to vector<1x1x16xf32>
      tpu.vector_store %arg11[%swap3A_407, %swap3A_408, %swap3A_409], %swap3A_412 {strides = array<i32>} : memref<2x256x64xf32, #tpu.memory_space<vmem>>, vector<1x1x16xf32>,
      %get3A_413 = arith.constant 0 : i32
      %get3A_414 = arith.index_cast %get3A_413 : i32 to index
      %get3A_415 = arith.index_cast %add3A_372 : i32 to index
      %get3A_416 = arith.constant 32 : index
      %get3A_417 = tpu.vector_load %arg9[%get3A_414, %get3A_415, %get3A_416] {strides = array<i32>} : memref<2x256x64xf32, #tpu.memory_space<vmem>>, vector<1x1x16xf32>,
      %get3A_418 = vector.shape_cast %get3A_417 : vector<1x1x16xf32> to vector<16xf32>
      %get3A_419 = arith.constant 0 : i32
      %get3A_420 = arith.index_cast %get3A_419 : i32 to index
      %get3A_421 = arith.index_cast %add3A_372 : i32 to index
      %get3A_422 = arith.constant 32 : index
      %get3A_423 = tpu.vector_load %arg10[%get3A_420, %get3A_421, %get3A_422] {strides = array<i32>} : memref<2x256x64xf32, #tpu.memory_space<vmem>>, vector<1x1x16xf32>,
      %get3A_424 = vector.shape_cast %get3A_423 : vector<1x1x16xf32> to vector<16xf32>
      %add3A_425 = arith.addf %get3A_418, %get3A_424 : vector<16xf32>
      %swap3A_426 = arith.constant 0 : i32
      %swap3A_427 = arith.index_cast %swap3A_426 : i32 to index
      %swap3A_428 = arith.index_cast %add3A_372 : i32 to index
      %swap3A_429 = arith.constant 32 : index
      %swap3A_430 = tpu.vector_load %arg11[%swap3A_427, %swap3A_428, %swap3A_429] {strides = array<i32>} : memref<2x256x64xf32, #tpu.memory_space<vmem>>, vector<1x1x16xf32>,
      %swap3A_431 = vector.shape_cast %swap3A_430 : vector<1x1x16xf32> to vector<16xf32>
      %swap3A_432 = vector.shape_cast %add3A_425 : vector<16xf32> to vector<1x1x16xf32>
      tpu.vector_store %arg11[%swap3A_427, %swap3A_428, %swap3A_429], %swap3A_432 {strides = array<i32>} : memref<2x256x64xf32, #tpu.memory_space<vmem>>, vector<1x1x16xf32>,
      %get3A_433 = arith.constant 0 : i32
      %get3A_434 = arith.index_cast %get3A_433 : i32 to index
      %get3A_435 = arith.index_cast %add3A_372 : i32 to index
      %get3A_436 = arith.constant 48 : index
      %get3A_437 = tpu.vector_load %arg9[%get3A_434, %get3A_435, %get3A_436] {strides = array<i32>} : memref<2x256x64xf32, #tpu.memory_space<vmem>>, vector<1x1x16xf32>,
      %get3A_438 = vector.shape_cast %get3A_437 : vector<1x1x16xf32> to vector<16xf32>
      %get3A_439 = arith.constant 0 : i32
      %get3A_440 = arith.index_cast %get3A_439 : i32 to index
      %get3A_441 = arith.index_cast %add3A_372 : i32 to index
      %get3A_442 = arith.constant 48 : index
      %get3A_443 = tpu.vector_load %arg10[%get3A_440, %get3A_441, %get3A_442] {strides = array<i32>} : memref<2x256x64xf32, #tpu.memory_space<vmem>>, vector<1x1x16xf32>,
      %get3A_444 = vector.shape_cast %get3A_443 : vector<1x1x16xf32> to vector<16xf32>
      %add3A_445 = arith.addf %get3A_438, %get3A_444 : vector<16xf32>
      %swap3A_446 = arith.constant 0 : i32
      %swap3A_447 = arith.index_cast %swap3A_446 : i32 to index
      %swap3A_448 = arith.index_cast %add3A_372 : i32 to index
      %swap3A_449 = arith.constant 48 : index
      %swap3A_450 = tpu.vector_load %arg11[%swap3A_447, %swap3A_448, %swap3A_449] {strides = array<i32>} : memref<2x256x64xf32, #tpu.memory_space<vmem>>, vector<1x1x16xf32>,
      %swap3A_451 = vector.shape_cast %swap3A_450 : vector<1x1x16xf32> to vector<16xf32>
      %swap3A_452 = vector.shape_cast %add3A_445 : vector<16xf32> to vector<1x1x16xf32>
      tpu.vector_store %arg11[%swap3A_447, %swap3A_448, %swap3A_449], %swap3A_452 {strides = array<i32>} : memref<2x256x64xf32, #tpu.memory_space<vmem>>, vector<1x1x16xf32>,
      %mul3A_453 = arith.constant 4 : i32
      %mul3A_454 = arith.muli %scan3A_201, %mul3A_453 : i32
      %add3A_455 = arith.constant 3 : i32
      %add3A_456 = arith.addi %mul3A_454, %add3A_455 : i32
      %get3A_457 = arith.constant 0 : i32
      %get3A_458 = arith.index_cast %get3A_457 : i32 to index
      %get3A_459 = arith.index_cast %add3A_456 : i32 to index
      %get3A_460 = arith.constant 0 : index
      %get3A_461 = tpu.vector_load %arg9[%get3A_458, %get3A_459, %get3A_460] {strides = array<i32>} : memref<2x256x64xf32, #tpu.memory_space<vmem>>, vector<1x1x16xf32>,
      %get3A_462 = vector.shape_cast %get3A_461 : vector<1x1x16xf32> to vector<16xf32>
      %get3A_463 = arith.constant 0 : i32
      %get3A_464 = arith.index_cast %get3A_463 : i32 to index
      %get3A_465 = arith.index_cast %add3A_456 : i32 to index
      %get3A_466 = arith.constant 0 : index
      %get3A_467 = tpu.vector_load %arg10[%get3A_464, %get3A_465, %get3A_466] {strides = array<i32>} : memref<2x256x64xf32, #tpu.memory_space<vmem>>, vector<1x1x16xf32>,
      %get3A_468 = vector.shape_cast %get3A_467 : vector<1x1x16xf32> to vector<16xf32>
      %add3A_469 = arith.addf %get3A_462, %get3A_468 : vector<16xf32>
      %swap3A_470 = arith.constant 0 : i32
      %swap3A_471 = arith.index_cast %swap3A_470 : i32 to index
      %swap3A_472 = arith.index_cast %add3A_456 : i32 to index
      %swap3A_473 = arith.constant 0 : index
      %swap3A_474 = tpu.vector_load %arg11[%swap3A_471, %swap3A_472, %swap3A_473] {strides = array<i32>} : memref<2x256x64xf32, #tpu.memory_space<vmem>>, vector<1x1x16xf32>,
      %swap3A_475 = vector.shape_cast %swap3A_474 : vector<1x1x16xf32> to vector<16xf32>
      %swap3A_476 = vector.shape_cast %add3A_469 : vector<16xf32> to vector<1x1x16xf32>
      tpu.vector_store %arg11[%swap3A_471, %swap3A_472, %swap3A_473], %swap3A_476 {strides = array<i32>} : memref<2x256x64xf32, #tpu.memory_space<vmem>>, vector<1x1x16xf32>,
      %get3A_477 = arith.constant 0 : i32
      %get3A_478 = arith.index_cast %get3A_477 : i32 to index
      %get3A_479 = arith.index_cast %add3A_456 : i32 to index
      %get3A_480 = arith.constant 16 : index
      %get3A_481 = tpu.vector_load %arg9[%get3A_478, %get3A_479, %get3A_480] {strides = array<i32>} : memref<2x256x64xf32, #tpu.memory_space<vmem>>, vector<1x1x16xf32>,
      %get3A_482 = vector.shape_cast %get3A_481 : vector<1x1x16xf32> to vector<16xf32>
      %get3A_483 = arith.constant 0 : i32
      %get3A_484 = arith.index_cast %get3A_483 : i32 to index
      %get3A_485 = arith.index_cast %add3A_456 : i32 to index
      %get3A_486 = arith.constant 16 : index
      %get3A_487 = tpu.vector_load %arg10[%get3A_484, %get3A_485, %get3A_486] {strides = array<i32>} : memref<2x256x64xf32, #tpu.memory_space<vmem>>, vector<1x1x16xf32>,
      %get3A_488 = vector.shape_cast %get3A_487 : vector<1x1x16xf32> to vector<16xf32>
      %add3A_489 = arith.addf %get3A_482, %get3A_488 : vector<16xf32>
      %swap3A_490 = arith.constant 0 : i32
      %swap3A_491 = arith.index_cast %swap3A_490 : i32 to index
      %swap3A_492 = arith.index_cast %add3A_456 : i32 to index
      %swap3A_493 = arith.constant 16 : index
      %swap3A_494 = tpu.vector_load %arg11[%swap3A_491, %swap3A_492, %swap3A_493] {strides = array<i32>} : memref<2x256x64xf32, #tpu.memory_space<vmem>>, vector<1x1x16xf32>,
      %swap3A_495 = vector.shape_cast %swap3A_494 : vector<1x1x16xf32> to vector<16xf32>
      %swap3A_496 = vector.shape_cast %add3A_489 : vector<16xf32> to vector<1x1x16xf32>
      tpu.vector_store %arg11[%swap3A_491, %swap3A_492, %swap3A_493], %swap3A_496 {strides = array<i32>} : memref<2x256x64xf32, #tpu.memory_space<vmem>>, vector<1x1x16xf32>,
      %get3A_497 = arith.constant 0 : i32
      %get3A_498 = arith.index_cast %get3A_497 : i32 to index
      %get3A_499 = arith.index_cast %add3A_456 : i32 to index
      %get3A_500 = arith.constant 32 : index
      %get3A_501 = tpu.vector_load %arg9[%get3A_498, %get3A_499, %get3A_500] {strides = array<i32>} : memref<2x256x64xf32, #tpu.memory_space<vmem>>, vector<1x1x16xf32>,
      %get3A_502 = vector.shape_cast %get3A_501 : vector<1x1x16xf32> to vector<16xf32>
      %get3A_503 = arith.constant 0 : i32
      %get3A_504 = arith.index_cast %get3A_503 : i32 to index
      %get3A_505 = arith.index_cast %add3A_456 : i32 to index
      %get3A_506 = arith.constant 32 : index
      %get3A_507 = tpu.vector_load %arg10[%get3A_504, %get3A_505, %get3A_506] {strides = array<i32>} : memref<2x256x64xf32, #tpu.memory_space<vmem>>, vector<1x1x16xf32>,
      %get3A_508 = vector.shape_cast %get3A_507 : vector<1x1x16xf32> to vector<16xf32>
      %add3A_509 = arith.addf %get3A_502, %get3A_508 : vector<16xf32>
      %swap3A_510 = arith.constant 0 : i32
      %swap3A_511 = arith.index_cast %swap3A_510 : i32 to index
      %swap3A_512 = arith.index_cast %add3A_456 : i32 to index
      %swap3A_513 = arith.constant 32 : index
      %swap3A_514 = tpu.vector_load %arg11[%swap3A_511, %swap3A_512, %swap3A_513] {strides = array<i32>} : memref<2x256x64xf32, #tpu.memory_space<vmem>>, vector<1x1x16xf32>,
      %swap3A_515 = vector.shape_cast %swap3A_514 : vector<1x1x16xf32> to vector<16xf32>
      %swap3A_516 = vector.shape_cast %add3A_509 : vector<16xf32> to vector<1x1x16xf32>
      tpu.vector_store %arg11[%swap3A_511, %swap3A_512, %swap3A_513], %swap3A_516 {strides = array<i32>} : memref<2x256x64xf32, #tpu.memory_space<vmem>>, vector<1x1x16xf32>,
      %get3A_517 = arith.constant 0 : i32
      %get3A_518 = arith.index_cast %get3A_517 : i32 to index
      %get3A_519 = arith.index_cast %add3A_456 : i32 to index
      %get3A_520 = arith.constant 48 : index
      %get3A_521 = tpu.vector_load %arg9[%get3A_518, %get3A_519, %get3A_520] {strides = array<i32>} : memref<2x256x64xf32, #tpu.memory_space<vmem>>, vector<1x1x16xf32>,
      %get3A_522 = vector.shape_cast %get3A_521 : vector<1x1x16xf32> to vector<16xf32>
      %get3A_523 = arith.constant 0 : i32
      %get3A_524 = arith.index_cast %get3A_523 : i32 to index
      %get3A_525 = arith.index_cast %add3A_456 : i32 to index
      %get3A_526 = arith.constant 48 : index
      %get3A_527 = tpu.vector_load %arg10[%get3A_524, %get3A_525, %get3A_526] {strides = array<i32>} : memref<2x256x64xf32, #tpu.memory_space<vmem>>, vector<1x1x16xf32>,
      %get3A_528 = vector.shape_cast %get3A_527 : vector<1x1x16xf32> to vector<16xf32>
      %add3A_529 = arith.addf %get3A_522, %get3A_528 : vector<16xf32>
      %swap3A_530 = arith.constant 0 : i32
      %swap3A_531 = arith.index_cast %swap3A_530 : i32 to index
      %swap3A_532 = arith.index_cast %add3A_456 : i32 to index
      %swap3A_533 = arith.constant 48 : index
      %swap3A_534 = tpu.vector_load %arg11[%swap3A_531, %swap3A_532, %swap3A_533] {strides = array<i32>} : memref<2x256x64xf32, #tpu.memory_space<vmem>>, vector<1x1x16xf32>,
      %swap3A_535 = vector.shape_cast %swap3A_534 : vector<1x1x16xf32> to vector<16xf32>
      %swap3A_536 = vector.shape_cast %add3A_529 : vector<16xf32> to vector<1x1x16xf32>
      tpu.vector_store %arg11[%swap3A_531, %swap3A_532, %swap3A_533], %swap3A_536 {strides = array<i32>} : memref<2x256x64xf32, #tpu.memory_space<vmem>>, vector<1x1x16xf32>,
      %scan3A_537 = arith.constant 0 : i32
      scf.yield %scan3A_537 : i32
    }
    %scan3A_155 = arith.constant 64 : i32
    %add3A_156 = arith.constant 6144 : i32
    %add3A_157 = arith.addi %mul3A_2, %add3A_156 : i32
    %dma_start3A_158 = arith.constant 0 : i32
    %dma_start3A_159 = arith.constant 0 : i32
    %dma_start3A_160 = arith.constant 0 : i32
    %dma_start3A_161 = tpu.memref_slice %arg11[%dma_start3A_158, %dma_start3A_159, %dma_start3A_160] : memref<2x256x64xf32, #tpu.memory_space<vmem>> -> memref<1x256x64xf32, #tpu.memory_space<vmem>>
    %dma_start3A_162 = tpu.memref_squeeze %dma_start3A_161 : memref<1x256x64xf32, #tpu.memory_space<vmem>> -> memref<256x64xf32, #tpu.memory_space<vmem>>
    %dma_start3A_163 = arith.constant 0 : i32
    %dma_start3A_164 = tpu.memref_slice %arg6[%add3A_157, %dma_start3A_163] : memref<204800x64xf32, #tpu.memory_space<hbm>> -> memref<256x64xf32, #tpu.memory_space<hbm>>
    %dma_start3A_165 = arith.constant 0 : i32
    %dma_start3A_166 = tpu.memref_slice %arg6[%add3A_157, %dma_start3A_165] : memref<204800x64xf32, #tpu.memory_space<hbm>> -> memref<256x64xf32, #tpu.memory_space<hbm>>
    %dma_start3A_167 = arith.constant 0 : i32
    %dma_start3A_168 = arith.constant 0 : i32
    %dma_start3A_169 = tpu.memref_slice %arg11[%dma_start3A_158, %dma_start3A_167, %dma_start3A_168] : memref<2x256x64xf32, #tpu.memory_space<vmem>> -> memref<1x256x64xf32, #tpu.memory_space<vmem>>
    %dma_start3A_170 = tpu.memref_squeeze %dma_start3A_169 : memref<1x256x64xf32, #tpu.memory_space<vmem>> -> memref<256x64xf32, #tpu.memory_space<vmem>>
    tpu.enqueue_dma source(%dma_start3A_170 : memref<256x64xf32, #tpu.memory_space<vmem>>) target(%dma_start3A_166 : memref<256x64xf32, #tpu.memory_space<hbm>>) target_semaphore(%arg14 : memref<!tpu.dma_semaphore, #tpu.memory_space<semaphore_mem>>)
    %add3A_171 = arith.constant 5888 : i32
    %add3A_172 = arith.addi %mul3A_2, %add3A_171 : i32
    %dma_wait3A_173 = arith.constant 1 : i32
    %dma_wait3A_174 = arith.constant 0 : i32
    %dma_wait3A_175 = arith.constant 0 : i32
    %dma_wait3A_176 = tpu.memref_slice %arg11[%dma_wait3A_173, %dma_wait3A_174, %dma_wait3A_175] : memref<2x256x64xf32, #tpu.memory_space<vmem>> -> memref<1x256x64xf32, #tpu.memory_space<vmem>>
    %dma_wait3A_177 = tpu.memref_squeeze %dma_wait3A_176 : memref<1x256x64xf32, #tpu.memory_space<vmem>> -> memref<256x64xf32, #tpu.memory_space<vmem>>
    %dma_wait3A_178 = arith.constant 0 : i32
    %dma_wait3A_179 = tpu.memref_slice %arg6[%add3A_172, %dma_wait3A_178] : memref<204800x64xf32, #tpu.memory_space<hbm>> -> memref<256x64xf32, #tpu.memory_space<hbm>>
    %dma_wait3A_180 = arith.constant 0 : i32
    %dma_wait3A_181 = tpu.memref_slice %arg6[%add3A_172, %dma_wait3A_180] : memref<204800x64xf32, #tpu.memory_space<hbm>> -> memref<256x64xf32, #tpu.memory_space<hbm>>
    %dma_wait3A_182 = arith.constant 0 : i32
    %dma_wait3A_183 = arith.constant 0 : i32
    %dma_wait3A_184 = tpu.memref_slice %arg11[%dma_wait3A_173, %dma_wait3A_182, %dma_wait3A_183] : memref<2x256x64xf32, #tpu.memory_space<vmem>> -> memref<1x256x64xf32, #tpu.memory_space<vmem>>
    %dma_wait3A_185 = tpu.memref_squeeze %dma_wait3A_184 : memref<1x256x64xf32, #tpu.memory_space<vmem>> -> memref<256x64xf32, #tpu.memory_space<vmem>>
    tpu.wait_dma2 semaphore(%arg15 : memref<!tpu.dma_semaphore, #tpu.memory_space<semaphore_mem>>) src(%dma_wait3A_185 : memref<256x64xf32, #tpu.memory_space<vmem>>) dst(%dma_wait3A_181 : memref<256x64xf32, #tpu.memory_space<hbm>>)
    %add3A_186 = arith.constant 6144 : i32
    %add3A_187 = arith.addi %mul3A_2, %add3A_186 : i32
    %dma_wait3A_188 = arith.constant 0 : i32
    %dma_wait3A_189 = arith.constant 0 : i32
    %dma_wait3A_190 = arith.constant 0 : i32
    %dma_wait3A_191 = tpu.memref_slice %arg11[%dma_wait3A_188, %dma_wait3A_189, %dma_wait3A_190] : memref<2x256x64xf32, #tpu.memory_space<vmem>> -> memref<1x256x64xf32, #tpu.memory_space<vmem>>
    %dma_wait3A_192 = tpu.memref_squeeze %dma_wait3A_191 : memref<1x256x64xf32, #tpu.memory_space<vmem>> -> memref<256x64xf32, #tpu.memory_space<vmem>>
    %dma_wait3A_193 = arith.constant 0 : i32
    %dma_wait3A_194 = tpu.memref_slice %arg6[%add3A_187, %dma_wait3A_193] : memref<204800x64xf32, #tpu.memory_space<hbm>> -> memref<256x64xf32, #tpu.memory_space<hbm>>
    %dma_wait3A_195 = arith.constant 0 : i32
    %dma_wait3A_196 = tpu.memref_slice %arg6[%add3A_187, %dma_wait3A_195] : memref<204800x64xf32, #tpu.memory_space<hbm>> -> memref<256x64xf32, #tpu.memory_space<hbm>>
    %dma_wait3A_197 = arith.constant 0 : i32
    %dma_wait3A_198 = arith.constant 0 : i32
    %dma_wait3A_199 = tpu.memref_slice %arg11[%dma_wait3A_188, %dma_wait3A_197, %dma_wait3A_198] : memref<2x256x64xf32, #tpu.memory_space<vmem>> -> memref<1x256x64xf32, #tpu.memory_space<vmem>>
    %dma_wait3A_200 = tpu.memref_squeeze %dma_wait3A_199 : memref<1x256x64xf32, #tpu.memory_space<vmem>> -> memref<256x64xf32, #tpu.memory_space<vmem>>
    tpu.wait_dma2 semaphore(%arg14 : memref<!tpu.dma_semaphore, #tpu.memory_space<semaphore_mem>>) src(%dma_wait3A_200 : memref<256x64xf32, #tpu.memory_space<vmem>>) dst(%dma_wait3A_196 : memref<256x64xf32, #tpu.memory_space<hbm>>)
    return
  }
}

</mosaic_0001>

<sc_bundles>
// kernel: kernel.3.cloned.1.call-start
scs
__scs_entry_jumppad:
0x0: {  	(pc) =	sbr.rel $0x88, $3  }
0x1: {  	(tag) =	ssettag $0x0;
	lr =	simm.s32 $0x1  }
0x2: {  	[smem:$0x3F9C] =	sst lr;
	_ =	strace $0xD0000000  }
0x3: {  	_ = 	snop  }
0x4: {  	_ = 	snop  }
0x5: {  	_ = 	snop  }
0x6: {  	_ = 	snop  }
0x7: {  	_ = 	snop  }
__scs_overlays_trampoline_lowered:
0x8: {  	[smem:$0x3FAB] =	sst s0  }
0x9: {  	[smem:$0x3FAC] =	sst s1  }
0xa: {  	[smem:$0x3FAD] =	sst s2  }
0xb: {  	[smem:$0x3FAE] =	sst s3  }
0xc: {  	[smem:$0x3FAF] =	sst s4  }
0xd: {  	[smem:$0x3FB0] =	sst s5  }
0xe: {  	[smem:$0x3FB1] =	sst s6  }
0xf: {  	[smem:$0x3FB2] =	sst s7  }
0x10: {  	[smem:$0x3FB3] =	sst s8  }
0x11: {  	[smem:$0x3FB4] =	sst s9;
	s0 =	simm.s32 @!p0 $0x0  }
0x12: {  	s1 =	sld [smem:$0x3F9A];
	s0 =	simm.s32 @p0 $0x1  }
0x13: {  	[smem:$0x3FB5] =	sst s0;
	s0 =	simm.s32 @!p1 $0x0  }
0x14: {  	s2 =	sld [smem:$0x3F99];
	s0 =	simm.s32 @p1 $0x1  }
0x15: {  	[smem:$0x3FB6] =	sst s0;
	s0 =	simm.s32 @!p2 $0x0  }
0x16: {  	s3 =	sld [smem:$0x3FDB];
	s0 =	simm.s32 @p2 $0x1  }
0x17: {  	s4 =	simm.s32 $0x1BF5;
	[smem:$0x3FB8] =	sst s0  }
0x18: {  	s0 =	sld [smem:$0x3F9B];
	_ =	swait.ge [sflag:s4], $0x0  }
0x19: {  	s7 =	sld [smem:$0x3F9C]  }
0x1a: {  	s8 =	sadd.s32 $0xFFFFE003, lr  }
0x1b: {  	s9 =	sadd.s32 $0xFFFFFEF7, lr;
	s5 =	simm.s32 $0xFFFFFFFF;
	p2 =	slt.u32 s8, $0xFFFFF086  }
0x1c: {  	p1 =	slt.u32 s9, $0xF7A;
	s5 =	simm.s32 @!p2 $0x0  }
0x1d: {  	s5 =	simm.s32 @p1 $0x1;
	p0 =	seq.s32 s7, s2  }
0x1e: {  	s7 =	smul.u32 @!p0 $0xF7A, s2;
	p2 =	seq.s32 @!p0 s5, $0x0  }
0x1f: {  	s9 =	smul.u32 $0xF7A, s1;
	s8 =	simm.s32 @!p0 $0x1BF5;
	p2 =	por !p2, p0  }
0x20: {  	[sflag:s8] =	ssyncset.s32 @!p0 $0xFFFFF086;
	s6 =	sadd.s32 @!p0 s3, s7;
	s7 =	simm.s32 @!p0 $0x108  }
0x21: {  	s3 =	sadd.s32 s3, s9;
	s6 =	sadd.s32 @!p0 $0x88, s6;
	s7 =	simm.s32 @p2 $0x1082  }
0x22: {  	[simem:s7], [sflag:s8] =	dma.local @!p0 [hbm:s6], $0xF7A  }
0x23: {  	s9 =	sor.u32 $0xD0000000, s2;
	s6 =	simm.s32 $0x108;
	_ =	swait.ge @!p0 [sflag:s8], $0x0  }
0x24: {  	s3 =	sadd.s32 $0x88, s3;
	s6 =	simm.s32 @!p1 $0x1082;
	[sflag:s4] =	ssyncset.s32 $0xFFFFF086  }
0x25: {  	[simem:s6], [sflag:s4] =	dma.local [hbm:s3], $0xF7A  }
0x26: {  	[smem:$0x3F9C] =	sst s1;
	(tag) =	ssettag s2;
	_ =	strace s9  }
0x27: {  	s1 =	sld [smem:$0x3FAC]  }
0x28: {  	s2 =	sld [smem:$0x3FAD]  }
0x29: {  	s4 =	sld [smem:$0x3FAF]  }
0x2a: {  	p0 =	seq.s32 s5, $0x0;
	s5 =	sld [smem:$0x3FB0]  }
0x2b: {  	s6 =	sld [smem:$0x3FB1]  }
0x2c: {  	s7 =	sld [smem:$0x3FB2]  }
0x2d: {  	s3 =	simm.s32 $0x108;
	s8 =	sld [smem:$0x3FB3]  }
0x2e: {  	s3 =	simm.s32 @!p0 $0x1082;
	s9 =	sld [smem:$0x3FB4]  }
0x2f: {  	lr =	sadd.s32 s0, s3;
	s0 =	sld [smem:$0x3FAB]  }
0x30: {  	s3 =	sld [smem:$0x3FAE]  }
0x31: {  	[smem:$0x3FB7] =	sst s10  }
0x32: {  	s10 =	sld [smem:$0x3FB5];
	_ =	sdelay $0x3  }
0x33: {  	p0 =	seq.s32 s10, $0x1;
	s10 =	sld [smem:$0x3FB7];
	_ =	sdelay $0x3  }
0x34: {  	[smem:$0x3FB7] =	sst s10  }
0x35: {  	s10 =	sld [smem:$0x3FB6];
	_ =	sdelay $0x3  }
0x36: {  	p1 =	seq.s32 s10, $0x1;
	s10 =	sld [smem:$0x3FB7];
	_ =	sdelay $0x3  }
0x37: {  	[smem:$0x3FB7] =	sst s10  }
0x38: {  	s10 =	sld [smem:$0x3FB8]  }
0x39: {  	_ = 	snop;
	(pc) =	sbr.ind lr, $3  }
0x3a: {  	_ = 	snop  }
0x3b: {  	_ = 	snop  }
0x3c: {  	p2 =	seq.s32 s10, $0x1;
	s10 =	sld [smem:$0x3FB7]  }
0x3d: {  	_ =	shalt  }
0x3e: {  	_ =	shalt  }
0x3f: {  	_ =	shalt  }
0x40: {  	_ =	shalt  }
0x41: {  	_ =	shalt  }
0x42: {  	_ =	shalt  }
0x43: {  	_ =	shalt  }
0x44: {  	_ =	shalt  }
0x45: {  	_ =	shalt  }
0x46: {  	_ =	shalt  }
0x47: {  	_ =	shalt  }
0x48: {  	_ =	shalt  }
0x49: {  	_ =	shalt  }
0x4a: {  	_ =	shalt  }
0x4b: {  	_ =	shalt  }
0x4c: {  	_ =	shalt  }
0x4d: {  	_ =	shalt  }
0x4e: {  	_ =	shalt  }
0x4f: {  	_ =	shalt  }
0x50: {  	_ =	shalt  }
0x51: {  	_ =	shalt  }
0x52: {  	_ =	shalt  }
0x53: {  	_ =	shalt  }
0x54: {  	_ =	shalt  }
0x55: {  	_ =	shalt  }
0x56: {  	_ =	shalt  }
0x57: {  	_ =	shalt  }
0x58: {  	_ =	shalt  }
0x59: {  	_ =	shalt  }
0x5a: {  	_ =	shalt  }
0x5b: {  	_ =	shalt  }
0x5c: {  	_ =	shalt  }
0x5d: {  	_ =	shalt  }
0x5e: {  	_ =	shalt  }
0x5f: {  	_ =	shalt  }
0x60: {  	_ =	shalt  }
0x61: {  	_ =	shalt  }
0x62: {  	_ =	shalt  }
0x63: {  	_ =	shalt  }
0x64: {  	_ =	shalt  }
0x65: {  	_ =	shalt  }
0x66: {  	_ =	shalt  }
0x67: {  	_ =	shalt  }
0x68: {  	_ =	shalt  }
0x69: {  	_ =	shalt  }
0x6a: {  	_ =	shalt  }
0x6b: {  	_ =	shalt  }
0x6c: {  	_ =	shalt  }
0x6d: {  	_ =	shalt  }
0x6e: {  	_ =	shalt  }
0x6f: {  	_ =	shalt  }
0x70: {  	_ =	shalt  }
0x71: {  	_ =	shalt  }
0x72: {  	_ =	shalt  }
0x73: {  	_ =	shalt  }
0x74: {  	_ =	shalt  }
0x75: {  	_ =	shalt  }
0x76: {  	_ =	shalt  }
0x77: {  	_ =	shalt  }
0x78: {  	_ =	shalt  }
0x79: {  	_ =	shalt  }
0x7a: {  	_ =	shalt  }
0x7b: {  	_ =	shalt  }
0x7c: {  	_ =	shalt  }
0x7d: {  	_ =	shalt  }
0x7e: {  	_ =	shalt  }
0x7f: {  	_ =	shalt  }
0x80: {  	_ =	shalt  }
0x81: {  	_ =	shalt  }
0x82: {  	_ =	shalt  }
0x83: {  	_ =	shalt  }
0x84: {  	_ =	shalt  }
0x85: {  	_ =	shalt  }
0x86: {  	_ =	shalt  }
0x87: {  	_ =	shalt  }
.Lfunc_end0:
.L_simem_size_0:
called_computation.1_lowered:
.L_overlay_start_0:
0x88: {  	s2 =	sld [smem:$0x3FD9]  }
0x89: {  	s3 =	sld [smem:$0x3FFE];
	_ =	sdelay $0x1  }
0x8a: {  	s1 =	srdreg.scid  }
0x8b: {  	s0 =	sand.u32 $0x1, s1  }
0x8c: {  	s17 =	sshll.u32 s0, $0xA;
	s2 =	sadd.s32 s3, s2  }
0x8d: {  	s2 =	sadd.s32 s2, s17  }
0x8e: {  	[smem:$0x3FC3] =	sst s2  }
0x8f: {  	_ = 	snop  }
0x90: {  	s2 =	sld [smem:$0x3FD0];
	(tm) =	ssettm $0x1  }
0x91: {  	s18 =	sld [smem:$0x3FFB];
	_ =	sdelay $0x3  }
0x92: {  	_ =	strace s18  }
0x93: {  	s3 =	sld [smem:$0x3FFC];
	_ =	sdelay $0x3  }
0x94: {  	_ =	strace s3  }
0x95: {  	s3 =	sld [smem:$0x3FFD];
	_ =	sdelay $0x3  }
0x96: {  	_ =	strace s3  }
0x97: {  	_ =	strace $0x8FFFFFFF  }
0x98: {  	s19 =	sld [smem:$0x3FDB];
	_ =	sdelay $0x1  }
0x99: {  	s4 =	simm.s32 $_scs_section_size  }
0x9a: {  	s5 =	simm.s32 $_size__tile_overlayer_lowered;
	s6 =	simm.s32 $_tile_overlayer_lowered  }
0x9b: {  	s22 =	simm.s32 $0x1BFF;
	s21 =	sshll.u32 s6, $0x1;
	s3 =	sadd.s32 s4, s19  }
0x9c: {  	s7 =	simm.s32 $0x0;
	s20 =	sshll.u32 s5, $0x1;
	s5 =	sadd.s32 s21, s3  }
0x9d: {  	[timem:s7], [sflag:s22] =	dma.local [hbm:s5], s20  }
0x9e: {  	_ =	swait.ge [sflag:s22], s20  }
0x9f: {  	s4 =	ssub.s32 $0x0, s20;
	[sflag:s22] =	ssyncset.done $0x0  }
0xa0: {  	[sflag:s22] =	ssyncadd.s32 s4;
	_ =	sdelay $0x1  }
0xa1: {  	s23 =	simm.s32 $0x1B8B  }
0xa2: {  	_ =	swait.ge [sflag:s23], $0x1  }
0xa3: {  	[sflag:s23] =	ssyncset.done $0x0  }
0xa4: {  	s25 =	simm.s32 $0x1B8E;
	s24 =	sld [smem:$0x3FFE];
	[sflag:s23] =	ssyncadd.s32 $0xFFFFFFFF  }
0xa5: {  	s26 =	simm.s32 $execute0_lowered;
	[smem:$0x3FD2] =	sst s25  }
0xa6: {  	s5 =	sshll.u32 s26, $0x1;
	_ =	strace $0x80000046;
	[dreg:$0x1] =	wrdreg $0xFFFFFFFF  }
0xa7: {  	s28 =	simm.s32 $_size_execute0_lowered;
	s3 =	sadd.s32 s3, s5;
	[dreg:$0x0] =	wrdreg $0x0  }
0xa8: {  	s5 =	sshll.u32 s28, $0x1;
	[dreg:$0x2] =	wrdreg s3  }
0xa9: {  	[dreg:$0x3] =	wrdreg s5  }
0xaa: {  	[dreg:$0x4] =	wrdreg $0xC0  }
0xab: {  	_ =	task [dreg:s7], $0x5FFFF  }
0xac: {  	[dreg:$0x1] =	wrdreg $0xFFFFFFFF  }
0xad: {  	[dreg:$0x0] =	wrdreg $0x60  }
0xae: {  	[dreg:$0x2] =	wrdreg s24  }
0xaf: {  	[dreg:$0x3] =	wrdreg s2  }
0xb0: {  	[dreg:$0x4] =	wrdreg $0x9  }
0xb1: {  	_ =	task.clear_ibuf [dreg:s7], $0x5FFFF;
	_ =	strace $0x90000046  }
0xb2: {  	s29 =	simm.s32 $0x9;
	_ =	strace $0x80000048  }
0xb3: {  	_ =	swait.ge [sflag:s29], $0x1  }
0xb4: {  	[sflag:s29] =	ssyncadd.s32 $0xFFFFFFFF  }
0xb5: {  	_ =	strace $0x90000048  }
0xb6: {  	_ =	sfence  }
0xb7: {  	s30 =	sld [smem:$0x0];
	_ =	sdelay $0x2  }
0xb8: {  	s31 =	sshll.u32 s1, $0xD;
	s1 =	sshrl.u32 s1, $0x2  }
0xb9: {  	s3 =	sand.u32 $0x4000, s31;
	s1 =	sadd.s32 s1, s30  }
0xba: {  	s0 =	sor.u32 s3, s0;
	s1 =	sshll.u32 s1, $0x11  }
0xbb: {  	s0 =	sor.u32 s1, s0  }
0xbc: {  	s0 =	sadd.s32 $0x8F2B, s0  }
0xbd: {  	[sflag:s0] =	ssyncadd.remote.s32 $0x1  }
0xbe: {  	_ =	sfence.sel $0xFFFF  }
0xbf: {  	[dreg:$0x0] =	wrdreg $0xFFFFFFFF;
	(pc) =	sbr.abs _section_cstart, $3  }
0xc0: {  	[dreg:$0x1] =	wrdreg $0xFFFFFFFF  }
0xc1: {  	_ =	task.clear_ibuf [dreg:s7], $0x2FFFF;
	_ =	strace $0x9FFFFFFF  }
0xc2: {  	(tm) =	ssettm $0x7FFFFFFF  }
0xc3: {  	_ =	shalt  }
tec
execute0_lowered:
.L_overlay_start_1:
0x0: {  	(tag) =	ssettag $0x1  }
0x1: {  	s0 =	srdreg.scid;
	s1 =	rddreg [dreg:$0x0]  }
0x2: {  	s11 =	stileid.u32;
	s2 =	rddreg [dreg:$0x1];
	s13 =	simm.s32 $0x5  }
0x3: {  	s15 =	simm.s32 $0x80;
	s16 =	simm.s32 $0x3200;
	s17 =	simm.s32 $0xB200  }
0x4: {  	s18 =	simm.s32 $0x5200;
	s20 =	simm.s32 $0xD200;
	s22 =	simm.s32 $0x7200  }
0x5: {  	s29 =	simm.s32 $0x11200;
	s30 =	simm.s32 $0x1;
	s31 =	simm.s32 $0x13200  }
0x6: {  	s19 =	simm.s32 $0x3;
	s0 =	sand.u32 $0x1, s0;
	s3 =	sshll.u32 s11, $0x1  }
0x7: {  	s21 =	simm.s32 $0x4;
	s26 =	smul.u32 $0x3200, s11;
	s4 =	sor.u32 s0, s3  }
0x8: {  	s3 =	simm.s32 $0x0;
	s8 =	ssub.s32 $0x2, s0;
	s0 =	smul.u32 $0x1900, s0  }
0x9: {  	s6 =	sadd.s32 $0xD800, s1;
	s7 =	smul.u32 $0x1900, s4;
	[smem:$0x7FF] =	sst s3  }
0xa: {  	s10 =	sshrl.u32 s8, $0x1;
	s4 =	smul.u32 $0x64000, s4;
	_ =	strace $0x80000047  }
0xb: {  	s23 =	ssub.s32 s8, s10;
	s12 =	sadd.s32 s0, s26;
	s10 =	simm.s32 $0x1900  }
0xc: {  	s26 =	simm.s32 $0x9200;
	s0 =	simm.s32 $0x17200;
	s5 =	sshrl.u32 s7, $0x3  }
0xd: {  	s25 =	sshrl.u32 s4, $0x3;
	s11 =	smax.u32 s23, $0x1;
	s9 =	sadd.s32 s5, s1  }
0xe: {  	s23 =	simm.s32 $0x0;
	s5 =	sadd.s32 $0xF43400, s1;
	s24 =	sadd.s32 $0x7400, s9  }
0xf: {  	s8 =	sadd.s32 s2, s25;
	s9 =	sadd.s32 $0x1000, s9;
	[dreg:$0x3] =	wrdreg s24  }
0x10: {  	s1 =	simm.s32 $0x2;
	s28 =	sadd.s32 $0xC000, s8;
	[dreg:$0x4] =	wrdreg s9  }
0x11: {  	v0 =	vlaneseq.u32;
	s9 =	sadd.s32 $0x100, s7;
	[dreg:$0x5] =	wrdreg s28;
	s24 =	simm.s32 $0xF200  }
.LBB2_1:
0x12: {  	s7 =	rddreg [dreg:$0x3]  }
0x13: {  	[tilespmem:s3], [sflag:$0x5] =	stream.linear.gather [hbm4b:s7+s3], $0x1900, $0x38;
	[tilespmem:$0x1B200] =	vst v63  }
0x14: {  	_ =	swait.ge [sflag:s13], $0x1900  }
0x15: {  	[sflag:s13] =	ssyncset.done $0x0  }
0x16: {  	s8 =	rddreg [dreg:$0x4];
	[sflag:s13] =	ssyncadd.s32 $0xFFFFE700  }
0x17: {  	[tilespmem:s10], [sflag:$0x5] =	stream.linear.gather [hbm4b:s8+s3], $0x1900, $0x38;
	[tilespmem:$0x1B200] =	vst v63  }
0x18: {  	s10 =	sadd.s32 $0x0, s12  }
0x19: {  	v1 =	vor.u32 s10, v0;
	s8 =	sadd.s32 $0x20, s10  }
0x1a: {  	s14 =	sadd.s32 $0x30, s10;
	v2 =	vmulhi.u32 $0x51EB851F, v1;
	v3 =	vor.u32 s8, v0  }
0x1b: {  	_ =	swait.ge [sflag:s13], $0x1900;
	s25 =	sadd.s32 $0x10, s10;
	v5 =	vor.u32 s14, v0;
	v4 =	vmulhi.u32 $0x51EB851F, v3  }
0x1c: {  	[sflag:s13] =	ssyncset.done $0x0;
	v6 =	vor.u32 s25, v0;
	v7 =	vmulhi.u32 $0x51EB851F, v5;
	v2 =	vshrl.u32 v2, $0x6  }
0x1d: {  	s7 =	simm.s32 $0x1920;
	[sflag:s13] =	ssyncadd.s32 $0xFFFFE700;
	v9 =	vmulhi.u32 $0x51EB851F, v6;
	v2 =	vmul.u32 $0xC8, v2;
	v4 =	vshrl.u32 v4, $0x6  }
0x1e: {  	v8 =	vld [tilespmem:s7+$0xFFFFFFE0];
	v4 =	vmul.u32 $0xC8, v4  }
0x1f: {  	v10 =	vld [tilespmem:s7+$0x0];
	v7 =	vshrl.u32 v7, $0x6;
	v1 =	vsub.s32 v1, v2;
	v2 =	vshrl.u32 v9, $0x6  }
0x20: {  	v7 =	vmul.u32 $0xC8, v7;
	v9 =	vmul.u32 $0xC8, v2;
	v2 =	vsub.s32 v3, v4;
	v3 =	vld [tilespmem:s7+$0x10]  }
0x21: {  	v1 =	vmul.u32 $0x3, v1  }
0x22: {  	v4 =	vsub.s32 v5, v7;
	v11 =	vmul.u32 $0x3, v2;
	v2 =	vld [tilespmem:s7+$0xFFFFFFF0]  }
0x23: {  	s25 =	sadd.s32 $0x40, s12;
	s14 =	simm.s32 $0x80;
	v5 =	vmul.u32 $0x3, v4;
	v7 =	vadd.s32 v1, v8;
	v6 =	vsub.s32 v6, v9  }
0x24: {  	s8 =	simm.s32 $0x1920;
	s28 =	sadd.s32 $0x10, s25;
	s10 =	sadd.s32 $0x20, s25;
	v1 =	vor.u32 s25, v0;
	[tilespmem:s7+$0xFFFFFFE0] =	vst v7;
	v4 =	vmul.u32 $0x3, v6;
	v6 =	vadd.s32 v11, v10  }
.LBB2_2:
0x25: {  	p0 =	sne.s32 s14, $0x18C0;
	v7 =	vmulhi.u32 $0x51EB851F, v1;
	v8 =	vor.u32 s10, v0;
	s10 =	sadd.s32 $0x30, s25;
	[tilespmem:s7+$0x0] =	vst v6;
	v3 =	vadd.s32 v5, v3  }
0x26: {  	v5 =	vor.u32 s28, v0;
	v6 =	vmulhi.u32 $0x51EB851F, v8;
	v9 =	vor.u32 s10, v0;
	[tilespmem:s7+$0x10] =	vst v3  }
0x27: {  	v2 =	vadd.s32 v4, v2;
	s7 =	sadd.s32 $0x40, s7;
	v3 =	vshrl.u32 v7, $0x6;
	v7 =	vmulhi.u32 $0x51EB851F, v9  }
0x28: {  	v10 =	vmulhi.u32 $0x51EB851F, v5;
	v3 =	vmul.u32 $0xC8, v3;
	v4 =	vld [tilespmem:s7+$0xFFFFFFE0];
	v6 =	vshrl.u32 v6, $0x6;
	[tilespmem:s8+$0xFFFFFFF0] =	vst v2;
	s8 =	smov.u32 s7  }
0x29: {  	v6 =	vmul.u32 $0xC8, v6;
	v11 =	vld [tilespmem:s7+$0x0];
	v2 =	vshrl.u32 v7, $0x6  }
.Ltmp0:
0x2a: {  	v7 =	vshrl.u32 v10, $0x6;
	v1 =	vsub.s32 v1, v3;
	v10 =	vmul.u32 $0xC8, v2;
	v3 =	vld [tilespmem:s7+$0x10];
	(pc) =	sbr.rel @p0 .LBB2_2-.Ltmp0, $4  }
0x2b: {  	v7 =	vmul.u32 $0xC8, v7;
	v1 =	vmul.u32 $0x3, v1;
	v2 =	vld [tilespmem:s7+$0xFFFFFFF0];
	v6 =	vsub.s32 v8, v6  }
0x2c: {  	v6 =	vmul.u32 $0x3, v6;
	v8 =	vsub.s32 v9, v10  }
0x2d: {  	s25 =	sadd.s32 s14, s12;
	v7 =	vsub.s32 v5, v7;
	v4 =	vadd.s32 v1, v4;
	v5 =	vmul.u32 $0x3, v8  }
0x2e: {  	s14 =	sadd.s32 $0x40, s14;
	s28 =	sadd.s32 $0x10, s25;
	s10 =	sadd.s32 $0x20, s25;
	v1 =	vor.u32 s25, v0;
	[tilespmem:s7+$0xFFFFFFE0] =	vst v4;
	v4 =	vmul.u32 $0x3, v7;
	v6 =	vadd.s32 v6, v11  }
0x2f: {  	v7 =	vmulhi.u32 $0x51EB851F, v1;
	v8 =	vor.u32 s10, v0;
	s25 =	sadd.s32 $0x30, s25;
	v3 =	vadd.s32 v5, v3  }
0x30: {  	[tilespmem:s7+$0x0] =	vst v6;
	v57 =	vor.u32 s28, v0;
	v58 =	vmulhi.u32 $0x51EB851F, v8;
	v9 =	vor.u32 s25, v0  }
0x31: {  	s10 =	sadd.s32 $0x40, s7;
	[tilespmem:s7+$0x10] =	vst v3;
	v2 =	vadd.s32 v4, v2;
	v3 =	vshrl.u32 v7, $0x6;
	v59 =	vmulhi.u32 $0x51EB851F, v9  }
0x32: {  	v10 =	vmulhi.u32 $0x51EB851F, v57;
	v60 =	vld [tilespmem:s10+$0xFFFFFFE0];
	[tilespmem:s8+$0xFFFFFFF0] =	vst v2;
	v3 =	vmul.u32 $0xC8, v3;
	v6 =	vshrl.u32 v58, $0x6  }
0x33: {  	v61 =	vld [tilespmem:s10+$0x0];
	v2 =	vmul.u32 $0xC8, v6;
	v7 =	vshrl.u32 v59, $0x6  }
0x34: {  	v62 =	vld [tilespmem:s10+$0x10];
	v1 =	vsub.s32 v1, v3;
	v3 =	vshrl.u32 v10, $0x6;
	v7 =	vmul.u32 $0xC8, v7  }
0x35: {  	v11 =	vld [tilespmem:s10+$0xFFFFFFF0];
	v1 =	vmul.u32 $0x3, v1;
	v3 =	vmul.u32 $0xC8, v3;
	v2 =	vsub.s32 v8, v2  }
0x36: {  	v2 =	vmul.u32 $0x3, v2;
	v7 =	vsub.s32 v9, v7  }
0x37: {  	v1 =	vadd.s32 v1, v60;
	v3 =	vsub.s32 v57, v3;
	v63 =	vmul.u32 $0x3, v7  }
0x38: {  	[tilespmem:s10+$0xFFFFFFE0] =	vst v1;
	v1 =	vmul.u32 $0x3, v3;
	v2 =	vadd.s32 v2, v61  }
0x39: {  	[tilespmem:s10+$0x0] =	vst v2;
	v2 =	vadd.s32 v63, v62  }
0x3a: {  	[tilespmem:s10+$0x10] =	vst v2;
	v1 =	vadd.s32 v1, v11  }
0x3b: {  	s25 =	simm.s32 $0x0;
	[tilespmem:s10+$0xFFFFFFF0] =	vst v1  }
0x3c: {  	[tilespmem:s16], [sflag:$0x1] =	stream.indirect.gather [hbm4b:s5+s15], $0x40, s25, s15, $0xb8;
	[tilespmem:$0x1B200] =	vst v63  }
0x3d: {  	s10 =	simm.s32 $0x1900  }
0x3e: {  	[tilespmem:s17], [sflag:$0x1] =	stream.indirect.gather [hbm4b:s6+s15], $0x40, s10, s15, $0xb8;
	[tilespmem:$0x1B200] =	vst v63  }
0x3f: {  	_ = 	snop  }
0x40: {  	[tilespmem:s18], [sflag:$0x1] =	stream.indirect.gather [hbm4b:s5+s15], $0x40, s15, s15, $0xb8;
	[tilespmem:$0x1B200] =	vst v63  }
0x41: {  	s14 =	simm.s32 $0x1980  }
0x42: {  	[tilespmem:s20], [sflag:$0x1] =	stream.indirect.gather [hbm4b:s6+s15], $0x40, s14, s15, $0xb8;
	[tilespmem:$0x1B200] =	vst v63  }
0x43: {  	s28 =	simm.s32 $0x100  }
0x44: {  	[tilespmem:s22], [sflag:$0x2] =	stream.indirect.gather [hbm4b:s5+s15], $0x40, s28, s15, $0xb8;
	[tilespmem:$0x1B200] =	vst v63  }
0x45: {  	s8 =	simm.s32 $0x1A00  }
0x46: {  	[tilespmem:s24], [sflag:$0x2] =	stream.indirect.gather [hbm4b:s6+s15], $0x40, s8, s15, $0xb8;
	[tilespmem:$0x1B200] =	vst v63  }
0x47: {  	s14 =	simm.s32 $0x180  }
0x48: {  	[tilespmem:s26], [sflag:$0x2] =	stream.indirect.gather [hbm4b:s5+s15], $0x40, s14, s15, $0xb8;
	[tilespmem:$0x1B200] =	vst v63  }
0x49: {  	s28 =	simm.s32 $0x1A80  }
0x4a: {  	[tilespmem:s29], [sflag:$0x2] =	stream.indirect.gather [hbm4b:s6+s15], $0x40, s28, s15, $0xb8;
	[tilespmem:$0x1B200] =	vst v63  }
.LBB2_4:
0x4b: {  	_ =	swait.ge [sflag:s30], $0x2000  }
0x4c: {  	[sflag:s30] =	ssyncset.done $0x0  }
0x4d: {  	[sflag:s30] =	ssyncadd.s32 $0xFFFFE000  }
0x4e: {  	_ =	swait.ge [sflag:s30], $0x2000  }
0x4f: {  	[sflag:s30] =	ssyncset.done $0x0  }
0x50: {  	[sflag:s30] =	ssyncadd.s32 $0xFFFFE000  }
0x51: {  	_ =	swait.ge [sflag:s30], $0x2000  }
0x52: {  	[sflag:s30] =	ssyncset.done $0x0  }
0x53: {  	[sflag:s30] =	ssyncadd.s32 $0xFFFFE000  }
0x54: {  	_ =	swait.ge [sflag:s30], $0x2000  }
0x55: {  	p0 =	seq.s32 s25, $0x0;
	[sflag:s30] =	ssyncset.done $0x0  }
0x56: {  	s7 =	simm.s32 @!p0 $0x3;
	[sflag:s30] =	ssyncadd.s32 $0xFFFFE000  }
0x57: {  	_ =	swait.ge @!p0 [sflag:s7], $0x4000  }
0x58: {  	[sflag:s7] =	ssyncset.done @!p0 $0x0  }
0x59: {  	s14 =	simm.s32 $0x0;
	[sflag:s7] =	ssyncadd.s32 @!p0 $0xFFFFC000  }
0x5a: {  	v1 =	vld [tilespmem:s14+$0x32F0]  }
0x5b: {  	v2 =	vld [tilespmem:s14+$0xB2F0]  }
0x5c: {  	v3 =	vld [tilespmem:s14+$0x3200]  }
0x5d: {  	v4 =	vld [tilespmem:s14+$0xB200]  }
0x5e: {  	v5 =	vld [tilespmem:s14+$0x3210]  }
0x5f: {  	v6 =	vld [tilespmem:s14+$0xB210]  }
0x60: {  	v7 =	vld [tilespmem:s14+$0x3220]  }
0x61: {  	v8 =	vld [tilespmem:s14+$0x3230]  }
0x62: {  	v1 =	vadd.f32 v2, v1;
	v2 =	vld [tilespmem:s14+$0xB220]  }
0x63: {  	v3 =	vadd.f32 v4, v3;
	v4 =	vld [tilespmem:s14+$0x3240]  }
0x64: {  	[tilespmem:s14+$0x132F0] =	vst v1;
	v1 =	vld [tilespmem:s14+$0xB230]  }
0x65: {  	[tilespmem:s14+$0x13200] =	vst v3;
	v3 =	vadd.f32 v6, v5;
	v5 =	vld [tilespmem:s14+$0xB240]  }
0x66: {  	v6 =	vld [tilespmem:s14+$0xB250]  }
0x67: {  	[tilespmem:s14+$0x13210] =	vst v3;
	v3 =	vld [tilespmem:s14+$0x3250];
	v2 =	vadd.f32 v2, v7  }
0x68: {  	v7 =	vld [tilespmem:s14+$0xB260]  }
0x69: {  	[tilespmem:s14+$0x13220] =	vst v2;
	v1 =	vadd.f32 v1, v8;
	v2 =	vld [tilespmem:s14+$0x3260]  }
0x6a: {  	v8 =	vld [tilespmem:s14+$0xB2B0]  }
0x6b: {  	[tilespmem:s14+$0x13230] =	vst v1;
	v1 =	vadd.f32 v5, v4;
	v4 =	vld [tilespmem:s14+$0x3270]  }
0x6c: {  	v5 =	vld [tilespmem:s14+$0xB270]  }
0x6d: {  	[tilespmem:s14+$0x13240] =	vst v1;
	v1 =	vadd.f32 v6, v3;
	v3 =	vld [tilespmem:s14+$0x3280]  }
0x6e: {  	v6 =	vld [tilespmem:s14+$0xB280]  }
0x6f: {  	[tilespmem:s14+$0x13250] =	vst v1;
	v1 =	vadd.f32 v7, v2;
	v2 =	vld [tilespmem:s14+$0x3290]  }
0x70: {  	v7 =	vld [tilespmem:s14+$0xB290]  }
0x71: {  	[tilespmem:s14+$0x13260] =	vst v1;
	v1 =	vadd.f32 v5, v4;
	v4 =	vld [tilespmem:s14+$0x32A0]  }
0x72: {  	v5 =	vld [tilespmem:s14+$0xB2A0]  }
0x73: {  	[tilespmem:s14+$0x13270] =	vst v1;
	v1 =	vadd.f32 v6, v3;
	v6 =	vld [tilespmem:s14+$0x32B0]  }
0x74: {  	v9 =	vld [tilespmem:s14+$0xB2C0]  }
0x75: {  	[tilespmem:s14+$0x13280] =	vst v1;
	v1 =	vadd.f32 v7, v2;
	v7 =	vld [tilespmem:s14+$0x32C0]  }
0x76: {  	v3 =	vld [tilespmem:s14+$0x32D0]  }
0x77: {  	[tilespmem:s14+$0x13290] =	vst v1;
	v1 =	vadd.f32 v5, v4;
	v4 =	vld [tilespmem:s14+$0xB2D0]  }
0x78: {  	v5 =	vld [tilespmem:s14+$0xB2E0];
	v6 =	vadd.f32 v8, v6  }
0x79: {  	s7 =	simm.s32 $0x100;
	[tilespmem:s14+$0x132A0] =	vst v1;
	v1 =	vld [tilespmem:s14+$0x32E0]  }
0x7a: {  	s28 =	sshll.u32 s25, $0x9;
	s8 =	simm.s32 $0x800;
	v2 =	vld [tilespmem:s7+$0x32F0];
	[tilespmem:s14+$0x132B0] =	vst v6;
	v6 =	vadd.f32 v9, v7  }
.LBB2_5:
0x7b: {  	p1 =	sne.s32 s8, $0xFC00;
	v7 =	vld [tilespmem:s7+$0xB2F0]  }
0x7c: {  	v8 =	vld [tilespmem:s7+$0x3200];
	[tilespmem:s14+$0x132C0] =	vst v6;
	v3 =	vadd.f32 v4, v3  }
0x7d: {  	v4 =	vld [tilespmem:s7+$0xB200]  }
0x7e: {  	v6 =	vld [tilespmem:s7+$0x3210];
	[tilespmem:s14+$0x132D0] =	vst v3;
	v1 =	vadd.f32 v5, v1  }
0x7f: {  	v3 =	vld [tilespmem:s7+$0xB210]  }
0x80: {  	v5 =	vld [tilespmem:s7+$0x3220];
	v2 =	vadd.f32 v7, v2;
	[tilespmem:s14+$0x132E0] =	vst v1;
	s14 =	smov.u32 s7  }
0x81: {  	v1 =	vld [tilespmem:s14+$0xB220]  }
0x82: {  	v4 =	vadd.f32 v4, v8;
	v7 =	vld [tilespmem:s14+$0x3230];
	[tilespmem:s14+$0x132F0] =	vst v2  }
0x83: {  	v2 =	vld [tilespmem:s14+$0xB230]  }
0x84: {  	[tilespmem:s14+$0x13200] =	vst v4;
	v3 =	vadd.f32 v3, v6;
	v4 =	vld [tilespmem:s14+$0x3240]  }
0x85: {  	v6 =	vld [tilespmem:s14+$0xB240]  }
0x86: {  	[tilespmem:s14+$0x13210] =	vst v3;
	v1 =	vadd.f32 v1, v5;
	v3 =	vld [tilespmem:s14+$0x3250]  }
0x87: {  	v5 =	vld [tilespmem:s14+$0xB250]  }
0x88: {  	[tilespmem:s14+$0x13220] =	vst v1;
	v1 =	vadd.f32 v2, v7;
	v2 =	vld [tilespmem:s14+$0x3260]  }
0x89: {  	v7 =	vld [tilespmem:s14+$0xB260]  }
0x8a: {  	[tilespmem:s14+$0x13230] =	vst v1;
	v1 =	vadd.f32 v6, v4;
	v4 =	vld [tilespmem:s14+$0x3270]  }
0x8b: {  	v6 =	vld [tilespmem:s14+$0xB270]  }
0x8c: {  	[tilespmem:s14+$0x13240] =	vst v1;
	v1 =	vadd.f32 v5, v3;
	v3 =	vld [tilespmem:s14+$0x3280]  }
0x8d: {  	v5 =	vld [tilespmem:s14+$0xB280]  }
0x8e: {  	[tilespmem:s14+$0x13250] =	vst v1;
	v1 =	vadd.f32 v7, v2;
	v2 =	vld [tilespmem:s14+$0x3290]  }
0x8f: {  	v7 =	vld [tilespmem:s14+$0xB290]  }
0x90: {  	[tilespmem:s14+$0x13260] =	vst v1;
	v1 =	vadd.f32 v6, v4;
	v4 =	vld [tilespmem:s14+$0x32A0]  }
0x91: {  	v6 =	vld [tilespmem:s14+$0xB2A0]  }
0x92: {  	[tilespmem:s14+$0x13270] =	vst v1;
	v1 =	vadd.f32 v5, v3;
	v5 =	vld [tilespmem:s14+$0x32B0]  }
0x93: {  	v8 =	vld [tilespmem:s14+$0xB2B0]  }
0x94: {  	[tilespmem:s14+$0x13280] =	vst v1;
	v1 =	vadd.f32 v7, v2;
	v7 =	vld [tilespmem:s14+$0x32C0]  }
0x95: {  	v9 =	vld [tilespmem:s14+$0xB2C0]  }
.Ltmp1:
0x96: {  	[tilespmem:s14+$0x13290] =	vst v1;
	v1 =	vadd.f32 v6, v4;
	v3 =	vld [tilespmem:s14+$0x32D0];
	(pc) =	sbr.rel @p1 .LBB2_5-.Ltmp1, $4  }
0x97: {  	v4 =	vld [tilespmem:s14+$0xB2D0]  }
0x98: {  	[tilespmem:s14+$0x132A0] =	vst v1;
	v6 =	vadd.f32 v8, v5;
	v1 =	vld [tilespmem:s14+$0x32E0]  }
0x99: {  	s7 =	sshra.s32 s8, $0x2;
	v5 =	vld [tilespmem:s14+$0xB2E0]  }
0x9a: {  	s8 =	sadd.s32 $0x400, s8;
	v2 =	vld [tilespmem:s7+$0x32F0];
	[tilespmem:s14+$0x132B0] =	vst v6;
	v6 =	vadd.f32 v9, v7  }
0x9b: {  	v7 =	vld [tilespmem:s7+$0xB2F0]  }
0x9c: {  	v8 =	vld [tilespmem:s7+$0x3200];
	[tilespmem:s14+$0x132C0] =	vst v6;
	v3 =	vadd.f32 v4, v3  }
0x9d: {  	v4 =	vld [tilespmem:s7+$0xB200]  }
0x9e: {  	v6 =	vld [tilespmem:s7+$0x3210];
	[tilespmem:s14+$0x132D0] =	vst v3;
	v1 =	vadd.f32 v5, v1  }
0x9f: {  	v3 =	vld [tilespmem:s7+$0xB210]  }
0xa0: {  	v5 =	vld [tilespmem:s7+$0x3220];
	[tilespmem:s14+$0x132E0] =	vst v1  }
0xa1: {  	v1 =	vadd.f32 v7, v2;
	v2 =	vld [tilespmem:s7+$0xB220]  }
0xa2: {  	v7 =	vld [tilespmem:s7+$0x3230]  }
0xa3: {  	v4 =	vadd.f32 v4, v8;
	[tilespmem:s7+$0x132F0] =	vst v1;
	v1 =	vld [tilespmem:s7+$0xB230]  }
0xa4: {  	v8 =	vld [tilespmem:s7+$0xB2E0]  }
0xa5: {  	[tilespmem:s7+$0x13200] =	vst v4;
	v3 =	vadd.f32 v3, v6;
	v4 =	vld [tilespmem:s7+$0x3240]  }
0xa6: {  	v6 =	vld [tilespmem:s7+$0xB240]  }
0xa7: {  	[tilespmem:s7+$0x13210] =	vst v3;
	v3 =	vld [tilespmem:s7+$0x3250]  }
0xa8: {  	v2 =	vadd.f32 v2, v5;
	v5 =	vld [tilespmem:s7+$0xB250]  }
0xa9: {  	v1 =	vadd.f32 v1, v7;
	v7 =	vld [tilespmem:s7+$0xB260]  }
0xaa: {  	[tilespmem:s7+$0x13220] =	vst v2;
	v2 =	vld [tilespmem:s7+$0x3260]  }
0xab: {  	[tilespmem:s7+$0x13230] =	vst v1;
	v1 =	vadd.f32 v6, v4;
	v4 =	vld [tilespmem:s7+$0x3270]  }
0xac: {  	v6 =	vld [tilespmem:s7+$0xB270]  }
0xad: {  	[tilespmem:s7+$0x13240] =	vst v1;
	v1 =	vadd.f32 v5, v3;
	v3 =	vld [tilespmem:s7+$0x3280]  }
0xae: {  	v5 =	vld [tilespmem:s7+$0xB280]  }
0xaf: {  	[tilespmem:s7+$0x13250] =	vst v1;
	v1 =	vadd.f32 v7, v2;
	v2 =	vld [tilespmem:s7+$0x3290]  }
0xb0: {  	v7 =	vld [tilespmem:s7+$0xB290]  }
0xb1: {  	[tilespmem:s7+$0x13260] =	vst v1;
	v1 =	vadd.f32 v6, v4;
	v4 =	vld [tilespmem:s7+$0x32A0]  }
0xb2: {  	v6 =	vld [tilespmem:s7+$0xB2A0]  }
0xb3: {  	[tilespmem:s7+$0x13270] =	vst v1;
	v1 =	vadd.f32 v5, v3;
	v3 =	vld [tilespmem:s7+$0x32B0]  }
0xb4: {  	v5 =	vld [tilespmem:s7+$0xB2B0]  }
0xb5: {  	[tilespmem:s7+$0x13280] =	vst v1;
	v1 =	vadd.f32 v7, v2;
	v2 =	vld [tilespmem:s7+$0x32C0]  }
0xb6: {  	v7 =	vld [tilespmem:s7+$0xB2C0]  }
0xb7: {  	[tilespmem:s7+$0x13290] =	vst v1;
	v1 =	vadd.f32 v6, v4;
	v4 =	vld [tilespmem:s7+$0x32D0]  }
0xb8: {  	v6 =	vld [tilespmem:s7+$0xB2D0]  }
0xb9: {  	[tilespmem:s7+$0x132A0] =	vst v1;
	v1 =	vld [tilespmem:s7+$0x32E0];
	_ =	sdelay $0x1  }
0xba: {  	v3 =	vadd.f32 v5, v3  }
0xbb: {  	v2 =	vadd.f32 v7, v2  }
0xbc: {  	s8 =	sshll.u32 s25, $0xF;
	[tilespmem:s7+$0x132B0] =	vst v3;
	v3 =	vadd.f32 v6, v4  }
0xbd: {  	s8 =	sadd.s32 s4, s8;
	[tilespmem:s7+$0x132C0] =	vst v2;
	v1 =	vadd.f32 v8, v1  }
0xbe: {  	s8 =	sshrl.u32 s8, $0x3;
	[tilespmem:s7+$0x132D0] =	vst v3  }
0xbf: {  	s14 =	sadd.s32 s2, s8;
	[tilespmem:s7+$0x132E0] =	vst v1  }
0xc0: {  	[hbm4b:s14+s3] =	stream.linear.scatter [tilespmem:s31], [sflag:$0x3], $0x4000, $0x38;
	[tilespmem:$0x1B200] =	vst v63  }
0xc1: {  	s8 =	sadd.s32 $0x200, s28  }
0xc2: {  	[tilespmem:s16], [sflag:$0x1] =	stream.indirect.gather [hbm4b:s5+s15], $0x40, s8, s15, $0xb8;
	[tilespmem:$0x1B200] =	vst v63  }
0xc3: {  	s14 =	sadd.s32 $0x1B00, s28  }
0xc4: {  	[tilespmem:s17], [sflag:$0x1] =	stream.indirect.gather [hbm4b:s6+s15], $0x40, s14, s15, $0xb8;
	[tilespmem:$0x1B200] =	vst v63  }
0xc5: {  	s8 =	sadd.s32 $0x280, s28  }
0xc6: {  	[tilespmem:s18], [sflag:$0x1] =	stream.indirect.gather [hbm4b:s5+s15], $0x40, s8, s15, $0xb8;
	[tilespmem:$0x1B200] =	vst v63  }
0xc7: {  	s14 =	sadd.s32 $0x1B80, s28  }
0xc8: {  	[tilespmem:s20], [sflag:$0x1] =	stream.indirect.gather [hbm4b:s6+s15], $0x40, s14, s15, $0xb8;
	[tilespmem:$0x1B200] =	vst v63  }
0xc9: {  	_ =	swait.ge [sflag:s1], $0x2000  }
0xca: {  	[sflag:s1] =	ssyncset.done $0x0  }
0xcb: {  	[sflag:s1] =	ssyncadd.s32 $0xFFFFE000  }
0xcc: {  	_ =	swait.ge [sflag:s1], $0x2000  }
0xcd: {  	[sflag:s1] =	ssyncset.done $0x0  }
0xce: {  	[sflag:s1] =	ssyncadd.s32 $0xFFFFE000  }
0xcf: {  	_ =	swait.ge [sflag:s1], $0x2000  }
0xd0: {  	[sflag:s1] =	ssyncset.done $0x0  }
0xd1: {  	[sflag:s1] =	ssyncadd.s32 $0xFFFFE000  }
0xd2: {  	_ =	swait.ge [sflag:s1], $0x2000  }
0xd3: {  	[sflag:s1] =	ssyncset.done $0x0  }
0xd4: {  	s7 =	simm.s32 @!p0 $0x4;
	[sflag:s1] =	ssyncadd.s32 $0xFFFFE000  }
0xd5: {  	_ =	swait.ge @!p0 [sflag:s7], $0x4000  }
0xd6: {  	[sflag:s7] =	ssyncset.done @!p0 $0x0  }
0xd7: {  	s14 =	simm.s32 $0x0;
	[sflag:s7] =	ssyncadd.s32 @!p0 $0xFFFFC000  }
0xd8: {  	v1 =	vld [tilespmem:s14+$0x72F0]  }
0xd9: {  	v2 =	vld [tilespmem:s14+$0xF2F0]  }
0xda: {  	v3 =	vld [tilespmem:s14+$0x7200]  }
0xdb: {  	v4 =	vld [tilespmem:s14+$0xF200]  }
0xdc: {  	v5 =	vld [tilespmem:s14+$0x7210]  }
0xdd: {  	v6 =	vld [tilespmem:s14+$0xF210]  }
0xde: {  	v7 =	vld [tilespmem:s14+$0x7220]  }
0xdf: {  	v8 =	vld [tilespmem:s14+$0x7230]  }
0xe0: {  	v1 =	vadd.f32 v2, v1;
	v2 =	vld [tilespmem:s14+$0xF220]  }
0xe1: {  	v3 =	vadd.f32 v4, v3;
	v4 =	vld [tilespmem:s14+$0x7240]  }
0xe2: {  	[tilespmem:s14+$0x172F0] =	vst v1;
	v1 =	vld [tilespmem:s14+$0xF230]  }
0xe3: {  	[tilespmem:s14+$0x17200] =	vst v3;
	v3 =	vadd.f32 v6, v5;
	v5 =	vld [tilespmem:s14+$0xF240]  }
0xe4: {  	v6 =	vld [tilespmem:s14+$0xF250]  }
0xe5: {  	[tilespmem:s14+$0x17210] =	vst v3;
	v3 =	vld [tilespmem:s14+$0x7250];
	v2 =	vadd.f32 v2, v7  }
0xe6: {  	v7 =	vld [tilespmem:s14+$0xF260]  }
0xe7: {  	[tilespmem:s14+$0x17220] =	vst v2;
	v1 =	vadd.f32 v1, v8;
	v2 =	vld [tilespmem:s14+$0x7260]  }
0xe8: {  	v8 =	vld [tilespmem:s14+$0xF2B0]  }
0xe9: {  	[tilespmem:s14+$0x17230] =	vst v1;
	v1 =	vadd.f32 v5, v4;
	v4 =	vld [tilespmem:s14+$0x7270]  }
0xea: {  	v5 =	vld [tilespmem:s14+$0xF270]  }
0xeb: {  	[tilespmem:s14+$0x17240] =	vst v1;
	v1 =	vadd.f32 v6, v3;
	v3 =	vld [tilespmem:s14+$0x7280]  }
0xec: {  	v6 =	vld [tilespmem:s14+$0xF280]  }
0xed: {  	[tilespmem:s14+$0x17250] =	vst v1;
	v1 =	vadd.f32 v7, v2;
	v2 =	vld [tilespmem:s14+$0x7290]  }
0xee: {  	v7 =	vld [tilespmem:s14+$0xF290]  }
0xef: {  	[tilespmem:s14+$0x17260] =	vst v1;
	v1 =	vadd.f32 v5, v4;
	v4 =	vld [tilespmem:s14+$0x72A0]  }
0xf0: {  	v5 =	vld [tilespmem:s14+$0xF2A0]  }
0xf1: {  	[tilespmem:s14+$0x17270] =	vst v1;
	v1 =	vadd.f32 v6, v3;
	v6 =	vld [tilespmem:s14+$0x72B0]  }
0xf2: {  	v9 =	vld [tilespmem:s14+$0xF2C0]  }
0xf3: {  	[tilespmem:s14+$0x17280] =	vst v1;
	v1 =	vadd.f32 v7, v2;
	v7 =	vld [tilespmem:s14+$0x72C0]  }
0xf4: {  	v3 =	vld [tilespmem:s14+$0x72D0]  }
0xf5: {  	[tilespmem:s14+$0x17290] =	vst v1;
	v1 =	vadd.f32 v5, v4;
	v4 =	vld [tilespmem:s14+$0xF2D0]  }
0xf6: {  	v5 =	vld [tilespmem:s14+$0xF2E0];
	v6 =	vadd.f32 v8, v6  }
0xf7: {  	s7 =	simm.s32 $0x100;
	[tilespmem:s14+$0x172A0] =	vst v1;
	v1 =	vld [tilespmem:s14+$0x72E0]  }
0xf8: {  	s8 =	simm.s32 $0x800;
	v2 =	vld [tilespmem:s7+$0x72F0];
	[tilespmem:s14+$0x172B0] =	vst v6;
	v6 =	vadd.f32 v9, v7  }
.LBB2_7:
0xf9: {  	p0 =	sne.s32 s8, $0xFC00;
	v7 =	vld [tilespmem:s7+$0xF2F0]  }
0xfa: {  	v8 =	vld [tilespmem:s7+$0x7200];
	[tilespmem:s14+$0x172C0] =	vst v6;
	v3 =	vadd.f32 v4, v3  }
0xfb: {  	v4 =	vld [tilespmem:s7+$0xF200]  }
0xfc: {  	v6 =	vld [tilespmem:s7+$0x7210];
	[tilespmem:s14+$0x172D0] =	vst v3;
	v1 =	vadd.f32 v5, v1  }
0xfd: {  	v3 =	vld [tilespmem:s7+$0xF210]  }
0xfe: {  	v5 =	vld [tilespmem:s7+$0x7220];
	v2 =	vadd.f32 v7, v2;
	[tilespmem:s14+$0x172E0] =	vst v1;
	s14 =	smov.u32 s7  }
0xff: {  	v1 =	vld [tilespmem:s14+$0xF220]  }
0x100: {  	v4 =	vadd.f32 v4, v8;
	v7 =	vld [tilespmem:s14+$0x7230];
	[tilespmem:s14+$0x172F0] =	vst v2  }
0x101: {  	v2 =	vld [tilespmem:s14+$0xF230]  }
0x102: {  	[tilespmem:s14+$0x17200] =	vst v4;
	v3 =	vadd.f32 v3, v6;
	v4 =	vld [tilespmem:s14+$0x7240]  }
0x103: {  	v6 =	vld [tilespmem:s14+$0xF240]  }
0x104: {  	[tilespmem:s14+$0x17210] =	vst v3;
	v1 =	vadd.f32 v1, v5;
	v3 =	vld [tilespmem:s14+$0x7250]  }
0x105: {  	v5 =	vld [tilespmem:s14+$0xF250]  }
0x106: {  	[tilespmem:s14+$0x17220] =	vst v1;
	v1 =	vadd.f32 v2, v7;
	v2 =	vld [tilespmem:s14+$0x7260]  }
0x107: {  	v7 =	vld [tilespmem:s14+$0xF260]  }
0x108: {  	[tilespmem:s14+$0x17230] =	vst v1;
	v1 =	vadd.f32 v6, v4;
	v4 =	vld [tilespmem:s14+$0x7270]  }
0x109: {  	v6 =	vld [tilespmem:s14+$0xF270]  }
0x10a: {  	[tilespmem:s14+$0x17240] =	vst v1;
	v1 =	vadd.f32 v5, v3;
	v3 =	vld [tilespmem:s14+$0x7280]  }
0x10b: {  	v5 =	vld [tilespmem:s14+$0xF280]  }
0x10c: {  	[tilespmem:s14+$0x17250] =	vst v1;
	v1 =	vadd.f32 v7, v2;
	v2 =	vld [tilespmem:s14+$0x7290]  }
0x10d: {  	v7 =	vld [tilespmem:s14+$0xF290]  }
0x10e: {  	[tilespmem:s14+$0x17260] =	vst v1;
	v1 =	vadd.f32 v6, v4;
	v4 =	vld [tilespmem:s14+$0x72A0]  }
0x10f: {  	v6 =	vld [tilespmem:s14+$0xF2A0]  }
0x110: {  	[tilespmem:s14+$0x17270] =	vst v1;
	v1 =	vadd.f32 v5, v3;
	v5 =	vld [tilespmem:s14+$0x72B0]  }
0x111: {  	v8 =	vld [tilespmem:s14+$0xF2B0]  }
0x112: {  	[tilespmem:s14+$0x17280] =	vst v1;
	v1 =	vadd.f32 v7, v2;
	v7 =	vld [tilespmem:s14+$0x72C0]  }
0x113: {  	v9 =	vld [tilespmem:s14+$0xF2C0]  }
.Ltmp2:
0x114: {  	[tilespmem:s14+$0x17290] =	vst v1;
	v1 =	vadd.f32 v6, v4;
	v3 =	vld [tilespmem:s14+$0x72D0];
	(pc) =	sbr.rel @p0 .LBB2_7-.Ltmp2, $4  }
0x115: {  	v4 =	vld [tilespmem:s14+$0xF2D0]  }
0x116: {  	[tilespmem:s14+$0x172A0] =	vst v1;
	v6 =	vadd.f32 v8, v5;
	v1 =	vld [tilespmem:s14+$0x72E0]  }
0x117: {  	s7 =	sshra.s32 s8, $0x2;
	v5 =	vld [tilespmem:s14+$0xF2E0]  }
0x118: {  	s8 =	sadd.s32 $0x400, s8;
	v2 =	vld [tilespmem:s7+$0x72F0];
	[tilespmem:s14+$0x172B0] =	vst v6;
	v6 =	vadd.f32 v9, v7  }
0x119: {  	v7 =	vld [tilespmem:s7+$0xF2F0]  }
0x11a: {  	v8 =	vld [tilespmem:s7+$0x7200];
	[tilespmem:s14+$0x172C0] =	vst v6;
	v3 =	vadd.f32 v4, v3  }
0x11b: {  	v46 =	vld [tilespmem:s7+$0xF200]  }
0x11c: {  	v6 =	vld [tilespmem:s7+$0x7210];
	[tilespmem:s14+$0x172D0] =	vst v3;
	v1 =	vadd.f32 v5, v1  }
0x11d: {  	v3 =	vld [tilespmem:s7+$0xF210]  }
0x11e: {  	v47 =	vld [tilespmem:s7+$0x7220];
	[tilespmem:s14+$0x172E0] =	vst v1  }
0x11f: {  	v1 =	vadd.f32 v7, v2;
	v2 =	vld [tilespmem:s7+$0xF220]  }
0x120: {  	v48 =	vld [tilespmem:s7+$0x7230]  }
0x121: {  	v49 =	vld [tilespmem:s7+$0x7240]  }
0x122: {  	[tilespmem:s7+$0x172F0] =	vst v1;
	v1 =	vld [tilespmem:s7+$0xF230]  }
0x123: {  	v50 =	vld [tilespmem:s7+$0xF240]  }
0x124: {  	v51 =	vld [tilespmem:s7+$0xF250];
	v3 =	vadd.f32 v3, v6  }
0x125: {  	v52 =	vld [tilespmem:s7+$0xF260]  }
0x126: {  	[tilespmem:s7+$0x17210] =	vst v3;
	v2 =	vadd.f32 v2, v47;
	v3 =	vld [tilespmem:s7+$0x7250]  }
0x127: {  	v53 =	vld [tilespmem:s7+$0x7270];
	v1 =	vadd.f32 v1, v48  }
0x128: {  	[tilespmem:s7+$0x17220] =	vst v2;
	v2 =	vld [tilespmem:s7+$0x7260]  }
0x129: {  	v54 =	vld [tilespmem:s7+$0xF270];
	[tilespmem:s7+$0x17230] =	vst v1;
	v1 =	vadd.f32 v50, v49  }
0x12a: {  	v55 =	vld [tilespmem:s7+$0xF280]  }
0x12b: {  	v56 =	vld [tilespmem:s7+$0xF290];
	[tilespmem:s7+$0x17240] =	vst v1;
	v1 =	vadd.f32 v51, v3  }
0x12c: {  	v3 =	vld [tilespmem:s7+$0x7280]  }
0x12d: {  	v57 =	vld [tilespmem:s7+$0x72A0];
	[tilespmem:s7+$0x17250] =	vst v1;
	v1 =	vadd.f32 v52, v2  }
0x12e: {  	v2 =	vld [tilespmem:s7+$0x7290]  }
0x12f: {  	v58 =	vld [tilespmem:s7+$0xF2A0];
	[tilespmem:s7+$0x17260] =	vst v1;
	v1 =	vadd.f32 v54, v53  }
0x130: {  	v59 =	vld [tilespmem:s7+$0xF2B0]  }
0x131: {  	v60 =	vld [tilespmem:s7+$0xF2C0];
	[tilespmem:s7+$0x17270] =	vst v1;
	v1 =	vadd.f32 v55, v3  }
0x132: {  	v61 =	vld [tilespmem:s7+$0x72D0]  }
0x133: {  	v62 =	vld [tilespmem:s7+$0xF2D0];
	[tilespmem:s7+$0x17280] =	vst v1;
	v1 =	vadd.f32 v56, v2  }
0x134: {  	v3 =	vld [tilespmem:s7+$0x72B0]  }
0x135: {  	v2 =	vld [tilespmem:s7+$0x72C0];
	[tilespmem:s7+$0x17290] =	vst v1;
	v1 =	vadd.f32 v58, v57  }
0x136: {  	v63 =	vld [tilespmem:s7+$0xF2E0]  }
0x137: {  	[tilespmem:s7+$0x172A0] =	vst v1;
	v1 =	vld [tilespmem:s7+$0x72E0]  }
0x138: {  	v4 =	vadd.f32 v46, v8  }
0x139: {  	v3 =	vadd.f32 v59, v3  }
0x13a: {  	p0 =	seq.s32 s25, $0xB;
	[tilespmem:s7+$0x17200] =	vst v4;
	v2 =	vadd.f32 v60, v2  }
.Ltmp3:
0x13b: {  	s8 =	sadd.s32 s28, s9;
	[tilespmem:s7+$0x172B0] =	vst v3;
	v3 =	vadd.f32 v62, v61;
	(pc) =	sbr.rel @p0 .LBB2_10-.Ltmp3, $4  }
0x13c: {  	s8 =	sshll.u32 s8, $0x3;
	[tilespmem:s7+$0x172C0] =	vst v2;
	v1 =	vadd.f32 v63, v1  }
0x13d: {  	s8 =	sand.u32 $0x1FFFF800, s8;
	[tilespmem:s7+$0x172D0] =	vst v3  }
0x13e: {  	s14 =	sadd.s32 s2, s8;
	[tilespmem:s7+$0x172E0] =	vst v1  }
0x13f: {  	[hbm4b:s14+s3] =	stream.linear.scatter [tilespmem:s0], [sflag:$0x4], $0x4000, $0x38;
	[tilespmem:$0x1B200] =	vst v63  }
0x140: {  	s7 =	sadd.s32 $0x300, s28  }
0x141: {  	[tilespmem:s22], [sflag:$0x2] =	stream.indirect.gather [hbm4b:s5+s15], $0x40, s7, s15, $0xb8;
	[tilespmem:$0x1B200] =	vst v63  }
0x142: {  	s8 =	sadd.s32 $0x1C00, s28  }
0x143: {  	[tilespmem:s24], [sflag:$0x2] =	stream.indirect.gather [hbm4b:s6+s15], $0x40, s8, s15, $0xb8;
	[tilespmem:$0x1B200] =	vst v63  }
.Ltmp4:
0x144: {  	_ = 	snop;
	(pc) =	sbr.rel .LBB2_4-.Ltmp4, $4  }
0x145: {  	s14 =	sadd.s32 $0x380, s28  }
0x146: {  	[tilespmem:s26], [sflag:$0x2] =	stream.indirect.gather [hbm4b:s5+s15], $0x40, s14, s15, $0xb8;
	[tilespmem:$0x1B200] =	vst v63  }
0x147: {  	s28 =	sadd.s32 $0x1C80, s28;
	s25 =	sadd.s32 $0x1, s25  }
0x148: {  	[tilespmem:s29], [sflag:$0x2] =	stream.indirect.gather [hbm4b:s6+s15], $0x40, s28, s15, $0xb8;
	[tilespmem:$0x1B200] =	vst v63  }
.LBB2_10:
0x149: {  	_ =	swait.ge [sflag:s30], $0x2000  }
0x14a: {  	[sflag:s30] =	ssyncset.done $0x0  }
0x14b: {  	[sflag:s30] =	ssyncadd.s32 $0xFFFFE000  }
0x14c: {  	_ =	swait.ge [sflag:s30], $0x2000  }
0x14d: {  	[sflag:s30] =	ssyncset.done $0x0  }
0x14e: {  	[sflag:s30] =	ssyncadd.s32 $0xFFFFE000  }
0x14f: {  	_ =	swait.ge [sflag:s30], $0x2000  }
0x150: {  	[sflag:s30] =	ssyncset.done $0x0  }
0x151: {  	[sflag:s30] =	ssyncadd.s32 $0xFFFFE000  }
0x152: {  	_ =	swait.ge [sflag:s30], $0x2000  }
0x153: {  	[sflag:s30] =	ssyncset.done $0x0  }
0x154: {  	[sflag:s30] =	ssyncadd.s32 $0xFFFFE000  }
0x155: {  	_ =	swait.ge [sflag:s19], $0x4000  }
0x156: {  	[sflag:s19] =	ssyncset.done $0x0  }
0x157: {  	s14 =	simm.s32 $0x0;
	[sflag:s19] =	ssyncadd.s32 $0xFFFFC000  }
0x158: {  	v1 =	vld [tilespmem:s14+$0x32F0]  }
0x159: {  	v2 =	vld [tilespmem:s14+$0xB2F0]  }
0x15a: {  	v3 =	vld [tilespmem:s14+$0x3200]  }
0x15b: {  	v4 =	vld [tilespmem:s14+$0xB200]  }
0x15c: {  	v5 =	vld [tilespmem:s14+$0x3210]  }
0x15d: {  	v6 =	vld [tilespmem:s14+$0xB210]  }
0x15e: {  	v7 =	vld [tilespmem:s14+$0x3220]  }
0x15f: {  	v8 =	vld [tilespmem:s14+$0x3230]  }
0x160: {  	v1 =	vadd.f32 v2, v1;
	v2 =	vld [tilespmem:s14+$0xB220]  }
0x161: {  	v3 =	vadd.f32 v4, v3;
	v4 =	vld [tilespmem:s14+$0x3240]  }
0x162: {  	[tilespmem:s14+$0x132F0] =	vst v1;
	v1 =	vld [tilespmem:s14+$0xB230]  }
0x163: {  	[tilespmem:s14+$0x13200] =	vst v3;
	v3 =	vadd.f32 v6, v5;
	v5 =	vld [tilespmem:s14+$0xB240]  }
0x164: {  	v6 =	vld [tilespmem:s14+$0xB250]  }
0x165: {  	[tilespmem:s14+$0x13210] =	vst v3;
	v3 =	vld [tilespmem:s14+$0x3250];
	v2 =	vadd.f32 v2, v7  }
0x166: {  	v7 =	vld [tilespmem:s14+$0xB260]  }
0x167: {  	[tilespmem:s14+$0x13220] =	vst v2;
	v1 =	vadd.f32 v1, v8;
	v2 =	vld [tilespmem:s14+$0x3260]  }
0x168: {  	v8 =	vld [tilespmem:s14+$0xB2B0]  }
0x169: {  	[tilespmem:s14+$0x13230] =	vst v1;
	v1 =	vadd.f32 v5, v4;
	v4 =	vld [tilespmem:s14+$0x3270]  }
0x16a: {  	v5 =	vld [tilespmem:s14+$0xB270]  }
0x16b: {  	[tilespmem:s14+$0x13240] =	vst v1;
	v1 =	vadd.f32 v6, v3;
	v3 =	vld [tilespmem:s14+$0x3280]  }
0x16c: {  	v6 =	vld [tilespmem:s14+$0xB280]  }
0x16d: {  	[tilespmem:s14+$0x13250] =	vst v1;
	v1 =	vadd.f32 v7, v2;
	v2 =	vld [tilespmem:s14+$0x3290]  }
0x16e: {  	v7 =	vld [tilespmem:s14+$0xB290]  }
0x16f: {  	[tilespmem:s14+$0x13260] =	vst v1;
	v1 =	vadd.f32 v5, v4;
	v4 =	vld [tilespmem:s14+$0x32A0]  }
0x170: {  	v5 =	vld [tilespmem:s14+$0xB2A0]  }
0x171: {  	[tilespmem:s14+$0x13270] =	vst v1;
	v1 =	vadd.f32 v6, v3;
	v6 =	vld [tilespmem:s14+$0x32B0]  }
0x172: {  	v9 =	vld [tilespmem:s14+$0xB2C0]  }
0x173: {  	[tilespmem:s14+$0x13280] =	vst v1;
	v1 =	vadd.f32 v7, v2;
	v7 =	vld [tilespmem:s14+$0x32C0]  }
0x174: {  	v3 =	vld [tilespmem:s14+$0x32D0]  }
0x175: {  	[tilespmem:s14+$0x13290] =	vst v1;
	v1 =	vadd.f32 v5, v4;
	v4 =	vld [tilespmem:s14+$0xB2D0]  }
0x176: {  	v5 =	vld [tilespmem:s14+$0xB2E0];
	v6 =	vadd.f32 v8, v6  }
0x177: {  	s8 =	simm.s32 $0x100;
	[tilespmem:s14+$0x132A0] =	vst v1;
	v1 =	vld [tilespmem:s14+$0x32E0]  }
0x178: {  	s7 =	simm.s32 $0x800;
	v2 =	vld [tilespmem:s8+$0x32F0];
	[tilespmem:s14+$0x132B0] =	vst v6;
	v6 =	vadd.f32 v9, v7  }
.LBB2_11:
0x179: {  	p0 =	sne.s32 s7, $0xFC00;
	v7 =	vld [tilespmem:s8+$0xB2F0]  }
0x17a: {  	v8 =	vld [tilespmem:s8+$0x3200];
	[tilespmem:s14+$0x132C0] =	vst v6;
	v3 =	vadd.f32 v4, v3  }
0x17b: {  	v4 =	vld [tilespmem:s8+$0xB200]  }
0x17c: {  	v6 =	vld [tilespmem:s8+$0x3210];
	[tilespmem:s14+$0x132D0] =	vst v3;
	v1 =	vadd.f32 v5, v1  }
0x17d: {  	v3 =	vld [tilespmem:s8+$0xB210]  }
0x17e: {  	v5 =	vld [tilespmem:s8+$0x3220];
	v2 =	vadd.f32 v7, v2;
	[tilespmem:s14+$0x132E0] =	vst v1;
	s14 =	smov.u32 s8  }
0x17f: {  	v1 =	vld [tilespmem:s14+$0xB220]  }
0x180: {  	v4 =	vadd.f32 v4, v8;
	v7 =	vld [tilespmem:s14+$0x3230];
	[tilespmem:s14+$0x132F0] =	vst v2  }
0x181: {  	v2 =	vld [tilespmem:s14+$0xB230]  }
0x182: {  	[tilespmem:s14+$0x13200] =	vst v4;
	v3 =	vadd.f32 v3, v6;
	v4 =	vld [tilespmem:s14+$0x3240]  }
0x183: {  	v6 =	vld [tilespmem:s14+$0xB240]  }
0x184: {  	[tilespmem:s14+$0x13210] =	vst v3;
	v1 =	vadd.f32 v1, v5;
	v3 =	vld [tilespmem:s14+$0x3250]  }
0x185: {  	v5 =	vld [tilespmem:s14+$0xB250]  }
0x186: {  	[tilespmem:s14+$0x13220] =	vst v1;
	v1 =	vadd.f32 v2, v7;
	v2 =	vld [tilespmem:s14+$0x3260]  }
0x187: {  	v7 =	vld [tilespmem:s14+$0xB260]  }
0x188: {  	[tilespmem:s14+$0x13230] =	vst v1;
	v1 =	vadd.f32 v6, v4;
	v4 =	vld [tilespmem:s14+$0x3270]  }
0x189: {  	v6 =	vld [tilespmem:s14+$0xB270]  }
0x18a: {  	[tilespmem:s14+$0x13240] =	vst v1;
	v1 =	vadd.f32 v5, v3;
	v3 =	vld [tilespmem:s14+$0x3280]  }
0x18b: {  	v5 =	vld [tilespmem:s14+$0xB280]  }
0x18c: {  	[tilespmem:s14+$0x13250] =	vst v1;
	v1 =	vadd.f32 v7, v2;
	v2 =	vld [tilespmem:s14+$0x3290]  }
0x18d: {  	v7 =	vld [tilespmem:s14+$0xB290]  }
0x18e: {  	[tilespmem:s14+$0x13260] =	vst v1;
	v1 =	vadd.f32 v6, v4;
	v4 =	vld [tilespmem:s14+$0x32A0]  }
0x18f: {  	v6 =	vld [tilespmem:s14+$0xB2A0]  }
0x190: {  	[tilespmem:s14+$0x13270] =	vst v1;
	v1 =	vadd.f32 v5, v3;
	v5 =	vld [tilespmem:s14+$0x32B0]  }
0x191: {  	v8 =	vld [tilespmem:s14+$0xB2B0]  }
0x192: {  	[tilespmem:s14+$0x13280] =	vst v1;
	v1 =	vadd.f32 v7, v2;
	v7 =	vld [tilespmem:s14+$0x32C0]  }
0x193: {  	v9 =	vld [tilespmem:s14+$0xB2C0]  }
.Ltmp5:
0x194: {  	[tilespmem:s14+$0x13290] =	vst v1;
	v1 =	vadd.f32 v6, v4;
	v3 =	vld [tilespmem:s14+$0x32D0];
	(pc) =	sbr.rel @p0 .LBB2_11-.Ltmp5, $4  }
0x195: {  	v4 =	vld [tilespmem:s14+$0xB2D0]  }
0x196: {  	[tilespmem:s14+$0x132A0] =	vst v1;
	v6 =	vadd.f32 v8, v5;
	v1 =	vld [tilespmem:s14+$0x32E0]  }
0x197: {  	s8 =	sshra.s32 s7, $0x2;
	v5 =	vld [tilespmem:s14+$0xB2E0]  }
0x198: {  	s7 =	sadd.s32 $0x400, s7;
	v2 =	vld [tilespmem:s8+$0x32F0];
	[tilespmem:s14+$0x132B0] =	vst v6;
	v6 =	vadd.f32 v9, v7  }
0x199: {  	v7 =	vld [tilespmem:s8+$0xB2F0]  }
0x19a: {  	v8 =	vld [tilespmem:s8+$0x3200];
	[tilespmem:s14+$0x132C0] =	vst v6;
	v3 =	vadd.f32 v4, v3  }
0x19b: {  	v46 =	vld [tilespmem:s8+$0xB200]  }
0x19c: {  	v6 =	vld [tilespmem:s8+$0x3210];
	[tilespmem:s14+$0x132D0] =	vst v3;
	v1 =	vadd.f32 v5, v1  }
0x19d: {  	v3 =	vld [tilespmem:s8+$0xB210]  }
0x19e: {  	v47 =	vld [tilespmem:s8+$0x3220];
	[tilespmem:s14+$0x132E0] =	vst v1  }
0x19f: {  	v1 =	vadd.f32 v7, v2;
	v2 =	vld [tilespmem:s8+$0xB220]  }
0x1a0: {  	v48 =	vld [tilespmem:s8+$0x3230]  }
0x1a1: {  	v49 =	vld [tilespmem:s8+$0x3240]  }
0x1a2: {  	[tilespmem:s8+$0x132F0] =	vst v1;
	v1 =	vld [tilespmem:s8+$0xB230]  }
0x1a3: {  	v50 =	vld [tilespmem:s8+$0xB240]  }
0x1a4: {  	v51 =	vld [tilespmem:s8+$0xB250];
	v3 =	vadd.f32 v3, v6  }
0x1a5: {  	v52 =	vld [tilespmem:s8+$0xB260]  }
0x1a6: {  	[tilespmem:s8+$0x13210] =	vst v3;
	v2 =	vadd.f32 v2, v47;
	v3 =	vld [tilespmem:s8+$0x3250]  }
0x1a7: {  	v53 =	vld [tilespmem:s8+$0x3270];
	v1 =	vadd.f32 v1, v48  }
0x1a8: {  	[tilespmem:s8+$0x13220] =	vst v2;
	v2 =	vld [tilespmem:s8+$0x3260]  }
0x1a9: {  	v54 =	vld [tilespmem:s8+$0xB270];
	[tilespmem:s8+$0x13230] =	vst v1;
	v1 =	vadd.f32 v50, v49  }
0x1aa: {  	v55 =	vld [tilespmem:s8+$0xB280]  }
0x1ab: {  	v56 =	vld [tilespmem:s8+$0xB290];
	[tilespmem:s8+$0x13240] =	vst v1;
	v1 =	vadd.f32 v51, v3  }
0x1ac: {  	v3 =	vld [tilespmem:s8+$0x3280]  }
0x1ad: {  	v57 =	vld [tilespmem:s8+$0x32A0];
	[tilespmem:s8+$0x13250] =	vst v1;
	v1 =	vadd.f32 v52, v2  }
0x1ae: {  	v2 =	vld [tilespmem:s8+$0x3290]  }
0x1af: {  	v58 =	vld [tilespmem:s8+$0xB2A0];
	[tilespmem:s8+$0x13260] =	vst v1;
	v1 =	vadd.f32 v54, v53  }
0x1b0: {  	v59 =	vld [tilespmem:s8+$0xB2B0]  }
0x1b1: {  	v60 =	vld [tilespmem:s8+$0xB2C0];
	[tilespmem:s8+$0x13270] =	vst v1;
	v1 =	vadd.f32 v55, v3  }
0x1b2: {  	v61 =	vld [tilespmem:s8+$0x32D0]  }
0x1b3: {  	v62 =	vld [tilespmem:s8+$0xB2D0];
	[tilespmem:s8+$0x13280] =	vst v1;
	v1 =	vadd.f32 v56, v2  }
0x1b4: {  	v3 =	vld [tilespmem:s8+$0x32B0]  }
0x1b5: {  	v2 =	vld [tilespmem:s8+$0x32C0];
	[tilespmem:s8+$0x13290] =	vst v1;
	v1 =	vadd.f32 v58, v57  }
0x1b6: {  	v63 =	vld [tilespmem:s8+$0xB2E0]  }
0x1b7: {  	[tilespmem:s8+$0x132A0] =	vst v1;
	v1 =	vld [tilespmem:s8+$0x32E0]  }
0x1b8: {  	v4 =	vadd.f32 v46, v8  }
0x1b9: {  	v3 =	vadd.f32 v59, v3  }
0x1ba: {  	[tilespmem:s8+$0x13200] =	vst v4;
	v2 =	vadd.f32 v60, v2  }
0x1bb: {  	[tilespmem:s8+$0x132B0] =	vst v3;
	v3 =	vadd.f32 v62, v61  }
0x1bc: {  	[tilespmem:s8+$0x132C0] =	vst v2;
	v1 =	vadd.f32 v63, v1  }
0x1bd: {  	[tilespmem:s8+$0x132D0] =	vst v3  }
0x1be: {  	s7 =	rddreg [dreg:$0x5];
	s23 =	sadd.s32 $0x1, s23;
	[tilespmem:s8+$0x132E0] =	vst v1  }
0x1bf: {  	[hbm4b:s7+s3] =	stream.linear.scatter [tilespmem:s31], [sflag:$0x3], $0x4000, $0x38;
	[tilespmem:$0x1B200] =	vst v63  }
0x1c0: {  	p0 =	sne.s32 s23, s11;
	_ =	swait.ge [sflag:s21], $0x4000  }
.Ltmp6:
0x1c1: {  	[sflag:s21] =	ssyncset.done $0x0;
	(pc) =	sbr.rel @p0 .LBB2_1-.Ltmp6, $4  }
0x1c2: {  	[sflag:s21] =	ssyncadd.s32 $0xFFFFC000  }
0x1c3: {  	_ =	swait.ge [sflag:s19], $0x4000  }
0x1c4: {  	[sflag:s19] =	ssyncset.done $0x0  }
0x1c5: {  	[sflag:s19] =	ssyncadd.s32 $0xFFFFC000  }
0x1c6: {  	_ =	sfence.sel $0x180000  }
0x1c7: {  	[bflag:$0x0] =	sbarrier.arrive $0xFFFF  }
0x1c8: {  	_ =	strace $0x90000047  }
0x1c9: {  	s0 =	stileid.u32;
	[bflag:$0x2] =	sbarrier.arrive $0xFFFF  }
0x1ca: {  	p0 =	sne.s32 s0, $0x0;
	s0 =	rddreg [dreg:$0x2]  }
0x1cb: {  	s0 =	sadd.s32 @!p0 $0x100000, s0  }
0x1cc: {  	[sflag:s0] =	ssyncadd.tile.s32 @!p0 $0x1;
	_ =	shalt  }
.Lfunc_end2:
_tile_overlayer_lowered:
.L_overlay_start_2:
0x1cd: {  	(tag) =	ssettag $0x2  }
0x1ce: {  	s0 =	rddreg [dreg:$0x0];
	s2 =	stileid.u32  }
0x1cf: {  	s1 =	rddreg [dreg:$0x1];
	p0 =	sne.s32 s2, $0x0  }
0x1d0: {  	s3 =	rddreg [dreg:$0x2];
	[bflag:$0x3] =	sbarrier.arrive $0xFFFF;
	s2 =	simm.s32 @!p0 $0x1C05  }
0x1d1: {  	[timem:s3], [sflag:s2] =	dma.local @!p0 [hbm:s0], s1  }
0x1d2: {  	s0 =	simm.s32 @!p0 $0x5  }
0x1d3: {  	_ =	swait.ge @!p0 [sflag:s0], s1  }
0x1d4: {  	s1 =	ssub.s32 @!p0 $0x0, s1;
	[sflag:s0] =	ssyncset.done @!p0 $0x0  }
0x1d5: {  	[sflag:s0] =	ssyncadd.s32 @!p0 s1  }
0x1d6: {  	[bflag:$0x3] =	sbarrier.arrive $0xFFFF  }
0x1d7: {  	_ =	shalt  }

// kernel: sparse-core-data-format-call.cloned.1.call-start
scs
called_computation_lowered:
.L_overlay_start_0:
0x0: {  	s2 =	sld [smem:$0x3FD9]  }
0x1: {  	s3 =	sld [smem:$0x3FFE];
	_ =	sdelay $0x1  }
0x2: {  	s1 =	srdreg.scid  }
0x3: {  	s0 =	sand.u32 $0x1, s1  }
0x4: {  	s18 =	sshll.u32 s0, $0xA;
	s2 =	sadd.s32 s3, s2  }
0x5: {  	s2 =	sadd.s32 s2, s18  }
0x6: {  	[smem:$0x3FC3] =	sst s2  }
0x7: {  	_ = 	snop  }
0x8: {  	s2 =	sld [smem:$0x3FD0];
	(tm) =	ssettm $0x1  }
0x9: {  	s19 =	sld [smem:$0x3FFB];
	_ =	sdelay $0x3  }
0xa: {  	_ =	strace s19  }
0xb: {  	s3 =	sld [smem:$0x3FFC];
	_ =	sdelay $0x3  }
0xc: {  	_ =	strace s3  }
0xd: {  	s3 =	sld [smem:$0x3FFD];
	_ =	sdelay $0x3  }
0xe: {  	_ =	strace s3  }
0xf: {  	_ =	strace $0x8FFFFFFF  }
0x10: {  	s20 =	sld [smem:$0x3FDB];
	_ =	sdelay $0x1  }
0x11: {  	s4 =	simm.s32 $_scs_section_size  }
0x12: {  	s5 =	simm.s32 $_size__tile_overlayer_lowered;
	s6 =	simm.s32 $_tile_overlayer_lowered  }
0x13: {  	s23 =	simm.s32 $0x1BFF;
	s22 =	sshll.u32 s6, $0x1;
	s3 =	sadd.s32 s4, s20  }
0x14: {  	s7 =	simm.s32 $0x0;
	s21 =	sshll.u32 s5, $0x1;
	s5 =	sadd.s32 s22, s3  }
0x15: {  	[timem:s7], [sflag:s23] =	dma.local [hbm:s5], s21  }
0x16: {  	_ =	swait.ge [sflag:s23], s21  }
0x17: {  	s4 =	ssub.s32 $0x0, s21;
	[sflag:s23] =	ssyncset.done $0x0  }
0x18: {  	[sflag:s23] =	ssyncadd.s32 s4;
	_ =	sdelay $0x1  }
0x19: {  	s24 =	simm.s32 $0x1B8B  }
0x1a: {  	_ =	swait.ge [sflag:s24], $0x1  }
0x1b: {  	[sflag:s24] =	ssyncset.done $0x0  }
0x1c: {  	s26 =	simm.s32 $0x1B8E;
	s25 =	sld [smem:$0x3FFE];
	[sflag:s24] =	ssyncadd.s32 $0xFFFFFFFF  }
0x1d: {  	s27 =	simm.s32 $execute0_lowered;
	[smem:$0x3FD2] =	sst s26  }
0x1e: {  	s5 =	sshll.u32 s27, $0x1;
	_ =	strace $0x80000049;
	[dreg:$0x1] =	wrdreg $0xFFFFFFFF  }
0x1f: {  	s28 =	simm.s32 $_size_execute0_lowered;
	s3 =	sadd.s32 s3, s5;
	[dreg:$0x0] =	wrdreg $0x0  }
0x20: {  	s5 =	sshll.u32 s28, $0x1;
	[dreg:$0x2] =	wrdreg s3  }
0x21: {  	[dreg:$0x3] =	wrdreg s5  }
0x22: {  	[dreg:$0x4] =	wrdreg $0xC0  }
0x23: {  	_ =	task [dreg:s7], $0x5FFFF  }
0x24: {  	[dreg:$0x1] =	wrdreg $0xFFFFFFFF  }
0x25: {  	[dreg:$0x0] =	wrdreg $0x60  }
0x26: {  	[dreg:$0x2] =	wrdreg s25  }
0x27: {  	[dreg:$0x3] =	wrdreg s2  }
0x28: {  	[dreg:$0x4] =	wrdreg $0x9  }
0x29: {  	_ =	task.clear_ibuf [dreg:s7], $0x5FFFF;
	_ =	strace $0x90000049  }
0x2a: {  	s29 =	simm.s32 $0x9;
	_ =	strace $0x8000004B  }
0x2b: {  	_ =	swait.ge [sflag:s29], $0x1  }
0x2c: {  	[sflag:s29] =	ssyncadd.s32 $0xFFFFFFFF  }
0x2d: {  	_ =	strace $0x9000004B  }
0x2e: {  	_ =	sfence  }
0x2f: {  	s30 =	sld [smem:$0x0];
	_ =	sdelay $0x2  }
0x30: {  	s31 =	sshll.u32 s1, $0xD;
	s1 =	sshrl.u32 s1, $0x2  }
0x31: {  	s3 =	sand.u32 $0x4000, s31;
	s1 =	sadd.s32 s1, s30  }
0x32: {  	s0 =	sor.u32 s3, s0;
	s1 =	sshll.u32 s1, $0x11  }
0x33: {  	s0 =	sor.u32 s1, s0  }
0x34: {  	s0 =	sadd.s32 $0x8F2B, s0  }
0x35: {  	[sflag:s0] =	ssyncadd.remote.s32 $0x1  }
0x36: {  	_ =	sfence.sel $0xFFFF  }
0x37: {  	[dreg:$0x0] =	wrdreg $0xFFFFFFFF;
	(pc) =	sbr.abs _section_cstart, $3  }
0x38: {  	[dreg:$0x1] =	wrdreg $0xFFFFFFFF  }
0x39: {  	_ =	task.clear_ibuf [dreg:s7], $0x2FFFF;
	_ =	strace $0x9FFFFFFF  }
0x3a: {  	(tm) =	ssettm $0x7FFFFFFF  }
0x3b: {  	_ =	shalt  }
tec
execute0_lowered:
.L_overlay_start_1:
0x0: {  	(tag) =	ssettag $0x1  }
0x1: {  	s0 =	stileid.u32;
	s6 =	rddreg [dreg:$0x0]  }
0x2: {  	s2 =	rddreg [dreg:$0x1];
	s5 =	srdreg.scid  }
0x3: {  	s31 =	simm.s32 $0x2;
	s13 =	simm.s32 $0x0;
	s1 =	sshll.u32 s0, $0x7  }
0x4: {  	s14 =	simm.s32 $0x0;
	s12 =	simm.s32 $0x0;
	s3 =	sand.u32 $0x380, s1  }
0x5: {  	s5 =	sshll.u32 s5, $0x4;
	s6 =	sadd.s32 $0x1000, s6;
	s4 =	ssub.s32 $0x400, s3  }
0x6: {  	s1 =	rddreg [dreg:$0x2];
	_ =	strace $0x8000004A;
	s7 =	sand.u32 $0x380, s4  }
0x7: {  	s5 =	sand.u32 $0x10, s5;
	p0 =	sne.s32 s7, $0x0;
	s7 =	simm.s32 $0x1  }
.Ltmp0:
0x8: {  	s8 =	sshrl.u32 s4, $0xA;
	s7 =	simm.s32 @!p0 $0x0;
	(pc) =	sbr.rel .LBB1_1-.Ltmp0, $4  }
0x9: {  	s9 =	sor.u32 s0, s5;
	s4 =	simm.s32 $0x1;
	s30 =	sadd.s32 s7, s8  }
0xa: {  	s11 =	smov.u32 s3;
	[sflag:s4] =	ssyncpa.u1 $0x0;
	s5 =	smul.u32 $0x32, s30  }
0xb: {  	[sflag:s31] =	ssyncpa.u1 $0x0;
	p0 =	por $0x0, $0x0;
	s7 =	sshrl.u32 s9, $0x3  }
0xc: {  	s9 =	simm.s32 $0x2000;
	s10 =	smov.u32 s7;
	s8 =	sor.u32 $0x1, s5  }
.LBB1_4:
0xd: {  	s17 =	sand.u32 $0x1F80, s14;
	s13 =	sshll.u32 s13, $0xD  }
0xe: {  	[tilespmem:s16+$0x810 ss:$0x81] =	vst.msk $0xffff, v2;
	s18 =	sshrl.u32 s14, $0x3;
	s31 =	sand.u32 $0x7, s14;
	s17 =	sadd.s32 s2, s17  }
0xf: {  	[tilespmem:s16+$0x1020 ss:$0x81] =	vst.msk $0xffff, v0;
	s18 =	sand.u32 $0xF, s18;
	s14 =	sshll.u32 s31, $0x12;
	s13 =	sadd.s32 s13, s17  }
0x10: {  	[tilespmem:s16+$0x0 ss:$0x81] =	vst.msk $0xffff, v1;
	s14 =	sor.u32 $0x400, s14;
	s13 =	sadd.s32 s18, s13  }
0x11: {  	[hbm4b:s13+s14] =	stream.strided.scatter [tilespmem:s15], [sflag:$0x2], $0x2000, s9, s14, $0x20;
	[tilespmem:$0x8080] =	vst v63  }
.LBB1_5:
0x12: {  	s15 =	sadd.s32 $0x4, s10  }
0x13: {  	s13 =	sadd.s32 $0x400, s11;
	s17 =	smov.u32 s11;
	p2 =	sgt.s32 s15, $0xC7  }
0x14: {  	s17 =	smov.u32 @p2 s13  }
0x15: {  	s15 =	smov.u32 @p2 s7;
	p2 =	sgt.s32 s17, $0x3FF  }
0x16: {  	s17 =	smov.u32 @p2 s3;
	p2 =	sne.s32 s12, s8  }
.Ltmp1:
0x17: {  	p1 =	slt.u32 s12, $0x2;
	(pc) =	sbr.rel @!p2 .LBB1_6-.Ltmp1, $4  }
0x18: {  	s16 =	simm.s32 @!p1 $0x2  }
0x19: {  	s14 =	smov.u32 s11;
	p0 =	por !p0, !p0;
	_ =	swait.ge @!p1 [sflag:s16], $0x2000  }
0x1a: {  	s13 =	smov.u32 s10;
	[sflag:s16] =	ssyncset.done @!p1 $0x0;
	s10 =	smov.u32 s15  }
0x1b: {  	s12 =	sadd.s32 $0x1, s12;
	[sflag:s16] =	ssyncadd.s32 @!p1 $0xFFFFE000;
	s11 =	smov.u32 s17  }
.LBB1_1:
0x1c: {  	p1 =	sge.u32 s12, s5  }
0x1d: {  	s15 =	sand.u32 @!p1 $0x1FFFFFF, s10  }
0x1e: {  	s16 =	smulhi.u32 @!p1 $0x147AE15, s15;
	_ =	sdelay $0x1  }
0x1f: {  	s16 =	smul.u32 @!p1 $0xC8, s16  }
0x20: {  	s17 =	sxor.u32 @!p1 $0xFFFFFFFF, s12;
	s18 =	smul.u32 @!p1 $0xC80, s11  }
0x21: {  	s31 =	sadd.s32 $0xFFFFFFFF, s12;
	s17 =	sshll.u32 @!p1 s17, $0xD;
	s15 =	ssub.s32 @!p1 s15, s16  }
0x22: {  	s16 =	sand.u32 @!p1 $0x2000, s17;
	s17 =	sadd.s32 @!p1 s6, s18;
	s15 =	sshll.u32 @!p1 s15, $0x4  }
0x23: {  	s18 =	simm.s32 @!p1 $0x6400;
	s15 =	sadd.s32 @!p1 s15, s17;
	s17 =	simm.s32 @!p1 $0x40  }
0x24: {  	[tilespmem:s16], [sflag:$0x1] =	stream.strided.gather @!p1 [hbm4b:s15+s17], $0x2000, s18, s17, $0x38;
	[tilespmem:$0x8080] =	vst v63  }
0x25: {  	p1 =	sge.u32 s31, s5  }
.Ltmp2:
0x26: {  	_ = 	snop;
	(pc) =	sbr.rel @p1 .LBB1_5-.Ltmp2, $1  }
0x27: {  	_ =	sdelay $0x3  }
0x28: {  	s15 =	simm.s32 $0x1  }
0x29: {  	_ =	swait.ge [sflag:s4], $0x2000;
	s15 =	simm.s32 @!p0 $0x0  }
0x2a: {  	[sflag:s4] =	ssyncset.done $0x0;
	s16 =	sshll.u32 s15, $0xD  }
0x2b: {  	[sflag:s4] =	ssyncadd.s32 $0xFFFFE000;
	s19 =	sor.u32 $0x20, s16  }
0x2c: {  	s15 =	smul.u32 $0x8100, s15;
	v3 =	vld [tilespmem:s19+$0x10]  }
0x2d: {  	s30 =	sand.u32 $0x1, s12;
	v2 =	vld [tilespmem:s19+$0xFFFFFFF0]  }
0x2e: {  	s16 =	smul.u32 $0x8100, s30;
	s15 =	sshrl.u32 s15, $0x2;
	v0 =	vld [tilespmem:s19+$0x0]  }
0x2f: {  	v1 =	vld [tilespmem:s19+$0xFFFFFFE0];
	s17 =	sor.u32 $0x4000, s15  }
0x30: {  	s31 =	sshrl.u32 s16, $0x2;
	s16 =	sadd.s32 $0x0, s17  }
0x31: {  	s18 =	simm.s32 $0x4;
	s19 =	sadd.s32 $0x40, s19;
	s15 =	sor.u32 $0x4000, s31;
	[tilespmem:s16+$0x1830 ss:$0x81] =	vst.msk $0xffff, v3  }
.LBB1_3:
0x32: {  	v3 =	vld [tilespmem:s19+$0x10];
	p1 =	sne.s32 s18, $0x1FC;
	[tilespmem:s16+$0x810 ss:$0x81] =	vst.msk $0xffff, v2;
	s20 =	smov.u32 s18;
	s18 =	sadd.s32 $0x4, s18  }
.Ltmp3:
0x33: {  	v2 =	vld [tilespmem:s19+$0xFFFFFFF0];
	[tilespmem:s16+$0x1020 ss:$0x81] =	vst.msk $0xffff, v0;
	(pc) =	sbr.rel @p1 .LBB1_3-.Ltmp3, $4  }
0x34: {  	v0 =	vld [tilespmem:s19+$0x0];
	[tilespmem:s16+$0x0 ss:$0x81] =	vst.msk $0xffff, v1  }
0x35: {  	s16 =	sshra.s32 s20, $0x2;
	v1 =	vld [tilespmem:s19+$0xFFFFFFE0]  }
0x36: {  	s16 =	sadd.s32 s16, s17  }
0x37: {  	s19 =	sadd.s32 $0x40, s19;
	[tilespmem:s16+$0x1830 ss:$0x81] =	vst.msk $0xffff, v3  }
.Ltmp4:
0x38: {  	_ = 	snop;
	(pc) =	sbr.rel .LBB1_4-.Ltmp4, $1  }
0x39: {  	_ =	sdelay $0x3  }
.LBB1_6:
0x3a: {  	_ =	sfence.sel $0x180000  }
0x3b: {  	s2 =	simm.s32 $0x1;
	[bflag:$0x0] =	sbarrier.arrive $0xFFFF  }
0x3c: {  	s31 =	simm.s32 $0x2;
	[sflag:s2] =	ssyncpa.u1 $0x1  }
0x3d: {  	[sflag:s31] =	ssyncpa.u1 $0x1  }
0x3e: {  	p0 =	sne.s32 s0, $0x0;
	_ =	strace $0x9000004A  }
0x3f: {  	s0 =	sadd.s32 @!p0 $0x100000, s1;
	[bflag:$0x2] =	sbarrier.arrive $0xFFFF  }
0x40: {  	[sflag:s0] =	ssyncadd.tile.s32 @!p0 $0x1;
	_ =	shalt  }
.Lfunc_end1:
_tile_overlayer_lowered:
.L_overlay_start_2:
0x41: {  	(tag) =	ssettag $0x2  }
0x42: {  	s0 =	rddreg [dreg:$0x0];
	s2 =	stileid.u32  }
0x43: {  	s1 =	rddreg [dreg:$0x1];
	p0 =	sne.s32 s2, $0x0  }
0x44: {  	s3 =	rddreg [dreg:$0x2];
	[bflag:$0x3] =	sbarrier.arrive $0xFFFF;
	s2 =	simm.s32 @!p0 $0x1C01  }
0x45: {  	[timem:s3], [sflag:s2] =	dma.local @!p0 [hbm:s0], s1  }
0x46: {  	s0 =	simm.s32 @!p0 $0x1  }
0x47: {  	_ =	swait.ge @!p0 [sflag:s0], s1  }
0x48: {  	s1 =	ssub.s32 @!p0 $0x0, s1;
	[sflag:s0] =	ssyncset.done @!p0 $0x0  }
0x49: {  	[sflag:s0] =	ssyncadd.s32 @!p0 s1  }
0x4a: {  	[bflag:$0x3] =	sbarrier.arrive $0xFFFF  }
0x4b: {  	_ =	shalt  }

</sc_bundles>
